<compile_context>
chip_gen: v7x
topology: tpu7x:2x2x1
jax: 0.10.2.dev20260603
libtpu: 0.0.44.dev20260713+nightly
codegen_flags: <defaults>
</compile_context>

<pallas_src>
import functools

import jax
import jax.numpy as jnp
from jax import lax
from jax.experimental import pallas as pl
from jax.experimental.pallas import tpu as pltpu
from jax.experimental.pallas import tpu_sc as plsc

_B, _N, _D = 4, 10000, 128
_NP = 10240
_R = _B * _NP
_NW = 32
_PER_W = _R // _NW
_PER_S = _NP // 16
_BLK = 512
_NB = _R // _BLK



def _pre_body(x_ref, wr_ref, br_ref, h_ref):
    h_ref[...] = jnp.dot(x_ref[...], wr_ref[...],
                         preferred_element_type=jnp.float32) + br_ref[...]


def _fused_body(p_ref, s_ref, c_ref, h_ref, wp_ref, wn_ref, bpn_ref,
                wih_ref, bih_ref, whh_ref, bhh_ref, ho_ref):
    h = h_ref[...]
    gi = jnp.dot(h, wih_ref[...],
                 preferred_element_type=jnp.float32) + bih_ref[...]
    inv = 1.0 / jnp.maximum(c_ref[...][:, :1], 1.0)
    summary = (jnp.dot(p_ref[...], wp_ref[...],
                       preferred_element_type=jnp.float32)
               + jnp.dot(s_ref[...] * inv, wn_ref[...],
                         preferred_element_type=jnp.float32)
               + bpn_ref[...])
    gh = jnp.dot(summary, whh_ref[...],
                 preferred_element_type=jnp.float32) + bhh_ref[...]
    r = jax.nn.sigmoid(gi[:, :128] + gh[:, :128])
    z = jax.nn.sigmoid(gi[:, 128:256] + gh[:, 128:256])
    n = jnp.tanh(gi[:, 256:] + r * gh[:, 256:])
    ho_ref[...] = (1.0 - z) * n + z * summary


def _row_spec(width):
    return pl.BlockSpec((_BLK, width), lambda i: (i, 0))


def _whole(shape):
    return pl.BlockSpec(shape, lambda i: tuple(0 for _ in shape))


_H_SHAPE = jax.ShapeDtypeStruct((_R, 128), jnp.float32)


def _stage_pre(xf, wr, br):
    return pl.pallas_call(
        _pre_body,
        grid=(_NB,),
        in_specs=[_row_spec(128), _whole((128, 128)), _whole((1, 128))],
        out_specs=_row_spec(128),
        out_shape=_H_SHAPE,
    )(xf, wr, br)


def _stage_fused(p, s, cnt, h, wp, wn, bpn, wih, bih, whh, bhh):
    return pl.pallas_call(
        _fused_body,
        grid=(_NB,),
        in_specs=[_row_spec(128), _row_spec(128), _row_spec(128),
                  _row_spec(128), _whole((128, 128)), _whole((128, 128)),
                  _whole((1, 128)), _whole((128, 384)), _whole((1, 384)),
                  _whole((128, 384)), _whole((1, 384))],
        out_specs=_row_spec(128),
        out_shape=_H_SHAPE,
    )(p, s, cnt, h, wp, wn, bpn, wih, bih, whh, bhh)



def _route_body(h, gidxf, sidxf, zrow, onerow,
                p_out, s_out, c_out,
                rows_a, rows_b, gidxv, sidxv,
                acc, gsem, wsem, ssem):
    c = lax.axis_index("c")
    s = lax.axis_index("s")
    w = c * 16 + s
    bufs = (rows_a, rows_b)
    pltpu.sync_copy(gidxf.at[pl.ds(w * 16, 16)], gidxv)
    gd = {}
    wd = {}
    gd[0] = pltpu.async_copy(h.at[gidxv.at[0]], bufs[0], gsem)
    for k in range(10):
        b = bufs[k % 2]
        gd[k].wait()
        wd[k] = pltpu.async_copy(
            b, p_out.at[pl.ds(w * _PER_W + k * 128, 128)], wsem)
        if k >= 1:
            wd[k - 1].wait()
        if k < 9:
            gd[k + 1] = pltpu.async_copy(
                h.at[gidxv.at[k + 1]], bufs[(k + 1) % 2], gsem)
    wd[9].wait()
    for tr in range(2):
        t = 2 * c + tr
        pltpu.sync_copy(sidxf.at[pl.ds((t * 16 + s) * 8, 8)], sidxv)
        for use_ones in (False, True):
            pltpu.sync_copy(zrow, acc.at[pl.ds(s * _PER_S, _PER_S)])
            plsc.subcore_barrier()
            if use_ones:
                pltpu.sync_copy(onerow, rows_a)
                sd = [pltpu.async_copy(rows_a, acc.at[sidxv.at[k]], ssem,
                                       add=True)
                      for k in range(5)]
                for d in sd:
                    d.wait()
            else:
                ld = {}
                sd = {}
                ld[0] = pltpu.async_copy(
                    h.at[pl.ds(t * _NP + s * _PER_S, 128)], bufs[0], gsem)
                for k in range(5):
                    b = bufs[k % 2]
                    ld[k].wait()
                    sd[k] = pltpu.async_copy(b, acc.at[sidxv.at[k]], ssem,
                                             add=True)
                    if k >= 1:
                        sd[k - 1].wait()
                    if k < 4:
                        ld[k + 1] = pltpu.async_copy(
                            h.at[pl.ds(t * _NP + s * _PER_S
                                       + (k + 1) * 128, 128)],
                            bufs[(k + 1) % 2], gsem)
                sd[4].wait()
            plsc.subcore_barrier()
            out = c_out if use_ones else s_out
            pltpu.sync_copy(
                acc.at[pl.ds(s * _PER_S, _PER_S)],
                out.at[pl.ds(t * _NP + s * _PER_S, _PER_S)])


@functools.lru_cache(maxsize=None)
def _get_route():
    mesh = plsc.VectorSubcoreMesh(core_axis_name="c", subcore_axis_name="s")
    outs = [jax.ShapeDtypeStruct((_R, 128), jnp.float32),
            jax.ShapeDtypeStruct((_R, 128), jnp.float32),
            jax.ShapeDtypeStruct((_R, 128), jnp.float32)]
    scratch = [pltpu.VMEM((128, 128), jnp.float32),
               pltpu.VMEM((128, 128), jnp.float32),
               pltpu.VMEM((16, 128), jnp.int32),
               pltpu.VMEM((8, 128), jnp.int32),
               pltpu.VMEM_SHARED((_NP, 128), jnp.float32),
               pltpu.SemaphoreType.DMA,
               pltpu.SemaphoreType.DMA,
               pltpu.SemaphoreType.DMA]
    return pl.kernel(_route_body, out_type=outs, scratch_types=scratch,
                     mesh=mesh)



def kernel(nodeInfosTensor, parent_index, W_resize, b_resize, W_parent,
           b_parent, W_nbr, b_nbr, W_ih, W_hh, b_ih, b_hh):
    pidx = parent_index.astype(jnp.int32)
    xf = jnp.pad(nodeInfosTensor,
                 ((0, 0), (0, _NP - _N), (0, 0))).reshape(_R, _D)
    sidxf = jnp.pad(
        jnp.pad(pidx, ((0, 0), (0, _NP - _N)),
                constant_values=_N).reshape(_B * 16, 5, 128),
        ((0, 0), (0, 3), (0, 0)), constant_values=_N).reshape(_B * 16 * 8, 128)
    gidxf = jnp.pad(
        (jnp.pad(pidx, ((0, 0), (0, _NP - _N)))
         + (jnp.arange(_B, dtype=jnp.int32) * _NP)[:, None]
         ).reshape(_NW, 10, 128),
        ((0, 0), (0, 6), (0, 0))).reshape(_NW * 16, 128)
    bpn = (b_parent + b_nbr).reshape(1, 128)
    wih = W_ih.T
    bih = b_ih.reshape(1, 384)
    whh = W_hh.T
    bhh = b_hh.reshape(1, 384)
    br = b_resize.reshape(1, 128)
    zrow = jnp.zeros((_PER_S, 128), jnp.float32)
    onerow = jnp.ones((128, 128), jnp.float32)

    route = _get_route()

    def depth_body(h, _):
        p, sseg, cnt = route(h, gidxf, sidxf, zrow, onerow)
        h = _stage_fused(p, sseg, cnt, h, W_parent, W_nbr, bpn,
                         wih, bih, whh, bhh)
        return h, None

    h0 = _stage_pre(xf, W_resize, br)
    h, _ = lax.scan(depth_body, h0, None, length=3)
    return h.reshape(_B, _NP, _D)[:, :_N, :]

# --- scband reference (transcript-rebuilt; emitter-appended) ---
"""Pipeline reference for scband-node-info-propagator-38525856645684 (READ-ONLY COPY).

The authoritative reference and input builder live on the scoring server;
editing this copy changes nothing except your own understanding.
"""

import jax, jax.numpy as jnp
import numpy as np

B, N, D_IN, D_PROP, DEPTH = 4, 10000, 128, 128, 3


def setup_inputs(seed: int = 0) -> dict:
    key = jax.random.key(seed)
    ks = jax.random.split(key, 12)
    s_in = 1.0 / np.sqrt(D_IN)
    s_pr = 1.0 / np.sqrt(D_PROP)
    return {
        "nodeInfosTensor": jax.random.normal(ks[0], (B, N, D_IN), dtype=jnp.float32),
        "parent_index": jax.random.randint(ks[1], (B, N), 0, N, dtype=jnp.int32).astype(jnp.int64),
        "W_resize": jax.random.uniform(ks[2], (D_IN, D_PROP), jnp.float32, -s_in, s_in),
        "b_resize": jax.random.uniform(ks[3], (D_PROP,), jnp.float32, -s_in, s_in),
        "W_parent": jax.random.uniform(ks[4], (D_PROP, D_PROP), jnp.float32, -s_pr, s_pr),
        "b_parent": jax.random.uniform(ks[5], (D_PROP,), jnp.float32, -s_pr, s_pr),
        "W_nbr": jax.random.uniform(ks[6], (D_PROP, D_PROP), jnp.float32, -s_pr, s_pr),
        "b_nbr": jax.random.uniform(ks[7], (D_PROP,), jnp.float32, -s_pr, s_pr),
        "W_ih": jax.random.uniform(ks[8], (3 * D_PROP, D_PROP), jnp.float32, -s_pr, s_pr),
        "W_hh": jax.random.uniform(ks[9], (3 * D_PROP, D_PROP), jnp.float32, -s_pr, s_pr),
        "b_ih": jax.random.uniform(ks[10], (3 * D_PROP,), jnp.float32, -s_pr, s_pr),
        "b_hh": jax.random.uniform(ks[11], (3 * D_PROP,), jnp.float32, -s_pr, s_pr),
    }


def _gru_cell(x, h, W_ih, W_hh, b_ih, b_hh):
    # torch.nn.GRUCell semantics: x is input, h is hidden state
    gi = x @ W_ih.T + b_ih
    gh = h @ W_hh.T + b_hh
    i_r, i_z, i_n = jnp.split(gi, 3, axis=-1)
    h_r, h_z, h_n = jnp.split(gh, 3, axis=-1)
    r = jax.nn.sigmoid(i_r + h_r)
    z = jax.nn.sigmoid(i_z + h_z)
    n = jnp.tanh(i_n + r * h_n)
    return (1.0 - z) * n + z * h


def reference(nodeInfosTensor, parent_index, W_resize, b_resize, W_parent, b_parent, W_nbr, b_nbr, W_ih, W_hh, b_ih, b_hh):
    # Tree structure is tensorized: parent_index[t, n] is the parent of node n in tree t.
    # childIndices of node n are exactly {c : parent_index[t, c] == n}.
    pidx = parent_index.astype(jnp.int32)
    h = nodeInfosTensor @ W_resize + b_resize  # resizeInput
    for _ in range(DEPTH):
        # parentInfosToPropagate[t, n] = h[t, parent[n]]  (gather)
        parent_info = jnp.take_along_axis(h, jnp.broadcast_to(pidx[:, :, None].astype(jnp.int32), h.shape), axis=1)
        # neighborInfosToPropagate[t, n] = mean over children c of h[t, c]  (scatter-add + count)
        sums = jax.vmap(lambda p, v: jax.ops.segment_sum(v, p, num_segments=N))(pidx, h)
        counts = jax.vmap(lambda p: jnp.bincount(p, length=N))(pidx)
        nbr = sums / jnp.maximum(counts, 1).astype(h.dtype)[:, :, None]
        summary = (parent_info @ W_parent + b_parent) + (nbr @ W_nbr + b_nbr)
        h = _gru_cell(h, summary, W_ih, W_hh, b_ih, b_hh)
    return h

if __name__ == "__main__":
    import jax
    _d = setup_inputs()
    print(jax.jit(kernel)(*tuple(_d.values())))

</pallas_src>

<mosaic_0001>
#map = affine_map<(d0, d1) -> (0, 0)>
module attributes {stable_mosaic.version = 14 : i64} {
  func.func @_route_body(%arg0: i32, %arg1: i32, %arg2: memref<40960x128xf32, #tpu.memory_space<hbm>>, %arg3: memref<512x128xi32, #tpu.memory_space<hbm>>, %arg4: memref<512x128xi32, #tpu.memory_space<hbm>>, %arg5: memref<640x128xf32, #tpu.memory_space<hbm>>, %arg6: memref<128x128xf32, #tpu.memory_space<hbm>>, %arg7: memref<40960x128xf32, #tpu.memory_space<hbm>>, %arg8: memref<40960x128xf32, #tpu.memory_space<hbm>>, %arg9: memref<40960x128xf32, #tpu.memory_space<hbm>>, %arg10: memref<128x128xf32, #tpu.memory_space<vmem>>, %arg11: memref<128x128xf32, #tpu.memory_space<vmem>>, %arg12: memref<16x128xi32, #tpu.memory_space<vmem>>, %arg13: memref<8x128xi32, #tpu.memory_space<vmem>>, %arg14: memref<10240x128xf32, #tpu.memory_space<vmem_shared>>, %arg15: memref<!tpu.dma_semaphore, #tpu.memory_space<semaphore_mem>>, %arg16: memref<!tpu.dma_semaphore, #tpu.memory_space<semaphore_mem>>, %arg17: memref<!tpu.dma_semaphore, #tpu.memory_space<semaphore_mem>>) attributes {dimension_semantics = [#tpu.dimension_semantics<core_parallel>, #tpu.dimension_semantics<subcore_parallel>], iteration_bounds = array<i64: 2, 16>, scalar_prefetch = 0 : i64, scratch_operands = 8 : i64, tpu.core_type = #tpu.core_type<sc_vector_subcore>, window_params = [{transform_indices = #map}, {transform_indices = #map}, {transform_indices = #map}, {transform_indices = #map}, {transform_indices = #map}, {transform_indices = #map}, {transform_indices = #map}, {transform_indices = #map}]} {
    %mul3A = arith.constant 16 : i32
    %mul3A_0 = arith.muli %arg0, %mul3A : i32
    %add3A = arith.addi %mul3A_0, %arg1 : i32
    %mul3A_1 = arith.constant 16 : i32
    %mul3A_2 = arith.muli %add3A, %mul3A_1 : i32
    "tpu.region"() ({
      %run_scoped3A = tpu.sem_alloc : memref<!tpu.dma_semaphore, #tpu.memory_space<semaphore_mem>>
      %dma_start3A_748 = arith.constant 0 : i32
      %dma_start3A_749 = tpu.memref_slice %arg3[%mul3A_2, %dma_start3A_748] : memref<512x128xi32, #tpu.memory_space<hbm>> -> memref<16x128xi32, #tpu.memory_space<hbm>>
      %dma_start3A_750 = arith.constant 0 : i32
      %dma_start3A_751 = tpu.memref_slice %arg3[%mul3A_2, %dma_start3A_750] : memref<512x128xi32, #tpu.memory_space<hbm>> -> memref<16x128xi32, #tpu.memory_space<hbm>>
      tpu.enqueue_dma source(%dma_start3A_751 : memref<16x128xi32, #tpu.memory_space<hbm>>) target(%arg12 : memref<16x128xi32, #tpu.memory_space<vmem>>) target_semaphore(%run_scoped3A : memref<!tpu.dma_semaphore, #tpu.memory_space<semaphore_mem>>)
      %dma_wait3A_752 = arith.constant 0 : i32
      %dma_wait3A_753 = tpu.memref_slice %arg3[%mul3A_2, %dma_wait3A_752] : memref<512x128xi32, #tpu.memory_space<hbm>> -> memref<16x128xi32, #tpu.memory_space<hbm>>
      %dma_wait3A_754 = arith.constant 0 : i32
      %dma_wait3A_755 = tpu.memref_slice %arg3[%mul3A_2, %dma_wait3A_754] : memref<512x128xi32, #tpu.memory_space<hbm>> -> memref<16x128xi32, #tpu.memory_space<hbm>>
      tpu.wait_dma2 semaphore(%run_scoped3A : memref<!tpu.dma_semaphore, #tpu.memory_space<semaphore_mem>>) src(%dma_wait3A_755 : memref<16x128xi32, #tpu.memory_space<hbm>>) dst(%arg12 : memref<16x128xi32, #tpu.memory_space<vmem>>)
      tpu.yield
    }) : () -> ()
    %dma_start3A = arith.constant 0 : i32
    %dma_start3A_3 = arith.constant 0 : i32
    %dma_start3A_4 = tpu.memref_slice %arg12[%dma_start3A, %dma_start3A_3] : memref<16x128xi32, #tpu.memory_space<vmem>> -> memref<1x128xi32, #tpu.memory_space<vmem>>
    %dma_start3A_5 = tpu.memref_squeeze %dma_start3A_4 : memref<1x128xi32, #tpu.memory_space<vmem>> -> memref<128xi32, #tpu.memory_space<vmem>>
    %dma_start3A_6 = arith.constant 0 : i32
    %dma_start3A_7 = arith.constant 0 : i32
    %dma_start3A_8 = tpu.memref_slice %arg2[%dma_start3A_6, %dma_start3A_7] : memref<40960x128xf32, #tpu.memory_space<hbm>> -> memref<40960x128xf32, #tpu.memory_space<hbm>>
    tpu.enqueue_indirect_dma source(%dma_start3A_8 : memref<40960x128xf32, #tpu.memory_space<hbm>>) target(%arg10 : memref<128x128xf32, #tpu.memory_space<vmem>>) offsets(%dma_start3A_5 : memref<128xi32, #tpu.memory_space<vmem>>) semaphore(%arg15 : memref<!tpu.dma_semaphore, #tpu.memory_space<semaphore_mem>>)
    %dma_wait3A = arith.constant 0 : i32
    %dma_wait3A_9 = arith.constant 0 : i32
    %dma_wait3A_10 = tpu.memref_slice %arg12[%dma_wait3A, %dma_wait3A_9] : memref<16x128xi32, #tpu.memory_space<vmem>> -> memref<1x128xi32, #tpu.memory_space<vmem>>
    %dma_wait3A_11 = tpu.memref_squeeze %dma_wait3A_10 : memref<1x128xi32, #tpu.memory_space<vmem>> -> memref<128xi32, #tpu.memory_space<vmem>>
    %dma_wait3A_12 = arith.constant 0 : i32
    %dma_wait3A_13 = arith.constant 0 : i32
    %dma_wait3A_14 = tpu.memref_slice %arg2[%dma_wait3A_12, %dma_wait3A_13] : memref<40960x128xf32, #tpu.memory_space<hbm>> -> memref<40960x128xf32, #tpu.memory_space<hbm>>
    tpu.wait_indirect_dma semaphore(%arg15 : memref<!tpu.dma_semaphore, #tpu.memory_space<semaphore_mem>>) src(%dma_wait3A_14 : memref<40960x128xf32, #tpu.memory_space<hbm>>) dst(%arg10 : memref<128x128xf32, #tpu.memory_space<vmem>>)
    %mul3A_15 = arith.constant 1280 : i32
    %mul3A_16 = arith.muli %add3A, %mul3A_15 : i32
    %add3A_17 = arith.constant 0 : i32
    %add3A_18 = arith.addi %mul3A_16, %add3A_17 : i32
    %dma_start3A_19 = arith.constant 0 : i32
    %dma_start3A_20 = tpu.memref_slice %arg7[%add3A_18, %dma_start3A_19] : memref<40960x128xf32, #tpu.memory_space<hbm>> -> memref<128x128xf32, #tpu.memory_space<hbm>>
    %dma_start3A_21 = arith.constant 0 : i32
    %dma_start3A_22 = tpu.memref_slice %arg7[%add3A_18, %dma_start3A_21] : memref<40960x128xf32, #tpu.memory_space<hbm>> -> memref<128x128xf32, #tpu.memory_space<hbm>>
    tpu.enqueue_dma source(%arg10 : memref<128x128xf32, #tpu.memory_space<vmem>>) target(%dma_start3A_22 : memref<128x128xf32, #tpu.memory_space<hbm>>) target_semaphore(%arg16 : memref<!tpu.dma_semaphore, #tpu.memory_space<semaphore_mem>>)
    %dma_start3A_23 = arith.constant 1 : i32
    %dma_start3A_24 = arith.constant 0 : i32
    %dma_start3A_25 = tpu.memref_slice %arg12[%dma_start3A_23, %dma_start3A_24] : memref<16x128xi32, #tpu.memory_space<vmem>> -> memref<1x128xi32, #tpu.memory_space<vmem>>
    %dma_start3A_26 = tpu.memref_squeeze %dma_start3A_25 : memref<1x128xi32, #tpu.memory_space<vmem>> -> memref<128xi32, #tpu.memory_space<vmem>>
    %dma_start3A_27 = arith.constant 0 : i32
    %dma_start3A_28 = arith.constant 0 : i32
    %dma_start3A_29 = tpu.memref_slice %arg2[%dma_start3A_27, %dma_start3A_28] : memref<40960x128xf32, #tpu.memory_space<hbm>> -> memref<40960x128xf32, #tpu.memory_space<hbm>>
    tpu.enqueue_indirect_dma source(%dma_start3A_29 : memref<40960x128xf32, #tpu.memory_space<hbm>>) target(%arg11 : memref<128x128xf32, #tpu.memory_space<vmem>>) offsets(%dma_start3A_26 : memref<128xi32, #tpu.memory_space<vmem>>) semaphore(%arg15 : memref<!tpu.dma_semaphore, #tpu.memory_space<semaphore_mem>>)
    %dma_wait3A_30 = arith.constant 1 : i32
    %dma_wait3A_31 = arith.constant 0 : i32
    %dma_wait3A_32 = tpu.memref_slice %arg12[%dma_wait3A_30, %dma_wait3A_31] : memref<16x128xi32, #tpu.memory_space<vmem>> -> memref<1x128xi32, #tpu.memory_space<vmem>>
    %dma_wait3A_33 = tpu.memref_squeeze %dma_wait3A_32 : memref<1x128xi32, #tpu.memory_space<vmem>> -> memref<128xi32, #tpu.memory_space<vmem>>
    %dma_wait3A_34 = arith.constant 0 : i32
    %dma_wait3A_35 = arith.constant 0 : i32
    %dma_wait3A_36 = tpu.memref_slice %arg2[%dma_wait3A_34, %dma_wait3A_35] : memref<40960x128xf32, #tpu.memory_space<hbm>> -> memref<40960x128xf32, #tpu.memory_space<hbm>>
    tpu.wait_indirect_dma semaphore(%arg15 : memref<!tpu.dma_semaphore, #tpu.memory_space<semaphore_mem>>) src(%dma_wait3A_36 : memref<40960x128xf32, #tpu.memory_space<hbm>>) dst(%arg11 : memref<128x128xf32, #tpu.memory_space<vmem>>)
    %mul3A_37 = arith.constant 1280 : i32
    %mul3A_38 = arith.muli %add3A, %mul3A_37 : i32
    %add3A_39 = arith.constant 128 : i32
    %add3A_40 = arith.addi %mul3A_38, %add3A_39 : i32
    %dma_start3A_41 = arith.constant 0 : i32
    %dma_start3A_42 = tpu.memref_slice %arg7[%add3A_40, %dma_start3A_41] : memref<40960x128xf32, #tpu.memory_space<hbm>> -> memref<128x128xf32, #tpu.memory_space<hbm>>
    %dma_start3A_43 = arith.constant 0 : i32
    %dma_start3A_44 = tpu.memref_slice %arg7[%add3A_40, %dma_start3A_43] : memref<40960x128xf32, #tpu.memory_space<hbm>> -> memref<128x128xf32, #tpu.memory_space<hbm>>
    tpu.enqueue_dma source(%arg11 : memref<128x128xf32, #tpu.memory_space<vmem>>) target(%dma_start3A_44 : memref<128x128xf32, #tpu.memory_space<hbm>>) target_semaphore(%arg16 : memref<!tpu.dma_semaphore, #tpu.memory_space<semaphore_mem>>)
    %dma_wait3A_45 = arith.constant 0 : i32
    %dma_wait3A_46 = tpu.memref_slice %arg7[%add3A_18, %dma_wait3A_45] : memref<40960x128xf32, #tpu.memory_space<hbm>> -> memref<128x128xf32, #tpu.memory_space<hbm>>
    %dma_wait3A_47 = arith.constant 0 : i32
    %dma_wait3A_48 = tpu.memref_slice %arg7[%add3A_18, %dma_wait3A_47] : memref<40960x128xf32, #tpu.memory_space<hbm>> -> memref<128x128xf32, #tpu.memory_space<hbm>>
    tpu.wait_dma2 semaphore(%arg16 : memref<!tpu.dma_semaphore, #tpu.memory_space<semaphore_mem>>) src(%arg10 : memref<128x128xf32, #tpu.memory_space<vmem>>) dst(%dma_wait3A_48 : memref<128x128xf32, #tpu.memory_space<hbm>>)
    %dma_start3A_49 = arith.constant 2 : i32
    %dma_start3A_50 = arith.constant 0 : i32
    %dma_start3A_51 = tpu.memref_slice %arg12[%dma_start3A_49, %dma_start3A_50] : memref<16x128xi32, #tpu.memory_space<vmem>> -> memref<1x128xi32, #tpu.memory_space<vmem>>
    %dma_start3A_52 = tpu.memref_squeeze %dma_start3A_51 : memref<1x128xi32, #tpu.memory_space<vmem>> -> memref<128xi32, #tpu.memory_space<vmem>>
    %dma_start3A_53 = arith.constant 0 : i32
    %dma_start3A_54 = arith.constant 0 : i32
    %dma_start3A_55 = tpu.memref_slice %arg2[%dma_start3A_53, %dma_start3A_54] : memref<40960x128xf32, #tpu.memory_space<hbm>> -> memref<40960x128xf32, #tpu.memory_space<hbm>>
    tpu.enqueue_indirect_dma source(%dma_start3A_55 : memref<40960x128xf32, #tpu.memory_space<hbm>>) target(%arg10 : memref<128x128xf32, #tpu.memory_space<vmem>>) offsets(%dma_start3A_52 : memref<128xi32, #tpu.memory_space<vmem>>) semaphore(%arg15 : memref<!tpu.dma_semaphore, #tpu.memory_space<semaphore_mem>>)
    %dma_wait3A_56 = arith.constant 2 : i32
    %dma_wait3A_57 = arith.constant 0 : i32
    %dma_wait3A_58 = tpu.memref_slice %arg12[%dma_wait3A_56, %dma_wait3A_57] : memref<16x128xi32, #tpu.memory_space<vmem>> -> memref<1x128xi32, #tpu.memory_space<vmem>>
    %dma_wait3A_59 = tpu.memref_squeeze %dma_wait3A_58 : memref<1x128xi32, #tpu.memory_space<vmem>> -> memref<128xi32, #tpu.memory_space<vmem>>
    %dma_wait3A_60 = arith.constant 0 : i32
    %dma_wait3A_61 = arith.constant 0 : i32
    %dma_wait3A_62 = tpu.memref_slice %arg2[%dma_wait3A_60, %dma_wait3A_61] : memref<40960x128xf32, #tpu.memory_space<hbm>> -> memref<40960x128xf32, #tpu.memory_space<hbm>>
    tpu.wait_indirect_dma semaphore(%arg15 : memref<!tpu.dma_semaphore, #tpu.memory_space<semaphore_mem>>) src(%dma_wait3A_62 : memref<40960x128xf32, #tpu.memory_space<hbm>>) dst(%arg10 : memref<128x128xf32, #tpu.memory_space<vmem>>)
    %mul3A_63 = arith.constant 1280 : i32
    %mul3A_64 = arith.muli %add3A, %mul3A_63 : i32
    %add3A_65 = arith.constant 256 : i32
    %add3A_66 = arith.addi %mul3A_64, %add3A_65 : i32
    %dma_start3A_67 = arith.constant 0 : i32
    %dma_start3A_68 = tpu.memref_slice %arg7[%add3A_66, %dma_start3A_67] : memref<40960x128xf32, #tpu.memory_space<hbm>> -> memref<128x128xf32, #tpu.memory_space<hbm>>
    %dma_start3A_69 = arith.constant 0 : i32
    %dma_start3A_70 = tpu.memref_slice %arg7[%add3A_66, %dma_start3A_69] : memref<40960x128xf32, #tpu.memory_space<hbm>> -> memref<128x128xf32, #tpu.memory_space<hbm>>
    tpu.enqueue_dma source(%arg10 : memref<128x128xf32, #tpu.memory_space<vmem>>) target(%dma_start3A_70 : memref<128x128xf32, #tpu.memory_space<hbm>>) target_semaphore(%arg16 : memref<!tpu.dma_semaphore, #tpu.memory_space<semaphore_mem>>)
    %dma_wait3A_71 = arith.constant 0 : i32
    %dma_wait3A_72 = tpu.memref_slice %arg7[%add3A_40, %dma_wait3A_71] : memref<40960x128xf32, #tpu.memory_space<hbm>> -> memref<128x128xf32, #tpu.memory_space<hbm>>
    %dma_wait3A_73 = arith.constant 0 : i32
    %dma_wait3A_74 = tpu.memref_slice %arg7[%add3A_40, %dma_wait3A_73] : memref<40960x128xf32, #tpu.memory_space<hbm>> -> memref<128x128xf32, #tpu.memory_space<hbm>>
    tpu.wait_dma2 semaphore(%arg16 : memref<!tpu.dma_semaphore, #tpu.memory_space<semaphore_mem>>) src(%arg11 : memref<128x128xf32, #tpu.memory_space<vmem>>) dst(%dma_wait3A_74 : memref<128x128xf32, #tpu.memory_space<hbm>>)
    %dma_start3A_75 = arith.constant 3 : i32
    %dma_start3A_76 = arith.constant 0 : i32
    %dma_start3A_77 = tpu.memref_slice %arg12[%dma_start3A_75, %dma_start3A_76] : memref<16x128xi32, #tpu.memory_space<vmem>> -> memref<1x128xi32, #tpu.memory_space<vmem>>
    %dma_start3A_78 = tpu.memref_squeeze %dma_start3A_77 : memref<1x128xi32, #tpu.memory_space<vmem>> -> memref<128xi32, #tpu.memory_space<vmem>>
    %dma_start3A_79 = arith.constant 0 : i32
    %dma_start3A_80 = arith.constant 0 : i32
    %dma_start3A_81 = tpu.memref_slice %arg2[%dma_start3A_79, %dma_start3A_80] : memref<40960x128xf32, #tpu.memory_space<hbm>> -> memref<40960x128xf32, #tpu.memory_space<hbm>>
    tpu.enqueue_indirect_dma source(%dma_start3A_81 : memref<40960x128xf32, #tpu.memory_space<hbm>>) target(%arg11 : memref<128x128xf32, #tpu.memory_space<vmem>>) offsets(%dma_start3A_78 : memref<128xi32, #tpu.memory_space<vmem>>) semaphore(%arg15 : memref<!tpu.dma_semaphore, #tpu.memory_space<semaphore_mem>>)
    %dma_wait3A_82 = arith.constant 3 : i32
    %dma_wait3A_83 = arith.constant 0 : i32
    %dma_wait3A_84 = tpu.memref_slice %arg12[%dma_wait3A_82, %dma_wait3A_83] : memref<16x128xi32, #tpu.memory_space<vmem>> -> memref<1x128xi32, #tpu.memory_space<vmem>>
    %dma_wait3A_85 = tpu.memref_squeeze %dma_wait3A_84 : memref<1x128xi32, #tpu.memory_space<vmem>> -> memref<128xi32, #tpu.memory_space<vmem>>
    %dma_wait3A_86 = arith.constant 0 : i32
    %dma_wait3A_87 = arith.constant 0 : i32
    %dma_wait3A_88 = tpu.memref_slice %arg2[%dma_wait3A_86, %dma_wait3A_87] : memref<40960x128xf32, #tpu.memory_space<hbm>> -> memref<40960x128xf32, #tpu.memory_space<hbm>>
    tpu.wait_indirect_dma semaphore(%arg15 : memref<!tpu.dma_semaphore, #tpu.memory_space<semaphore_mem>>) src(%dma_wait3A_88 : memref<40960x128xf32, #tpu.memory_space<hbm>>) dst(%arg11 : memref<128x128xf32, #tpu.memory_space<vmem>>)
    %mul3A_89 = arith.constant 1280 : i32
    %mul3A_90 = arith.muli %add3A, %mul3A_89 : i32
    %add3A_91 = arith.constant 384 : i32
    %add3A_92 = arith.addi %mul3A_90, %add3A_91 : i32
    %dma_start3A_93 = arith.constant 0 : i32
    %dma_start3A_94 = tpu.memref_slice %arg7[%add3A_92, %dma_start3A_93] : memref<40960x128xf32, #tpu.memory_space<hbm>> -> memref<128x128xf32, #tpu.memory_space<hbm>>
    %dma_start3A_95 = arith.constant 0 : i32
    %dma_start3A_96 = tpu.memref_slice %arg7[%add3A_92, %dma_start3A_95] : memref<40960x128xf32, #tpu.memory_space<hbm>> -> memref<128x128xf32, #tpu.memory_space<hbm>>
    tpu.enqueue_dma source(%arg11 : memref<128x128xf32, #tpu.memory_space<vmem>>) target(%dma_start3A_96 : memref<128x128xf32, #tpu.memory_space<hbm>>) target_semaphore(%arg16 : memref<!tpu.dma_semaphore, #tpu.memory_space<semaphore_mem>>)
    %dma_wait3A_97 = arith.constant 0 : i32
    %dma_wait3A_98 = tpu.memref_slice %arg7[%add3A_66, %dma_wait3A_97] : memref<40960x128xf32, #tpu.memory_space<hbm>> -> memref<128x128xf32, #tpu.memory_space<hbm>>
    %dma_wait3A_99 = arith.constant 0 : i32
    %dma_wait3A_100 = tpu.memref_slice %arg7[%add3A_66, %dma_wait3A_99] : memref<40960x128xf32, #tpu.memory_space<hbm>> -> memref<128x128xf32, #tpu.memory_space<hbm>>
    tpu.wait_dma2 semaphore(%arg16 : memref<!tpu.dma_semaphore, #tpu.memory_space<semaphore_mem>>) src(%arg10 : memref<128x128xf32, #tpu.memory_space<vmem>>) dst(%dma_wait3A_100 : memref<128x128xf32, #tpu.memory_space<hbm>>)
    %dma_start3A_101 = arith.constant 4 : i32
    %dma_start3A_102 = arith.constant 0 : i32
    %dma_start3A_103 = tpu.memref_slice %arg12[%dma_start3A_101, %dma_start3A_102] : memref<16x128xi32, #tpu.memory_space<vmem>> -> memref<1x128xi32, #tpu.memory_space<vmem>>
    %dma_start3A_104 = tpu.memref_squeeze %dma_start3A_103 : memref<1x128xi32, #tpu.memory_space<vmem>> -> memref<128xi32, #tpu.memory_space<vmem>>
    %dma_start3A_105 = arith.constant 0 : i32
    %dma_start3A_106 = arith.constant 0 : i32
    %dma_start3A_107 = tpu.memref_slice %arg2[%dma_start3A_105, %dma_start3A_106] : memref<40960x128xf32, #tpu.memory_space<hbm>> -> memref<40960x128xf32, #tpu.memory_space<hbm>>
    tpu.enqueue_indirect_dma source(%dma_start3A_107 : memref<40960x128xf32, #tpu.memory_space<hbm>>) target(%arg10 : memref<128x128xf32, #tpu.memory_space<vmem>>) offsets(%dma_start3A_104 : memref<128xi32, #tpu.memory_space<vmem>>) semaphore(%arg15 : memref<!tpu.dma_semaphore, #tpu.memory_space<semaphore_mem>>)
    %dma_wait3A_108 = arith.constant 4 : i32
    %dma_wait3A_109 = arith.constant 0 : i32
    %dma_wait3A_110 = tpu.memref_slice %arg12[%dma_wait3A_108, %dma_wait3A_109] : memref<16x128xi32, #tpu.memory_space<vmem>> -> memref<1x128xi32, #tpu.memory_space<vmem>>
    %dma_wait3A_111 = tpu.memref_squeeze %dma_wait3A_110 : memref<1x128xi32, #tpu.memory_space<vmem>> -> memref<128xi32, #tpu.memory_space<vmem>>
    %dma_wait3A_112 = arith.constant 0 : i32
    %dma_wait3A_113 = arith.constant 0 : i32
    %dma_wait3A_114 = tpu.memref_slice %arg2[%dma_wait3A_112, %dma_wait3A_113] : memref<40960x128xf32, #tpu.memory_space<hbm>> -> memref<40960x128xf32, #tpu.memory_space<hbm>>
    tpu.wait_indirect_dma semaphore(%arg15 : memref<!tpu.dma_semaphore, #tpu.memory_space<semaphore_mem>>) src(%dma_wait3A_114 : memref<40960x128xf32, #tpu.memory_space<hbm>>) dst(%arg10 : memref<128x128xf32, #tpu.memory_space<vmem>>)
    %mul3A_115 = arith.constant 1280 : i32
    %mul3A_116 = arith.muli %add3A, %mul3A_115 : i32
    %add3A_117 = arith.constant 512 : i32
    %add3A_118 = arith.addi %mul3A_116, %add3A_117 : i32
    %dma_start3A_119 = arith.constant 0 : i32
    %dma_start3A_120 = tpu.memref_slice %arg7[%add3A_118, %dma_start3A_119] : memref<40960x128xf32, #tpu.memory_space<hbm>> -> memref<128x128xf32, #tpu.memory_space<hbm>>
    %dma_start3A_121 = arith.constant 0 : i32
    %dma_start3A_122 = tpu.memref_slice %arg7[%add3A_118, %dma_start3A_121] : memref<40960x128xf32, #tpu.memory_space<hbm>> -> memref<128x128xf32, #tpu.memory_space<hbm>>
    tpu.enqueue_dma source(%arg10 : memref<128x128xf32, #tpu.memory_space<vmem>>) target(%dma_start3A_122 : memref<128x128xf32, #tpu.memory_space<hbm>>) target_semaphore(%arg16 : memref<!tpu.dma_semaphore, #tpu.memory_space<semaphore_mem>>)
    %dma_wait3A_123 = arith.constant 0 : i32
    %dma_wait3A_124 = tpu.memref_slice %arg7[%add3A_92, %dma_wait3A_123] : memref<40960x128xf32, #tpu.memory_space<hbm>> -> memref<128x128xf32, #tpu.memory_space<hbm>>
    %dma_wait3A_125 = arith.constant 0 : i32
    %dma_wait3A_126 = tpu.memref_slice %arg7[%add3A_92, %dma_wait3A_125] : memref<40960x128xf32, #tpu.memory_space<hbm>> -> memref<128x128xf32, #tpu.memory_space<hbm>>
    tpu.wait_dma2 semaphore(%arg16 : memref<!tpu.dma_semaphore, #tpu.memory_space<semaphore_mem>>) src(%arg11 : memref<128x128xf32, #tpu.memory_space<vmem>>) dst(%dma_wait3A_126 : memref<128x128xf32, #tpu.memory_space<hbm>>)
    %dma_start3A_127 = arith.constant 5 : i32
    %dma_start3A_128 = arith.constant 0 : i32
    %dma_start3A_129 = tpu.memref_slice %arg12[%dma_start3A_127, %dma_start3A_128] : memref<16x128xi32, #tpu.memory_space<vmem>> -> memref<1x128xi32, #tpu.memory_space<vmem>>
    %dma_start3A_130 = tpu.memref_squeeze %dma_start3A_129 : memref<1x128xi32, #tpu.memory_space<vmem>> -> memref<128xi32, #tpu.memory_space<vmem>>
    %dma_start3A_131 = arith.constant 0 : i32
    %dma_start3A_132 = arith.constant 0 : i32
    %dma_start3A_133 = tpu.memref_slice %arg2[%dma_start3A_131, %dma_start3A_132] : memref<40960x128xf32, #tpu.memory_space<hbm>> -> memref<40960x128xf32, #tpu.memory_space<hbm>>
    tpu.enqueue_indirect_dma source(%dma_start3A_133 : memref<40960x128xf32, #tpu.memory_space<hbm>>) target(%arg11 : memref<128x128xf32, #tpu.memory_space<vmem>>) offsets(%dma_start3A_130 : memref<128xi32, #tpu.memory_space<vmem>>) semaphore(%arg15 : memref<!tpu.dma_semaphore, #tpu.memory_space<semaphore_mem>>)
    %dma_wait3A_134 = arith.constant 5 : i32
    %dma_wait3A_135 = arith.constant 0 : i32
    %dma_wait3A_136 = tpu.memref_slice %arg12[%dma_wait3A_134, %dma_wait3A_135] : memref<16x128xi32, #tpu.memory_space<vmem>> -> memref<1x128xi32, #tpu.memory_space<vmem>>
    %dma_wait3A_137 = tpu.memref_squeeze %dma_wait3A_136 : memref<1x128xi32, #tpu.memory_space<vmem>> -> memref<128xi32, #tpu.memory_space<vmem>>
    %dma_wait3A_138 = arith.constant 0 : i32
    %dma_wait3A_139 = arith.constant 0 : i32
    %dma_wait3A_140 = tpu.memref_slice %arg2[%dma_wait3A_138, %dma_wait3A_139] : memref<40960x128xf32, #tpu.memory_space<hbm>> -> memref<40960x128xf32, #tpu.memory_space<hbm>>
    tpu.wait_indirect_dma semaphore(%arg15 : memref<!tpu.dma_semaphore, #tpu.memory_space<semaphore_mem>>) src(%dma_wait3A_140 : memref<40960x128xf32, #tpu.memory_space<hbm>>) dst(%arg11 : memref<128x128xf32, #tpu.memory_space<vmem>>)
    %mul3A_141 = arith.constant 1280 : i32
    %mul3A_142 = arith.muli %add3A, %mul3A_141 : i32
    %add3A_143 = arith.constant 640 : i32
    %add3A_144 = arith.addi %mul3A_142, %add3A_143 : i32
    %dma_start3A_145 = arith.constant 0 : i32
    %dma_start3A_146 = tpu.memref_slice %arg7[%add3A_144, %dma_start3A_145] : memref<40960x128xf32, #tpu.memory_space<hbm>> -> memref<128x128xf32, #tpu.memory_space<hbm>>
    %dma_start3A_147 = arith.constant 0 : i32
    %dma_start3A_148 = tpu.memref_slice %arg7[%add3A_144, %dma_start3A_147] : memref<40960x128xf32, #tpu.memory_space<hbm>> -> memref<128x128xf32, #tpu.memory_space<hbm>>
    tpu.enqueue_dma source(%arg11 : memref<128x128xf32, #tpu.memory_space<vmem>>) target(%dma_start3A_148 : memref<128x128xf32, #tpu.memory_space<hbm>>) target_semaphore(%arg16 : memref<!tpu.dma_semaphore, #tpu.memory_space<semaphore_mem>>)
    %dma_wait3A_149 = arith.constant 0 : i32
    %dma_wait3A_150 = tpu.memref_slice %arg7[%add3A_118, %dma_wait3A_149] : memref<40960x128xf32, #tpu.memory_space<hbm>> -> memref<128x128xf32, #tpu.memory_space<hbm>>
    %dma_wait3A_151 = arith.constant 0 : i32
    %dma_wait3A_152 = tpu.memref_slice %arg7[%add3A_118, %dma_wait3A_151] : memref<40960x128xf32, #tpu.memory_space<hbm>> -> memref<128x128xf32, #tpu.memory_space<hbm>>
    tpu.wait_dma2 semaphore(%arg16 : memref<!tpu.dma_semaphore, #tpu.memory_space<semaphore_mem>>) src(%arg10 : memref<128x128xf32, #tpu.memory_space<vmem>>) dst(%dma_wait3A_152 : memref<128x128xf32, #tpu.memory_space<hbm>>)
    %dma_start3A_153 = arith.constant 6 : i32
    %dma_start3A_154 = arith.constant 0 : i32
    %dma_start3A_155 = tpu.memref_slice %arg12[%dma_start3A_153, %dma_start3A_154] : memref<16x128xi32, #tpu.memory_space<vmem>> -> memref<1x128xi32, #tpu.memory_space<vmem>>
    %dma_start3A_156 = tpu.memref_squeeze %dma_start3A_155 : memref<1x128xi32, #tpu.memory_space<vmem>> -> memref<128xi32, #tpu.memory_space<vmem>>
    %dma_start3A_157 = arith.constant 0 : i32
    %dma_start3A_158 = arith.constant 0 : i32
    %dma_start3A_159 = tpu.memref_slice %arg2[%dma_start3A_157, %dma_start3A_158] : memref<40960x128xf32, #tpu.memory_space<hbm>> -> memref<40960x128xf32, #tpu.memory_space<hbm>>
    tpu.enqueue_indirect_dma source(%dma_start3A_159 : memref<40960x128xf32, #tpu.memory_space<hbm>>) target(%arg10 : memref<128x128xf32, #tpu.memory_space<vmem>>) offsets(%dma_start3A_156 : memref<128xi32, #tpu.memory_space<vmem>>) semaphore(%arg15 : memref<!tpu.dma_semaphore, #tpu.memory_space<semaphore_mem>>)
    %dma_wait3A_160 = arith.constant 6 : i32
    %dma_wait3A_161 = arith.constant 0 : i32
    %dma_wait3A_162 = tpu.memref_slice %arg12[%dma_wait3A_160, %dma_wait3A_161] : memref<16x128xi32, #tpu.memory_space<vmem>> -> memref<1x128xi32, #tpu.memory_space<vmem>>
    %dma_wait3A_163 = tpu.memref_squeeze %dma_wait3A_162 : memref<1x128xi32, #tpu.memory_space<vmem>> -> memref<128xi32, #tpu.memory_space<vmem>>
    %dma_wait3A_164 = arith.constant 0 : i32
    %dma_wait3A_165 = arith.constant 0 : i32
    %dma_wait3A_166 = tpu.memref_slice %arg2[%dma_wait3A_164, %dma_wait3A_165] : memref<40960x128xf32, #tpu.memory_space<hbm>> -> memref<40960x128xf32, #tpu.memory_space<hbm>>
    tpu.wait_indirect_dma semaphore(%arg15 : memref<!tpu.dma_semaphore, #tpu.memory_space<semaphore_mem>>) src(%dma_wait3A_166 : memref<40960x128xf32, #tpu.memory_space<hbm>>) dst(%arg10 : memref<128x128xf32, #tpu.memory_space<vmem>>)
    %mul3A_167 = arith.constant 1280 : i32
    %mul3A_168 = arith.muli %add3A, %mul3A_167 : i32
    %add3A_169 = arith.constant 768 : i32
    %add3A_170 = arith.addi %mul3A_168, %add3A_169 : i32
    %dma_start3A_171 = arith.constant 0 : i32
    %dma_start3A_172 = tpu.memref_slice %arg7[%add3A_170, %dma_start3A_171] : memref<40960x128xf32, #tpu.memory_space<hbm>> -> memref<128x128xf32, #tpu.memory_space<hbm>>
    %dma_start3A_173 = arith.constant 0 : i32
    %dma_start3A_174 = tpu.memref_slice %arg7[%add3A_170, %dma_start3A_173] : memref<40960x128xf32, #tpu.memory_space<hbm>> -> memref<128x128xf32, #tpu.memory_space<hbm>>
    tpu.enqueue_dma source(%arg10 : memref<128x128xf32, #tpu.memory_space<vmem>>) target(%dma_start3A_174 : memref<128x128xf32, #tpu.memory_space<hbm>>) target_semaphore(%arg16 : memref<!tpu.dma_semaphore, #tpu.memory_space<semaphore_mem>>)
    %dma_wait3A_175 = arith.constant 0 : i32
    %dma_wait3A_176 = tpu.memref_slice %arg7[%add3A_144, %dma_wait3A_175] : memref<40960x128xf32, #tpu.memory_space<hbm>> -> memref<128x128xf32, #tpu.memory_space<hbm>>
    %dma_wait3A_177 = arith.constant 0 : i32
    %dma_wait3A_178 = tpu.memref_slice %arg7[%add3A_144, %dma_wait3A_177] : memref<40960x128xf32, #tpu.memory_space<hbm>> -> memref<128x128xf32, #tpu.memory_space<hbm>>
    tpu.wait_dma2 semaphore(%arg16 : memref<!tpu.dma_semaphore, #tpu.memory_space<semaphore_mem>>) src(%arg11 : memref<128x128xf32, #tpu.memory_space<vmem>>) dst(%dma_wait3A_178 : memref<128x128xf32, #tpu.memory_space<hbm>>)
    %dma_start3A_179 = arith.constant 7 : i32
    %dma_start3A_180 = arith.constant 0 : i32
    %dma_start3A_181 = tpu.memref_slice %arg12[%dma_start3A_179, %dma_start3A_180] : memref<16x128xi32, #tpu.memory_space<vmem>> -> memref<1x128xi32, #tpu.memory_space<vmem>>
    %dma_start3A_182 = tpu.memref_squeeze %dma_start3A_181 : memref<1x128xi32, #tpu.memory_space<vmem>> -> memref<128xi32, #tpu.memory_space<vmem>>
    %dma_start3A_183 = arith.constant 0 : i32
    %dma_start3A_184 = arith.constant 0 : i32
    %dma_start3A_185 = tpu.memref_slice %arg2[%dma_start3A_183, %dma_start3A_184] : memref<40960x128xf32, #tpu.memory_space<hbm>> -> memref<40960x128xf32, #tpu.memory_space<hbm>>
    tpu.enqueue_indirect_dma source(%dma_start3A_185 : memref<40960x128xf32, #tpu.memory_space<hbm>>) target(%arg11 : memref<128x128xf32, #tpu.memory_space<vmem>>) offsets(%dma_start3A_182 : memref<128xi32, #tpu.memory_space<vmem>>) semaphore(%arg15 : memref<!tpu.dma_semaphore, #tpu.memory_space<semaphore_mem>>)
    %dma_wait3A_186 = arith.constant 7 : i32
    %dma_wait3A_187 = arith.constant 0 : i32
    %dma_wait3A_188 = tpu.memref_slice %arg12[%dma_wait3A_186, %dma_wait3A_187] : memref<16x128xi32, #tpu.memory_space<vmem>> -> memref<1x128xi32, #tpu.memory_space<vmem>>
    %dma_wait3A_189 = tpu.memref_squeeze %dma_wait3A_188 : memref<1x128xi32, #tpu.memory_space<vmem>> -> memref<128xi32, #tpu.memory_space<vmem>>
    %dma_wait3A_190 = arith.constant 0 : i32
    %dma_wait3A_191 = arith.constant 0 : i32
    %dma_wait3A_192 = tpu.memref_slice %arg2[%dma_wait3A_190, %dma_wait3A_191] : memref<40960x128xf32, #tpu.memory_space<hbm>> -> memref<40960x128xf32, #tpu.memory_space<hbm>>
    tpu.wait_indirect_dma semaphore(%arg15 : memref<!tpu.dma_semaphore, #tpu.memory_space<semaphore_mem>>) src(%dma_wait3A_192 : memref<40960x128xf32, #tpu.memory_space<hbm>>) dst(%arg11 : memref<128x128xf32, #tpu.memory_space<vmem>>)
    %mul3A_193 = arith.constant 1280 : i32
    %mul3A_194 = arith.muli %add3A, %mul3A_193 : i32
    %add3A_195 = arith.constant 896 : i32
    %add3A_196 = arith.addi %mul3A_194, %add3A_195 : i32
    %dma_start3A_197 = arith.constant 0 : i32
    %dma_start3A_198 = tpu.memref_slice %arg7[%add3A_196, %dma_start3A_197] : memref<40960x128xf32, #tpu.memory_space<hbm>> -> memref<128x128xf32, #tpu.memory_space<hbm>>
    %dma_start3A_199 = arith.constant 0 : i32
    %dma_start3A_200 = tpu.memref_slice %arg7[%add3A_196, %dma_start3A_199] : memref<40960x128xf32, #tpu.memory_space<hbm>> -> memref<128x128xf32, #tpu.memory_space<hbm>>
    tpu.enqueue_dma source(%arg11 : memref<128x128xf32, #tpu.memory_space<vmem>>) target(%dma_start3A_200 : memref<128x128xf32, #tpu.memory_space<hbm>>) target_semaphore(%arg16 : memref<!tpu.dma_semaphore, #tpu.memory_space<semaphore_mem>>)
    %dma_wait3A_201 = arith.constant 0 : i32
    %dma_wait3A_202 = tpu.memref_slice %arg7[%add3A_170, %dma_wait3A_201] : memref<40960x128xf32, #tpu.memory_space<hbm>> -> memref<128x128xf32, #tpu.memory_space<hbm>>
    %dma_wait3A_203 = arith.constant 0 : i32
    %dma_wait3A_204 = tpu.memref_slice %arg7[%add3A_170, %dma_wait3A_203] : memref<40960x128xf32, #tpu.memory_space<hbm>> -> memref<128x128xf32, #tpu.memory_space<hbm>>
    tpu.wait_dma2 semaphore(%arg16 : memref<!tpu.dma_semaphore, #tpu.memory_space<semaphore_mem>>) src(%arg10 : memref<128x128xf32, #tpu.memory_space<vmem>>) dst(%dma_wait3A_204 : memref<128x128xf32, #tpu.memory_space<hbm>>)
    %dma_start3A_205 = arith.constant 8 : i32
    %dma_start3A_206 = arith.constant 0 : i32
    %dma_start3A_207 = tpu.memref_slice %arg12[%dma_start3A_205, %dma_start3A_206] : memref<16x128xi32, #tpu.memory_space<vmem>> -> memref<1x128xi32, #tpu.memory_space<vmem>>
    %dma_start3A_208 = tpu.memref_squeeze %dma_start3A_207 : memref<1x128xi32, #tpu.memory_space<vmem>> -> memref<128xi32, #tpu.memory_space<vmem>>
    %dma_start3A_209 = arith.constant 0 : i32
    %dma_start3A_210 = arith.constant 0 : i32
    %dma_start3A_211 = tpu.memref_slice %arg2[%dma_start3A_209, %dma_start3A_210] : memref<40960x128xf32, #tpu.memory_space<hbm>> -> memref<40960x128xf32, #tpu.memory_space<hbm>>
    tpu.enqueue_indirect_dma source(%dma_start3A_211 : memref<40960x128xf32, #tpu.memory_space<hbm>>) target(%arg10 : memref<128x128xf32, #tpu.memory_space<vmem>>) offsets(%dma_start3A_208 : memref<128xi32, #tpu.memory_space<vmem>>) semaphore(%arg15 : memref<!tpu.dma_semaphore, #tpu.memory_space<semaphore_mem>>)
    %dma_wait3A_212 = arith.constant 8 : i32
    %dma_wait3A_213 = arith.constant 0 : i32
    %dma_wait3A_214 = tpu.memref_slice %arg12[%dma_wait3A_212, %dma_wait3A_213] : memref<16x128xi32, #tpu.memory_space<vmem>> -> memref<1x128xi32, #tpu.memory_space<vmem>>
    %dma_wait3A_215 = tpu.memref_squeeze %dma_wait3A_214 : memref<1x128xi32, #tpu.memory_space<vmem>> -> memref<128xi32, #tpu.memory_space<vmem>>
    %dma_wait3A_216 = arith.constant 0 : i32
    %dma_wait3A_217 = arith.constant 0 : i32
    %dma_wait3A_218 = tpu.memref_slice %arg2[%dma_wait3A_216, %dma_wait3A_217] : memref<40960x128xf32, #tpu.memory_space<hbm>> -> memref<40960x128xf32, #tpu.memory_space<hbm>>
    tpu.wait_indirect_dma semaphore(%arg15 : memref<!tpu.dma_semaphore, #tpu.memory_space<semaphore_mem>>) src(%dma_wait3A_218 : memref<40960x128xf32, #tpu.memory_space<hbm>>) dst(%arg10 : memref<128x128xf32, #tpu.memory_space<vmem>>)
    %mul3A_219 = arith.constant 1280 : i32
    %mul3A_220 = arith.muli %add3A, %mul3A_219 : i32
    %add3A_221 = arith.constant 1024 : i32
    %add3A_222 = arith.addi %mul3A_220, %add3A_221 : i32
    %dma_start3A_223 = arith.constant 0 : i32
    %dma_start3A_224 = tpu.memref_slice %arg7[%add3A_222, %dma_start3A_223] : memref<40960x128xf32, #tpu.memory_space<hbm>> -> memref<128x128xf32, #tpu.memory_space<hbm>>
    %dma_start3A_225 = arith.constant 0 : i32
    %dma_start3A_226 = tpu.memref_slice %arg7[%add3A_222, %dma_start3A_225] : memref<40960x128xf32, #tpu.memory_space<hbm>> -> memref<128x128xf32, #tpu.memory_space<hbm>>
    tpu.enqueue_dma source(%arg10 : memref<128x128xf32, #tpu.memory_space<vmem>>) target(%dma_start3A_226 : memref<128x128xf32, #tpu.memory_space<hbm>>) target_semaphore(%arg16 : memref<!tpu.dma_semaphore, #tpu.memory_space<semaphore_mem>>)
    %dma_wait3A_227 = arith.constant 0 : i32
    %dma_wait3A_228 = tpu.memref_slice %arg7[%add3A_196, %dma_wait3A_227] : memref<40960x128xf32, #tpu.memory_space<hbm>> -> memref<128x128xf32, #tpu.memory_space<hbm>>
    %dma_wait3A_229 = arith.constant 0 : i32
    %dma_wait3A_230 = tpu.memref_slice %arg7[%add3A_196, %dma_wait3A_229] : memref<40960x128xf32, #tpu.memory_space<hbm>> -> memref<128x128xf32, #tpu.memory_space<hbm>>
    tpu.wait_dma2 semaphore(%arg16 : memref<!tpu.dma_semaphore, #tpu.memory_space<semaphore_mem>>) src(%arg11 : memref<128x128xf32, #tpu.memory_space<vmem>>) dst(%dma_wait3A_230 : memref<128x128xf32, #tpu.memory_space<hbm>>)
    %dma_start3A_231 = arith.constant 9 : i32
    %dma_start3A_232 = arith.constant 0 : i32
    %dma_start3A_233 = tpu.memref_slice %arg12[%dma_start3A_231, %dma_start3A_232] : memref<16x128xi32, #tpu.memory_space<vmem>> -> memref<1x128xi32, #tpu.memory_space<vmem>>
    %dma_start3A_234 = tpu.memref_squeeze %dma_start3A_233 : memref<1x128xi32, #tpu.memory_space<vmem>> -> memref<128xi32, #tpu.memory_space<vmem>>
    %dma_start3A_235 = arith.constant 0 : i32
    %dma_start3A_236 = arith.constant 0 : i32
    %dma_start3A_237 = tpu.memref_slice %arg2[%dma_start3A_235, %dma_start3A_236] : memref<40960x128xf32, #tpu.memory_space<hbm>> -> memref<40960x128xf32, #tpu.memory_space<hbm>>
    tpu.enqueue_indirect_dma source(%dma_start3A_237 : memref<40960x128xf32, #tpu.memory_space<hbm>>) target(%arg11 : memref<128x128xf32, #tpu.memory_space<vmem>>) offsets(%dma_start3A_234 : memref<128xi32, #tpu.memory_space<vmem>>) semaphore(%arg15 : memref<!tpu.dma_semaphore, #tpu.memory_space<semaphore_mem>>)
    %dma_wait3A_238 = arith.constant 9 : i32
    %dma_wait3A_239 = arith.constant 0 : i32
    %dma_wait3A_240 = tpu.memref_slice %arg12[%dma_wait3A_238, %dma_wait3A_239] : memref<16x128xi32, #tpu.memory_space<vmem>> -> memref<1x128xi32, #tpu.memory_space<vmem>>
    %dma_wait3A_241 = tpu.memref_squeeze %dma_wait3A_240 : memref<1x128xi32, #tpu.memory_space<vmem>> -> memref<128xi32, #tpu.memory_space<vmem>>
    %dma_wait3A_242 = arith.constant 0 : i32
    %dma_wait3A_243 = arith.constant 0 : i32
    %dma_wait3A_244 = tpu.memref_slice %arg2[%dma_wait3A_242, %dma_wait3A_243] : memref<40960x128xf32, #tpu.memory_space<hbm>> -> memref<40960x128xf32, #tpu.memory_space<hbm>>
    tpu.wait_indirect_dma semaphore(%arg15 : memref<!tpu.dma_semaphore, #tpu.memory_space<semaphore_mem>>) src(%dma_wait3A_244 : memref<40960x128xf32, #tpu.memory_space<hbm>>) dst(%arg11 : memref<128x128xf32, #tpu.memory_space<vmem>>)
    %mul3A_245 = arith.constant 1280 : i32
    %mul3A_246 = arith.muli %add3A, %mul3A_245 : i32
    %add3A_247 = arith.constant 1152 : i32
    %add3A_248 = arith.addi %mul3A_246, %add3A_247 : i32
    %dma_start3A_249 = arith.constant 0 : i32
    %dma_start3A_250 = tpu.memref_slice %arg7[%add3A_248, %dma_start3A_249] : memref<40960x128xf32, #tpu.memory_space<hbm>> -> memref<128x128xf32, #tpu.memory_space<hbm>>
    %dma_start3A_251 = arith.constant 0 : i32
    %dma_start3A_252 = tpu.memref_slice %arg7[%add3A_248, %dma_start3A_251] : memref<40960x128xf32, #tpu.memory_space<hbm>> -> memref<128x128xf32, #tpu.memory_space<hbm>>
    tpu.enqueue_dma source(%arg11 : memref<128x128xf32, #tpu.memory_space<vmem>>) target(%dma_start3A_252 : memref<128x128xf32, #tpu.memory_space<hbm>>) target_semaphore(%arg16 : memref<!tpu.dma_semaphore, #tpu.memory_space<semaphore_mem>>)
    %dma_wait3A_253 = arith.constant 0 : i32
    %dma_wait3A_254 = tpu.memref_slice %arg7[%add3A_222, %dma_wait3A_253] : memref<40960x128xf32, #tpu.memory_space<hbm>> -> memref<128x128xf32, #tpu.memory_space<hbm>>
    %dma_wait3A_255 = arith.constant 0 : i32
    %dma_wait3A_256 = tpu.memref_slice %arg7[%add3A_222, %dma_wait3A_255] : memref<40960x128xf32, #tpu.memory_space<hbm>> -> memref<128x128xf32, #tpu.memory_space<hbm>>
    tpu.wait_dma2 semaphore(%arg16 : memref<!tpu.dma_semaphore, #tpu.memory_space<semaphore_mem>>) src(%arg10 : memref<128x128xf32, #tpu.memory_space<vmem>>) dst(%dma_wait3A_256 : memref<128x128xf32, #tpu.memory_space<hbm>>)
    %dma_wait3A_257 = arith.constant 0 : i32
    %dma_wait3A_258 = tpu.memref_slice %arg7[%add3A_248, %dma_wait3A_257] : memref<40960x128xf32, #tpu.memory_space<hbm>> -> memref<128x128xf32, #tpu.memory_space<hbm>>
    %dma_wait3A_259 = arith.constant 0 : i32
    %dma_wait3A_260 = tpu.memref_slice %arg7[%add3A_248, %dma_wait3A_259] : memref<40960x128xf32, #tpu.memory_space<hbm>> -> memref<128x128xf32, #tpu.memory_space<hbm>>
    tpu.wait_dma2 semaphore(%arg16 : memref<!tpu.dma_semaphore, #tpu.memory_space<semaphore_mem>>) src(%arg11 : memref<128x128xf32, #tpu.memory_space<vmem>>) dst(%dma_wait3A_260 : memref<128x128xf32, #tpu.memory_space<hbm>>)
    %mul3A_261 = arith.constant 2 : i32
    %mul3A_262 = arith.muli %mul3A_261, %arg0 : i32
    %add3A_263 = arith.constant 0 : i32
    %add3A_264 = arith.addi %mul3A_262, %add3A_263 : i32
    %mul3A_265 = arith.constant 16 : i32
    %mul3A_266 = arith.muli %add3A_264, %mul3A_265 : i32
    %add3A_267 = arith.addi %mul3A_266, %arg1 : i32
    %mul3A_268 = arith.constant 8 : i32
    %mul3A_269 = arith.muli %add3A_267, %mul3A_268 : i32
    "tpu.region"() ({
      %run_scoped3A = tpu.sem_alloc : memref<!tpu.dma_semaphore, #tpu.memory_space<semaphore_mem>>
      %dma_start3A_748 = arith.constant 0 : i32
      %dma_start3A_749 = tpu.memref_slice %arg4[%mul3A_269, %dma_start3A_748] : memref<512x128xi32, #tpu.memory_space<hbm>> -> memref<8x128xi32, #tpu.memory_space<hbm>>
      %dma_start3A_750 = arith.constant 0 : i32
      %dma_start3A_751 = tpu.memref_slice %arg4[%mul3A_269, %dma_start3A_750] : memref<512x128xi32, #tpu.memory_space<hbm>> -> memref<8x128xi32, #tpu.memory_space<hbm>>
      tpu.enqueue_dma source(%dma_start3A_751 : memref<8x128xi32, #tpu.memory_space<hbm>>) target(%arg13 : memref<8x128xi32, #tpu.memory_space<vmem>>) target_semaphore(%run_scoped3A : memref<!tpu.dma_semaphore, #tpu.memory_space<semaphore_mem>>)
      %dma_wait3A_752 = arith.constant 0 : i32
      %dma_wait3A_753 = tpu.memref_slice %arg4[%mul3A_269, %dma_wait3A_752] : memref<512x128xi32, #tpu.memory_space<hbm>> -> memref<8x128xi32, #tpu.memory_space<hbm>>
      %dma_wait3A_754 = arith.constant 0 : i32
      %dma_wait3A_755 = tpu.memref_slice %arg4[%mul3A_269, %dma_wait3A_754] : memref<512x128xi32, #tpu.memory_space<hbm>> -> memref<8x128xi32, #tpu.memory_space<hbm>>
      tpu.wait_dma2 semaphore(%run_scoped3A : memref<!tpu.dma_semaphore, #tpu.memory_space<semaphore_mem>>) src(%dma_wait3A_755 : memref<8x128xi32, #tpu.memory_space<hbm>>) dst(%arg13 : memref<8x128xi32, #tpu.memory_space<vmem>>)
      tpu.yield
    }) : () -> ()
    %mul3A_270 = arith.constant 640 : i32
    %mul3A_271 = arith.muli %arg1, %mul3A_270 : i32
    "tpu.region"() ({
      %run_scoped3A = tpu.sem_alloc : memref<!tpu.dma_semaphore, #tpu.memory_space<semaphore_mem>>
      %dma_start3A_748 = arith.constant 0 : i32
      %dma_start3A_749 = tpu.memref_slice %arg14[%mul3A_271, %dma_start3A_748] : memref<10240x128xf32, #tpu.memory_space<vmem_shared>> -> memref<640x128xf32, #tpu.memory_space<vmem_shared>>
      tpu.enqueue_dma source(%arg5 : memref<640x128xf32, #tpu.memory_space<hbm>>) target(%dma_start3A_749 : memref<640x128xf32, #tpu.memory_space<vmem_shared>>) target_semaphore(%run_scoped3A : memref<!tpu.dma_semaphore, #tpu.memory_space<semaphore_mem>>)
      %dma_wait3A_750 = arith.constant 0 : i32
      %dma_wait3A_751 = tpu.memref_slice %arg14[%mul3A_271, %dma_wait3A_750] : memref<10240x128xf32, #tpu.memory_space<vmem_shared>> -> memref<640x128xf32, #tpu.memory_space<vmem_shared>>
      tpu.wait_dma2 semaphore(%run_scoped3A : memref<!tpu.dma_semaphore, #tpu.memory_space<semaphore_mem>>) src(%arg5 : memref<640x128xf32, #tpu.memory_space<hbm>>) dst(%dma_wait3A_751 : memref<640x128xf32, #tpu.memory_space<vmem_shared>>)
      tpu.yield
    }) : () -> ()
    %barrier3A = arith.constant 0 : index
    tpu.barrier barrier_id(%barrier3A)
    %mul3A_272 = arith.constant 10240 : i32
    %mul3A_273 = arith.muli %add3A_264, %mul3A_272 : i32
    %mul3A_274 = arith.constant 640 : i32
    %mul3A_275 = arith.muli %arg1, %mul3A_274 : i32
    %add3A_276 = arith.addi %mul3A_273, %mul3A_275 : i32
    %dma_start3A_277 = arith.constant 0 : i32
    %dma_start3A_278 = tpu.memref_slice %arg2[%add3A_276, %dma_start3A_277] : memref<40960x128xf32, #tpu.memory_space<hbm>> -> memref<128x128xf32, #tpu.memory_space<hbm>>
    %dma_start3A_279 = arith.constant 0 : i32
    %dma_start3A_280 = tpu.memref_slice %arg2[%add3A_276, %dma_start3A_279] : memref<40960x128xf32, #tpu.memory_space<hbm>> -> memref<128x128xf32, #tpu.memory_space<hbm>>
    tpu.enqueue_dma source(%dma_start3A_280 : memref<128x128xf32, #tpu.memory_space<hbm>>) target(%arg10 : memref<128x128xf32, #tpu.memory_space<vmem>>) target_semaphore(%arg15 : memref<!tpu.dma_semaphore, #tpu.memory_space<semaphore_mem>>)
    %dma_wait3A_281 = arith.constant 0 : i32
    %dma_wait3A_282 = tpu.memref_slice %arg2[%add3A_276, %dma_wait3A_281] : memref<40960x128xf32, #tpu.memory_space<hbm>> -> memref<128x128xf32, #tpu.memory_space<hbm>>
    %dma_wait3A_283 = arith.constant 0 : i32
    %dma_wait3A_284 = tpu.memref_slice %arg2[%add3A_276, %dma_wait3A_283] : memref<40960x128xf32, #tpu.memory_space<hbm>> -> memref<128x128xf32, #tpu.memory_space<hbm>>
    tpu.wait_dma2 semaphore(%arg15 : memref<!tpu.dma_semaphore, #tpu.memory_space<semaphore_mem>>) src(%dma_wait3A_284 : memref<128x128xf32, #tpu.memory_space<hbm>>) dst(%arg10 : memref<128x128xf32, #tpu.memory_space<vmem>>)
    %dma_start3A_285 = arith.constant 0 : i32
    %dma_start3A_286 = arith.constant 0 : i32
    %dma_start3A_287 = tpu.memref_slice %arg13[%dma_start3A_285, %dma_start3A_286] : memref<8x128xi32, #tpu.memory_space<vmem>> -> memref<1x128xi32, #tpu.memory_space<vmem>>
    %dma_start3A_288 = tpu.memref_squeeze %dma_start3A_287 : memref<1x128xi32, #tpu.memory_space<vmem>> -> memref<128xi32, #tpu.memory_space<vmem>>
    %dma_start3A_289 = arith.constant 0 : i32
    %dma_start3A_290 = arith.constant 0 : i32
    %dma_start3A_291 = tpu.memref_slice %arg14[%dma_start3A_289, %dma_start3A_290] : memref<10240x128xf32, #tpu.memory_space<vmem_shared>> -> memref<10240x128xf32, #tpu.memory_space<vmem_shared>>
    tpu.enqueue_indirect_dma source(%arg10 : memref<128x128xf32, #tpu.memory_space<vmem>>) target(%dma_start3A_291 : memref<10240x128xf32, #tpu.memory_space<vmem_shared>>) offsets(%dma_start3A_288 : memref<128xi32, #tpu.memory_space<vmem>>) semaphore(%arg17 : memref<!tpu.dma_semaphore, #tpu.memory_space<semaphore_mem>>) {add = true}
    %mul3A_292 = arith.constant 10240 : i32
    %mul3A_293 = arith.muli %add3A_264, %mul3A_292 : i32
    %mul3A_294 = arith.constant 640 : i32
    %mul3A_295 = arith.muli %arg1, %mul3A_294 : i32
    %add3A_296 = arith.addi %mul3A_293, %mul3A_295 : i32
    %add3A_297 = arith.constant 128 : i32
    %add3A_298 = arith.addi %add3A_296, %add3A_297 : i32
    %dma_start3A_299 = arith.constant 0 : i32
    %dma_start3A_300 = tpu.memref_slice %arg2[%add3A_298, %dma_start3A_299] : memref<40960x128xf32, #tpu.memory_space<hbm>> -> memref<128x128xf32, #tpu.memory_space<hbm>>
    %dma_start3A_301 = arith.constant 0 : i32
    %dma_start3A_302 = tpu.memref_slice %arg2[%add3A_298, %dma_start3A_301] : memref<40960x128xf32, #tpu.memory_space<hbm>> -> memref<128x128xf32, #tpu.memory_space<hbm>>
    tpu.enqueue_dma source(%dma_start3A_302 : memref<128x128xf32, #tpu.memory_space<hbm>>) target(%arg11 : memref<128x128xf32, #tpu.memory_space<vmem>>) target_semaphore(%arg15 : memref<!tpu.dma_semaphore, #tpu.memory_space<semaphore_mem>>)
    %dma_wait3A_303 = arith.constant 0 : i32
    %dma_wait3A_304 = tpu.memref_slice %arg2[%add3A_298, %dma_wait3A_303] : memref<40960x128xf32, #tpu.memory_space<hbm>> -> memref<128x128xf32, #tpu.memory_space<hbm>>
    %dma_wait3A_305 = arith.constant 0 : i32
    %dma_wait3A_306 = tpu.memref_slice %arg2[%add3A_298, %dma_wait3A_305] : memref<40960x128xf32, #tpu.memory_space<hbm>> -> memref<128x128xf32, #tpu.memory_space<hbm>>
    tpu.wait_dma2 semaphore(%arg15 : memref<!tpu.dma_semaphore, #tpu.memory_space<semaphore_mem>>) src(%dma_wait3A_306 : memref<128x128xf32, #tpu.memory_space<hbm>>) dst(%arg11 : memref<128x128xf32, #tpu.memory_space<vmem>>)
    %dma_start3A_307 = arith.constant 1 : i32
    %dma_start3A_308 = arith.constant 0 : i32
    %dma_start3A_309 = tpu.memref_slice %arg13[%dma_start3A_307, %dma_start3A_308] : memref<8x128xi32, #tpu.memory_space<vmem>> -> memref<1x128xi32, #tpu.memory_space<vmem>>
    %dma_start3A_310 = tpu.memref_squeeze %dma_start3A_309 : memref<1x128xi32, #tpu.memory_space<vmem>> -> memref<128xi32, #tpu.memory_space<vmem>>
    %dma_start3A_311 = arith.constant 0 : i32
    %dma_start3A_312 = arith.constant 0 : i32
    %dma_start3A_313 = tpu.memref_slice %arg14[%dma_start3A_311, %dma_start3A_312] : memref<10240x128xf32, #tpu.memory_space<vmem_shared>> -> memref<10240x128xf32, #tpu.memory_space<vmem_shared>>
    tpu.enqueue_indirect_dma source(%arg11 : memref<128x128xf32, #tpu.memory_space<vmem>>) target(%dma_start3A_313 : memref<10240x128xf32, #tpu.memory_space<vmem_shared>>) offsets(%dma_start3A_310 : memref<128xi32, #tpu.memory_space<vmem>>) semaphore(%arg17 : memref<!tpu.dma_semaphore, #tpu.memory_space<semaphore_mem>>) {add = true}
    %dma_wait3A_314 = arith.constant 0 : i32
    %dma_wait3A_315 = arith.constant 0 : i32
    %dma_wait3A_316 = tpu.memref_slice %arg13[%dma_wait3A_314, %dma_wait3A_315] : memref<8x128xi32, #tpu.memory_space<vmem>> -> memref<1x128xi32, #tpu.memory_space<vmem>>
    %dma_wait3A_317 = tpu.memref_squeeze %dma_wait3A_316 : memref<1x128xi32, #tpu.memory_space<vmem>> -> memref<128xi32, #tpu.memory_space<vmem>>
    %dma_wait3A_318 = arith.constant 0 : i32
    %dma_wait3A_319 = arith.constant 0 : i32
    %dma_wait3A_320 = tpu.memref_slice %arg14[%dma_wait3A_318, %dma_wait3A_319] : memref<10240x128xf32, #tpu.memory_space<vmem_shared>> -> memref<10240x128xf32, #tpu.memory_space<vmem_shared>>
    tpu.wait_indirect_dma semaphore(%arg17 : memref<!tpu.dma_semaphore, #tpu.memory_space<semaphore_mem>>) src(%arg10 : memref<128x128xf32, #tpu.memory_space<vmem>>) dst(%dma_wait3A_320 : memref<10240x128xf32, #tpu.memory_space<vmem_shared>>)
    %mul3A_321 = arith.constant 10240 : i32
    %mul3A_322 = arith.muli %add3A_264, %mul3A_321 : i32
    %mul3A_323 = arith.constant 640 : i32
    %mul3A_324 = arith.muli %arg1, %mul3A_323 : i32
    %add3A_325 = arith.addi %mul3A_322, %mul3A_324 : i32
    %add3A_326 = arith.constant 256 : i32
    %add3A_327 = arith.addi %add3A_325, %add3A_326 : i32
    %dma_start3A_328 = arith.constant 0 : i32
    %dma_start3A_329 = tpu.memref_slice %arg2[%add3A_327, %dma_start3A_328] : memref<40960x128xf32, #tpu.memory_space<hbm>> -> memref<128x128xf32, #tpu.memory_space<hbm>>
    %dma_start3A_330 = arith.constant 0 : i32
    %dma_start3A_331 = tpu.memref_slice %arg2[%add3A_327, %dma_start3A_330] : memref<40960x128xf32, #tpu.memory_space<hbm>> -> memref<128x128xf32, #tpu.memory_space<hbm>>
    tpu.enqueue_dma source(%dma_start3A_331 : memref<128x128xf32, #tpu.memory_space<hbm>>) target(%arg10 : memref<128x128xf32, #tpu.memory_space<vmem>>) target_semaphore(%arg15 : memref<!tpu.dma_semaphore, #tpu.memory_space<semaphore_mem>>)
    %dma_wait3A_332 = arith.constant 0 : i32
    %dma_wait3A_333 = tpu.memref_slice %arg2[%add3A_327, %dma_wait3A_332] : memref<40960x128xf32, #tpu.memory_space<hbm>> -> memref<128x128xf32, #tpu.memory_space<hbm>>
    %dma_wait3A_334 = arith.constant 0 : i32
    %dma_wait3A_335 = tpu.memref_slice %arg2[%add3A_327, %dma_wait3A_334] : memref<40960x128xf32, #tpu.memory_space<hbm>> -> memref<128x128xf32, #tpu.memory_space<hbm>>
    tpu.wait_dma2 semaphore(%arg15 : memref<!tpu.dma_semaphore, #tpu.memory_space<semaphore_mem>>) src(%dma_wait3A_335 : memref<128x128xf32, #tpu.memory_space<hbm>>) dst(%arg10 : memref<128x128xf32, #tpu.memory_space<vmem>>)
    %dma_start3A_336 = arith.constant 2 : i32
    %dma_start3A_337 = arith.constant 0 : i32
    %dma_start3A_338 = tpu.memref_slice %arg13[%dma_start3A_336, %dma_start3A_337] : memref<8x128xi32, #tpu.memory_space<vmem>> -> memref<1x128xi32, #tpu.memory_space<vmem>>
    %dma_start3A_339 = tpu.memref_squeeze %dma_start3A_338 : memref<1x128xi32, #tpu.memory_space<vmem>> -> memref<128xi32, #tpu.memory_space<vmem>>
    %dma_start3A_340 = arith.constant 0 : i32
    %dma_start3A_341 = arith.constant 0 : i32
    %dma_start3A_342 = tpu.memref_slice %arg14[%dma_start3A_340, %dma_start3A_341] : memref<10240x128xf32, #tpu.memory_space<vmem_shared>> -> memref<10240x128xf32, #tpu.memory_space<vmem_shared>>
    tpu.enqueue_indirect_dma source(%arg10 : memref<128x128xf32, #tpu.memory_space<vmem>>) target(%dma_start3A_342 : memref<10240x128xf32, #tpu.memory_space<vmem_shared>>) offsets(%dma_start3A_339 : memref<128xi32, #tpu.memory_space<vmem>>) semaphore(%arg17 : memref<!tpu.dma_semaphore, #tpu.memory_space<semaphore_mem>>) {add = true}
    %dma_wait3A_343 = arith.constant 1 : i32
    %dma_wait3A_344 = arith.constant 0 : i32
    %dma_wait3A_345 = tpu.memref_slice %arg13[%dma_wait3A_343, %dma_wait3A_344] : memref<8x128xi32, #tpu.memory_space<vmem>> -> memref<1x128xi32, #tpu.memory_space<vmem>>
    %dma_wait3A_346 = tpu.memref_squeeze %dma_wait3A_345 : memref<1x128xi32, #tpu.memory_space<vmem>> -> memref<128xi32, #tpu.memory_space<vmem>>
    %dma_wait3A_347 = arith.constant 0 : i32
    %dma_wait3A_348 = arith.constant 0 : i32
    %dma_wait3A_349 = tpu.memref_slice %arg14[%dma_wait3A_347, %dma_wait3A_348] : memref<10240x128xf32, #tpu.memory_space<vmem_shared>> -> memref<10240x128xf32, #tpu.memory_space<vmem_shared>>
    tpu.wait_indirect_dma semaphore(%arg17 : memref<!tpu.dma_semaphore, #tpu.memory_space<semaphore_mem>>) src(%arg11 : memref<128x128xf32, #tpu.memory_space<vmem>>) dst(%dma_wait3A_349 : memref<10240x128xf32, #tpu.memory_space<vmem_shared>>)
    %mul3A_350 = arith.constant 10240 : i32
    %mul3A_351 = arith.muli %add3A_264, %mul3A_350 : i32
    %mul3A_352 = arith.constant 640 : i32
    %mul3A_353 = arith.muli %arg1, %mul3A_352 : i32
    %add3A_354 = arith.addi %mul3A_351, %mul3A_353 : i32
    %add3A_355 = arith.constant 384 : i32
    %add3A_356 = arith.addi %add3A_354, %add3A_355 : i32
    %dma_start3A_357 = arith.constant 0 : i32
    %dma_start3A_358 = tpu.memref_slice %arg2[%add3A_356, %dma_start3A_357] : memref<40960x128xf32, #tpu.memory_space<hbm>> -> memref<128x128xf32, #tpu.memory_space<hbm>>
    %dma_start3A_359 = arith.constant 0 : i32
    %dma_start3A_360 = tpu.memref_slice %arg2[%add3A_356, %dma_start3A_359] : memref<40960x128xf32, #tpu.memory_space<hbm>> -> memref<128x128xf32, #tpu.memory_space<hbm>>
    tpu.enqueue_dma source(%dma_start3A_360 : memref<128x128xf32, #tpu.memory_space<hbm>>) target(%arg11 : memref<128x128xf32, #tpu.memory_space<vmem>>) target_semaphore(%arg15 : memref<!tpu.dma_semaphore, #tpu.memory_space<semaphore_mem>>)
    %dma_wait3A_361 = arith.constant 0 : i32
    %dma_wait3A_362 = tpu.memref_slice %arg2[%add3A_356, %dma_wait3A_361] : memref<40960x128xf32, #tpu.memory_space<hbm>> -> memref<128x128xf32, #tpu.memory_space<hbm>>
    %dma_wait3A_363 = arith.constant 0 : i32
    %dma_wait3A_364 = tpu.memref_slice %arg2[%add3A_356, %dma_wait3A_363] : memref<40960x128xf32, #tpu.memory_space<hbm>> -> memref<128x128xf32, #tpu.memory_space<hbm>>
    tpu.wait_dma2 semaphore(%arg15 : memref<!tpu.dma_semaphore, #tpu.memory_space<semaphore_mem>>) src(%dma_wait3A_364 : memref<128x128xf32, #tpu.memory_space<hbm>>) dst(%arg11 : memref<128x128xf32, #tpu.memory_space<vmem>>)
    %dma_start3A_365 = arith.constant 3 : i32
    %dma_start3A_366 = arith.constant 0 : i32
    %dma_start3A_367 = tpu.memref_slice %arg13[%dma_start3A_365, %dma_start3A_366] : memref<8x128xi32, #tpu.memory_space<vmem>> -> memref<1x128xi32, #tpu.memory_space<vmem>>
    %dma_start3A_368 = tpu.memref_squeeze %dma_start3A_367 : memref<1x128xi32, #tpu.memory_space<vmem>> -> memref<128xi32, #tpu.memory_space<vmem>>
    %dma_start3A_369 = arith.constant 0 : i32
    %dma_start3A_370 = arith.constant 0 : i32
    %dma_start3A_371 = tpu.memref_slice %arg14[%dma_start3A_369, %dma_start3A_370] : memref<10240x128xf32, #tpu.memory_space<vmem_shared>> -> memref<10240x128xf32, #tpu.memory_space<vmem_shared>>
    tpu.enqueue_indirect_dma source(%arg11 : memref<128x128xf32, #tpu.memory_space<vmem>>) target(%dma_start3A_371 : memref<10240x128xf32, #tpu.memory_space<vmem_shared>>) offsets(%dma_start3A_368 : memref<128xi32, #tpu.memory_space<vmem>>) semaphore(%arg17 : memref<!tpu.dma_semaphore, #tpu.memory_space<semaphore_mem>>) {add = true}
    %dma_wait3A_372 = arith.constant 2 : i32
    %dma_wait3A_373 = arith.constant 0 : i32
    %dma_wait3A_374 = tpu.memref_slice %arg13[%dma_wait3A_372, %dma_wait3A_373] : memref<8x128xi32, #tpu.memory_space<vmem>> -> memref<1x128xi32, #tpu.memory_space<vmem>>
    %dma_wait3A_375 = tpu.memref_squeeze %dma_wait3A_374 : memref<1x128xi32, #tpu.memory_space<vmem>> -> memref<128xi32, #tpu.memory_space<vmem>>
    %dma_wait3A_376 = arith.constant 0 : i32
    %dma_wait3A_377 = arith.constant 0 : i32
    %dma_wait3A_378 = tpu.memref_slice %arg14[%dma_wait3A_376, %dma_wait3A_377] : memref<10240x128xf32, #tpu.memory_space<vmem_shared>> -> memref<10240x128xf32, #tpu.memory_space<vmem_shared>>
    tpu.wait_indirect_dma semaphore(%arg17 : memref<!tpu.dma_semaphore, #tpu.memory_space<semaphore_mem>>) src(%arg10 : memref<128x128xf32, #tpu.memory_space<vmem>>) dst(%dma_wait3A_378 : memref<10240x128xf32, #tpu.memory_space<vmem_shared>>)
    %mul3A_379 = arith.constant 10240 : i32
    %mul3A_380 = arith.muli %add3A_264, %mul3A_379 : i32
    %mul3A_381 = arith.constant 640 : i32
    %mul3A_382 = arith.muli %arg1, %mul3A_381 : i32
    %add3A_383 = arith.addi %mul3A_380, %mul3A_382 : i32
    %add3A_384 = arith.constant 512 : i32
    %add3A_385 = arith.addi %add3A_383, %add3A_384 : i32
    %dma_start3A_386 = arith.constant 0 : i32
    %dma_start3A_387 = tpu.memref_slice %arg2[%add3A_385, %dma_start3A_386] : memref<40960x128xf32, #tpu.memory_space<hbm>> -> memref<128x128xf32, #tpu.memory_space<hbm>>
    %dma_start3A_388 = arith.constant 0 : i32
    %dma_start3A_389 = tpu.memref_slice %arg2[%add3A_385, %dma_start3A_388] : memref<40960x128xf32, #tpu.memory_space<hbm>> -> memref<128x128xf32, #tpu.memory_space<hbm>>
    tpu.enqueue_dma source(%dma_start3A_389 : memref<128x128xf32, #tpu.memory_space<hbm>>) target(%arg10 : memref<128x128xf32, #tpu.memory_space<vmem>>) target_semaphore(%arg15 : memref<!tpu.dma_semaphore, #tpu.memory_space<semaphore_mem>>)
    %dma_wait3A_390 = arith.constant 0 : i32
    %dma_wait3A_391 = tpu.memref_slice %arg2[%add3A_385, %dma_wait3A_390] : memref<40960x128xf32, #tpu.memory_space<hbm>> -> memref<128x128xf32, #tpu.memory_space<hbm>>
    %dma_wait3A_392 = arith.constant 0 : i32
    %dma_wait3A_393 = tpu.memref_slice %arg2[%add3A_385, %dma_wait3A_392] : memref<40960x128xf32, #tpu.memory_space<hbm>> -> memref<128x128xf32, #tpu.memory_space<hbm>>
    tpu.wait_dma2 semaphore(%arg15 : memref<!tpu.dma_semaphore, #tpu.memory_space<semaphore_mem>>) src(%dma_wait3A_393 : memref<128x128xf32, #tpu.memory_space<hbm>>) dst(%arg10 : memref<128x128xf32, #tpu.memory_space<vmem>>)
    %dma_start3A_394 = arith.constant 4 : i32
    %dma_start3A_395 = arith.constant 0 : i32
    %dma_start3A_396 = tpu.memref_slice %arg13[%dma_start3A_394, %dma_start3A_395] : memref<8x128xi32, #tpu.memory_space<vmem>> -> memref<1x128xi32, #tpu.memory_space<vmem>>
    %dma_start3A_397 = tpu.memref_squeeze %dma_start3A_396 : memref<1x128xi32, #tpu.memory_space<vmem>> -> memref<128xi32, #tpu.memory_space<vmem>>
    %dma_start3A_398 = arith.constant 0 : i32
    %dma_start3A_399 = arith.constant 0 : i32
    %dma_start3A_400 = tpu.memref_slice %arg14[%dma_start3A_398, %dma_start3A_399] : memref<10240x128xf32, #tpu.memory_space<vmem_shared>> -> memref<10240x128xf32, #tpu.memory_space<vmem_shared>>
    tpu.enqueue_indirect_dma source(%arg10 : memref<128x128xf32, #tpu.memory_space<vmem>>) target(%dma_start3A_400 : memref<10240x128xf32, #tpu.memory_space<vmem_shared>>) offsets(%dma_start3A_397 : memref<128xi32, #tpu.memory_space<vmem>>) semaphore(%arg17 : memref<!tpu.dma_semaphore, #tpu.memory_space<semaphore_mem>>) {add = true}
    %dma_wait3A_401 = arith.constant 3 : i32
    %dma_wait3A_402 = arith.constant 0 : i32
    %dma_wait3A_403 = tpu.memref_slice %arg13[%dma_wait3A_401, %dma_wait3A_402] : memref<8x128xi32, #tpu.memory_space<vmem>> -> memref<1x128xi32, #tpu.memory_space<vmem>>
    %dma_wait3A_404 = tpu.memref_squeeze %dma_wait3A_403 : memref<1x128xi32, #tpu.memory_space<vmem>> -> memref<128xi32, #tpu.memory_space<vmem>>
    %dma_wait3A_405 = arith.constant 0 : i32
    %dma_wait3A_406 = arith.constant 0 : i32
    %dma_wait3A_407 = tpu.memref_slice %arg14[%dma_wait3A_405, %dma_wait3A_406] : memref<10240x128xf32, #tpu.memory_space<vmem_shared>> -> memref<10240x128xf32, #tpu.memory_space<vmem_shared>>
    tpu.wait_indirect_dma semaphore(%arg17 : memref<!tpu.dma_semaphore, #tpu.memory_space<semaphore_mem>>) src(%arg11 : memref<128x128xf32, #tpu.memory_space<vmem>>) dst(%dma_wait3A_407 : memref<10240x128xf32, #tpu.memory_space<vmem_shared>>)
    %dma_wait3A_408 = arith.constant 4 : i32
    %dma_wait3A_409 = arith.constant 0 : i32
    %dma_wait3A_410 = tpu.memref_slice %arg13[%dma_wait3A_408, %dma_wait3A_409] : memref<8x128xi32, #tpu.memory_space<vmem>> -> memref<1x128xi32, #tpu.memory_space<vmem>>
    %dma_wait3A_411 = tpu.memref_squeeze %dma_wait3A_410 : memref<1x128xi32, #tpu.memory_space<vmem>> -> memref<128xi32, #tpu.memory_space<vmem>>
    %dma_wait3A_412 = arith.constant 0 : i32
    %dma_wait3A_413 = arith.constant 0 : i32
    %dma_wait3A_414 = tpu.memref_slice %arg14[%dma_wait3A_412, %dma_wait3A_413] : memref<10240x128xf32, #tpu.memory_space<vmem_shared>> -> memref<10240x128xf32, #tpu.memory_space<vmem_shared>>
    tpu.wait_indirect_dma semaphore(%arg17 : memref<!tpu.dma_semaphore, #tpu.memory_space<semaphore_mem>>) src(%arg10 : memref<128x128xf32, #tpu.memory_space<vmem>>) dst(%dma_wait3A_414 : memref<10240x128xf32, #tpu.memory_space<vmem_shared>>)
    %barrier3A_415 = arith.constant 0 : index
    tpu.barrier barrier_id(%barrier3A_415)
    %mul3A_416 = arith.constant 640 : i32
    %mul3A_417 = arith.muli %arg1, %mul3A_416 : i32
    %mul3A_418 = arith.constant 10240 : i32
    %mul3A_419 = arith.muli %add3A_264, %mul3A_418 : i32
    %mul3A_420 = arith.constant 640 : i32
    %mul3A_421 = arith.muli %arg1, %mul3A_420 : i32
    %add3A_422 = arith.addi %mul3A_419, %mul3A_421 : i32
    "tpu.region"() ({
      %run_scoped3A = tpu.sem_alloc : memref<!tpu.dma_semaphore, #tpu.memory_space<semaphore_mem>>
      %dma_start3A_748 = arith.constant 0 : i32
      %dma_start3A_749 = tpu.memref_slice %arg8[%add3A_422, %dma_start3A_748] : memref<40960x128xf32, #tpu.memory_space<hbm>> -> memref<640x128xf32, #tpu.memory_space<hbm>>
      %dma_start3A_750 = arith.constant 0 : i32
      %dma_start3A_751 = tpu.memref_slice %arg14[%mul3A_417, %dma_start3A_750] : memref<10240x128xf32, #tpu.memory_space<vmem_shared>> -> memref<640x128xf32, #tpu.memory_space<vmem_shared>>
      tpu.enqueue_dma source(%dma_start3A_751 : memref<640x128xf32, #tpu.memory_space<vmem_shared>>) target(%dma_start3A_749 : memref<640x128xf32, #tpu.memory_space<hbm>>) target_semaphore(%run_scoped3A : memref<!tpu.dma_semaphore, #tpu.memory_space<semaphore_mem>>)
      %dma_wait3A_752 = arith.constant 0 : i32
      %dma_wait3A_753 = tpu.memref_slice %arg8[%add3A_422, %dma_wait3A_752] : memref<40960x128xf32, #tpu.memory_space<hbm>> -> memref<640x128xf32, #tpu.memory_space<hbm>>
      %dma_wait3A_754 = arith.constant 0 : i32
      %dma_wait3A_755 = tpu.memref_slice %arg14[%mul3A_417, %dma_wait3A_754] : memref<10240x128xf32, #tpu.memory_space<vmem_shared>> -> memref<640x128xf32, #tpu.memory_space<vmem_shared>>
      tpu.wait_dma2 semaphore(%run_scoped3A : memref<!tpu.dma_semaphore, #tpu.memory_space<semaphore_mem>>) src(%dma_wait3A_755 : memref<640x128xf32, #tpu.memory_space<vmem_shared>>) dst(%dma_wait3A_753 : memref<640x128xf32, #tpu.memory_space<hbm>>)
      tpu.yield
    }) : () -> ()
    %mul3A_423 = arith.constant 640 : i32
    %mul3A_424 = arith.muli %arg1, %mul3A_423 : i32
    "tpu.region"() ({
      %run_scoped3A = tpu.sem_alloc : memref<!tpu.dma_semaphore, #tpu.memory_space<semaphore_mem>>
      %dma_start3A_748 = arith.constant 0 : i32
      %dma_start3A_749 = tpu.memref_slice %arg14[%mul3A_424, %dma_start3A_748] : memref<10240x128xf32, #tpu.memory_space<vmem_shared>> -> memref<640x128xf32, #tpu.memory_space<vmem_shared>>
      tpu.enqueue_dma source(%arg5 : memref<640x128xf32, #tpu.memory_space<hbm>>) target(%dma_start3A_749 : memref<640x128xf32, #tpu.memory_space<vmem_shared>>) target_semaphore(%run_scoped3A : memref<!tpu.dma_semaphore, #tpu.memory_space<semaphore_mem>>)
      %dma_wait3A_750 = arith.constant 0 : i32
      %dma_wait3A_751 = tpu.memref_slice %arg14[%mul3A_424, %dma_wait3A_750] : memref<10240x128xf32, #tpu.memory_space<vmem_shared>> -> memref<640x128xf32, #tpu.memory_space<vmem_shared>>
      tpu.wait_dma2 semaphore(%run_scoped3A : memref<!tpu.dma_semaphore, #tpu.memory_space<semaphore_mem>>) src(%arg5 : memref<640x128xf32, #tpu.memory_space<hbm>>) dst(%dma_wait3A_751 : memref<640x128xf32, #tpu.memory_space<vmem_shared>>)
      tpu.yield
    }) : () -> ()
    %barrier3A_425 = arith.constant 0 : index
    tpu.barrier barrier_id(%barrier3A_425)
    "tpu.region"() ({
      %run_scoped3A = tpu.sem_alloc : memref<!tpu.dma_semaphore, #tpu.memory_space<semaphore_mem>>
      tpu.enqueue_dma source(%arg6 : memref<128x128xf32, #tpu.memory_space<hbm>>) target(%arg10 : memref<128x128xf32, #tpu.memory_space<vmem>>) target_semaphore(%run_scoped3A : memref<!tpu.dma_semaphore, #tpu.memory_space<semaphore_mem>>)
      tpu.wait_dma2 semaphore(%run_scoped3A : memref<!tpu.dma_semaphore, #tpu.memory_space<semaphore_mem>>) src(%arg6 : memref<128x128xf32, #tpu.memory_space<hbm>>) dst(%arg10 : memref<128x128xf32, #tpu.memory_space<vmem>>)
      tpu.yield
    }) : () -> ()
    %dma_start3A_426 = arith.constant 0 : i32
    %dma_start3A_427 = arith.constant 0 : i32
    %dma_start3A_428 = tpu.memref_slice %arg13[%dma_start3A_426, %dma_start3A_427] : memref<8x128xi32, #tpu.memory_space<vmem>> -> memref<1x128xi32, #tpu.memory_space<vmem>>
    %dma_start3A_429 = tpu.memref_squeeze %dma_start3A_428 : memref<1x128xi32, #tpu.memory_space<vmem>> -> memref<128xi32, #tpu.memory_space<vmem>>
    %dma_start3A_430 = arith.constant 0 : i32
    %dma_start3A_431 = arith.constant 0 : i32
    %dma_start3A_432 = tpu.memref_slice %arg14[%dma_start3A_430, %dma_start3A_431] : memref<10240x128xf32, #tpu.memory_space<vmem_shared>> -> memref<10240x128xf32, #tpu.memory_space<vmem_shared>>
    tpu.enqueue_indirect_dma source(%arg10 : memref<128x128xf32, #tpu.memory_space<vmem>>) target(%dma_start3A_432 : memref<10240x128xf32, #tpu.memory_space<vmem_shared>>) offsets(%dma_start3A_429 : memref<128xi32, #tpu.memory_space<vmem>>) semaphore(%arg17 : memref<!tpu.dma_semaphore, #tpu.memory_space<semaphore_mem>>) {add = true}
    %dma_start3A_433 = arith.constant 1 : i32
    %dma_start3A_434 = arith.constant 0 : i32
    %dma_start3A_435 = tpu.memref_slice %arg13[%dma_start3A_433, %dma_start3A_434] : memref<8x128xi32, #tpu.memory_space<vmem>> -> memref<1x128xi32, #tpu.memory_space<vmem>>
    %dma_start3A_436 = tpu.memref_squeeze %dma_start3A_435 : memref<1x128xi32, #tpu.memory_space<vmem>> -> memref<128xi32, #tpu.memory_space<vmem>>
    %dma_start3A_437 = arith.constant 0 : i32
    %dma_start3A_438 = arith.constant 0 : i32
    %dma_start3A_439 = tpu.memref_slice %arg14[%dma_start3A_437, %dma_start3A_438] : memref<10240x128xf32, #tpu.memory_space<vmem_shared>> -> memref<10240x128xf32, #tpu.memory_space<vmem_shared>>
    tpu.enqueue_indirect_dma source(%arg10 : memref<128x128xf32, #tpu.memory_space<vmem>>) target(%dma_start3A_439 : memref<10240x128xf32, #tpu.memory_space<vmem_shared>>) offsets(%dma_start3A_436 : memref<128xi32, #tpu.memory_space<vmem>>) semaphore(%arg17 : memref<!tpu.dma_semaphore, #tpu.memory_space<semaphore_mem>>) {add = true}
    %dma_start3A_440 = arith.constant 2 : i32
    %dma_start3A_441 = arith.constant 0 : i32
    %dma_start3A_442 = tpu.memref_slice %arg13[%dma_start3A_440, %dma_start3A_441] : memref<8x128xi32, #tpu.memory_space<vmem>> -> memref<1x128xi32, #tpu.memory_space<vmem>>
    %dma_start3A_443 = tpu.memref_squeeze %dma_start3A_442 : memref<1x128xi32, #tpu.memory_space<vmem>> -> memref<128xi32, #tpu.memory_space<vmem>>
    %dma_start3A_444 = arith.constant 0 : i32
    %dma_start3A_445 = arith.constant 0 : i32
    %dma_start3A_446 = tpu.memref_slice %arg14[%dma_start3A_444, %dma_start3A_445] : memref<10240x128xf32, #tpu.memory_space<vmem_shared>> -> memref<10240x128xf32, #tpu.memory_space<vmem_shared>>
    tpu.enqueue_indirect_dma source(%arg10 : memref<128x128xf32, #tpu.memory_space<vmem>>) target(%dma_start3A_446 : memref<10240x128xf32, #tpu.memory_space<vmem_shared>>) offsets(%dma_start3A_443 : memref<128xi32, #tpu.memory_space<vmem>>) semaphore(%arg17 : memref<!tpu.dma_semaphore, #tpu.memory_space<semaphore_mem>>) {add = true}
    %dma_start3A_447 = arith.constant 3 : i32
    %dma_start3A_448 = arith.constant 0 : i32
    %dma_start3A_449 = tpu.memref_slice %arg13[%dma_start3A_447, %dma_start3A_448] : memref<8x128xi32, #tpu.memory_space<vmem>> -> memref<1x128xi32, #tpu.memory_space<vmem>>
    %dma_start3A_450 = tpu.memref_squeeze %dma_start3A_449 : memref<1x128xi32, #tpu.memory_space<vmem>> -> memref<128xi32, #tpu.memory_space<vmem>>
    %dma_start3A_451 = arith.constant 0 : i32
    %dma_start3A_452 = arith.constant 0 : i32
    %dma_start3A_453 = tpu.memref_slice %arg14[%dma_start3A_451, %dma_start3A_452] : memref<10240x128xf32, #tpu.memory_space<vmem_shared>> -> memref<10240x128xf32, #tpu.memory_space<vmem_shared>>
    tpu.enqueue_indirect_dma source(%arg10 : memref<128x128xf32, #tpu.memory_space<vmem>>) target(%dma_start3A_453 : memref<10240x128xf32, #tpu.memory_space<vmem_shared>>) offsets(%dma_start3A_450 : memref<128xi32, #tpu.memory_space<vmem>>) semaphore(%arg17 : memref<!tpu.dma_semaphore, #tpu.memory_space<semaphore_mem>>) {add = true}
    %dma_start3A_454 = arith.constant 4 : i32
    %dma_start3A_455 = arith.constant 0 : i32
    %dma_start3A_456 = tpu.memref_slice %arg13[%dma_start3A_454, %dma_start3A_455] : memref<8x128xi32, #tpu.memory_space<vmem>> -> memref<1x128xi32, #tpu.memory_space<vmem>>
    %dma_start3A_457 = tpu.memref_squeeze %dma_start3A_456 : memref<1x128xi32, #tpu.memory_space<vmem>> -> memref<128xi32, #tpu.memory_space<vmem>>
    %dma_start3A_458 = arith.constant 0 : i32
    %dma_start3A_459 = arith.constant 0 : i32
    %dma_start3A_460 = tpu.memref_slice %arg14[%dma_start3A_458, %dma_start3A_459] : memref<10240x128xf32, #tpu.memory_space<vmem_shared>> -> memref<10240x128xf32, #tpu.memory_space<vmem_shared>>
    tpu.enqueue_indirect_dma source(%arg10 : memref<128x128xf32, #tpu.memory_space<vmem>>) target(%dma_start3A_460 : memref<10240x128xf32, #tpu.memory_space<vmem_shared>>) offsets(%dma_start3A_457 : memref<128xi32, #tpu.memory_space<vmem>>) semaphore(%arg17 : memref<!tpu.dma_semaphore, #tpu.memory_space<semaphore_mem>>) {add = true}
    %dma_wait3A_461 = arith.constant 0 : i32
    %dma_wait3A_462 = arith.constant 0 : i32
    %dma_wait3A_463 = tpu.memref_slice %arg13[%dma_wait3A_461, %dma_wait3A_462] : memref<8x128xi32, #tpu.memory_space<vmem>> -> memref<1x128xi32, #tpu.memory_space<vmem>>
    %dma_wait3A_464 = tpu.memref_squeeze %dma_wait3A_463 : memref<1x128xi32, #tpu.memory_space<vmem>> -> memref<128xi32, #tpu.memory_space<vmem>>
    %dma_wait3A_465 = arith.constant 0 : i32
    %dma_wait3A_466 = arith.constant 0 : i32
    %dma_wait3A_467 = tpu.memref_slice %arg14[%dma_wait3A_465, %dma_wait3A_466] : memref<10240x128xf32, #tpu.memory_space<vmem_shared>> -> memref<10240x128xf32, #tpu.memory_space<vmem_shared>>
    tpu.wait_indirect_dma semaphore(%arg17 : memref<!tpu.dma_semaphore, #tpu.memory_space<semaphore_mem>>) src(%arg10 : memref<128x128xf32, #tpu.memory_space<vmem>>) dst(%dma_wait3A_467 : memref<10240x128xf32, #tpu.memory_space<vmem_shared>>)
    %dma_wait3A_468 = arith.constant 1 : i32
    %dma_wait3A_469 = arith.constant 0 : i32
    %dma_wait3A_470 = tpu.memref_slice %arg13[%dma_wait3A_468, %dma_wait3A_469] : memref<8x128xi32, #tpu.memory_space<vmem>> -> memref<1x128xi32, #tpu.memory_space<vmem>>
    %dma_wait3A_471 = tpu.memref_squeeze %dma_wait3A_470 : memref<1x128xi32, #tpu.memory_space<vmem>> -> memref<128xi32, #tpu.memory_space<vmem>>
    %dma_wait3A_472 = arith.constant 0 : i32
    %dma_wait3A_473 = arith.constant 0 : i32
    %dma_wait3A_474 = tpu.memref_slice %arg14[%dma_wait3A_472, %dma_wait3A_473] : memref<10240x128xf32, #tpu.memory_space<vmem_shared>> -> memref<10240x128xf32, #tpu.memory_space<vmem_shared>>
    tpu.wait_indirect_dma semaphore(%arg17 : memref<!tpu.dma_semaphore, #tpu.memory_space<semaphore_mem>>) src(%arg10 : memref<128x128xf32, #tpu.memory_space<vmem>>) dst(%dma_wait3A_474 : memref<10240x128xf32, #tpu.memory_space<vmem_shared>>)
    %dma_wait3A_475 = arith.constant 2 : i32
    %dma_wait3A_476 = arith.constant 0 : i32
    %dma_wait3A_477 = tpu.memref_slice %arg13[%dma_wait3A_475, %dma_wait3A_476] : memref<8x128xi32, #tpu.memory_space<vmem>> -> memref<1x128xi32, #tpu.memory_space<vmem>>
    %dma_wait3A_478 = tpu.memref_squeeze %dma_wait3A_477 : memref<1x128xi32, #tpu.memory_space<vmem>> -> memref<128xi32, #tpu.memory_space<vmem>>
    %dma_wait3A_479 = arith.constant 0 : i32
    %dma_wait3A_480 = arith.constant 0 : i32
    %dma_wait3A_481 = tpu.memref_slice %arg14[%dma_wait3A_479, %dma_wait3A_480] : memref<10240x128xf32, #tpu.memory_space<vmem_shared>> -> memref<10240x128xf32, #tpu.memory_space<vmem_shared>>
    tpu.wait_indirect_dma semaphore(%arg17 : memref<!tpu.dma_semaphore, #tpu.memory_space<semaphore_mem>>) src(%arg10 : memref<128x128xf32, #tpu.memory_space<vmem>>) dst(%dma_wait3A_481 : memref<10240x128xf32, #tpu.memory_space<vmem_shared>>)
    %dma_wait3A_482 = arith.constant 3 : i32
    %dma_wait3A_483 = arith.constant 0 : i32
    %dma_wait3A_484 = tpu.memref_slice %arg13[%dma_wait3A_482, %dma_wait3A_483] : memref<8x128xi32, #tpu.memory_space<vmem>> -> memref<1x128xi32, #tpu.memory_space<vmem>>
    %dma_wait3A_485 = tpu.memref_squeeze %dma_wait3A_484 : memref<1x128xi32, #tpu.memory_space<vmem>> -> memref<128xi32, #tpu.memory_space<vmem>>
    %dma_wait3A_486 = arith.constant 0 : i32
    %dma_wait3A_487 = arith.constant 0 : i32
    %dma_wait3A_488 = tpu.memref_slice %arg14[%dma_wait3A_486, %dma_wait3A_487] : memref<10240x128xf32, #tpu.memory_space<vmem_shared>> -> memref<10240x128xf32, #tpu.memory_space<vmem_shared>>
    tpu.wait_indirect_dma semaphore(%arg17 : memref<!tpu.dma_semaphore, #tpu.memory_space<semaphore_mem>>) src(%arg10 : memref<128x128xf32, #tpu.memory_space<vmem>>) dst(%dma_wait3A_488 : memref<10240x128xf32, #tpu.memory_space<vmem_shared>>)
    %dma_wait3A_489 = arith.constant 4 : i32
    %dma_wait3A_490 = arith.constant 0 : i32
    %dma_wait3A_491 = tpu.memref_slice %arg13[%dma_wait3A_489, %dma_wait3A_490] : memref<8x128xi32, #tpu.memory_space<vmem>> -> memref<1x128xi32, #tpu.memory_space<vmem>>
    %dma_wait3A_492 = tpu.memref_squeeze %dma_wait3A_491 : memref<1x128xi32, #tpu.memory_space<vmem>> -> memref<128xi32, #tpu.memory_space<vmem>>
    %dma_wait3A_493 = arith.constant 0 : i32
    %dma_wait3A_494 = arith.constant 0 : i32
    %dma_wait3A_495 = tpu.memref_slice %arg14[%dma_wait3A_493, %dma_wait3A_494] : memref<10240x128xf32, #tpu.memory_space<vmem_shared>> -> memref<10240x128xf32, #tpu.memory_space<vmem_shared>>
    tpu.wait_indirect_dma semaphore(%arg17 : memref<!tpu.dma_semaphore, #tpu.memory_space<semaphore_mem>>) src(%arg10 : memref<128x128xf32, #tpu.memory_space<vmem>>) dst(%dma_wait3A_495 : memref<10240x128xf32, #tpu.memory_space<vmem_shared>>)
    %barrier3A_496 = arith.constant 0 : index
    tpu.barrier barrier_id(%barrier3A_496)
    %mul3A_497 = arith.constant 640 : i32
    %mul3A_498 = arith.muli %arg1, %mul3A_497 : i32
    %mul3A_499 = arith.constant 10240 : i32
    %mul3A_500 = arith.muli %add3A_264, %mul3A_499 : i32
    %mul3A_501 = arith.constant 640 : i32
    %mul3A_502 = arith.muli %arg1, %mul3A_501 : i32
    %add3A_503 = arith.addi %mul3A_500, %mul3A_502 : i32
    "tpu.region"() ({
      %run_scoped3A = tpu.sem_alloc : memref<!tpu.dma_semaphore, #tpu.memory_space<semaphore_mem>>
      %dma_start3A_748 = arith.constant 0 : i32
      %dma_start3A_749 = tpu.memref_slice %arg9[%add3A_503, %dma_start3A_748] : memref<40960x128xf32, #tpu.memory_space<hbm>> -> memref<640x128xf32, #tpu.memory_space<hbm>>
      %dma_start3A_750 = arith.constant 0 : i32
      %dma_start3A_751 = tpu.memref_slice %arg14[%mul3A_498, %dma_start3A_750] : memref<10240x128xf32, #tpu.memory_space<vmem_shared>> -> memref<640x128xf32, #tpu.memory_space<vmem_shared>>
      tpu.enqueue_dma source(%dma_start3A_751 : memref<640x128xf32, #tpu.memory_space<vmem_shared>>) target(%dma_start3A_749 : memref<640x128xf32, #tpu.memory_space<hbm>>) target_semaphore(%run_scoped3A : memref<!tpu.dma_semaphore, #tpu.memory_space<semaphore_mem>>)
      %dma_wait3A_752 = arith.constant 0 : i32
      %dma_wait3A_753 = tpu.memref_slice %arg9[%add3A_503, %dma_wait3A_752] : memref<40960x128xf32, #tpu.memory_space<hbm>> -> memref<640x128xf32, #tpu.memory_space<hbm>>
      %dma_wait3A_754 = arith.constant 0 : i32
      %dma_wait3A_755 = tpu.memref_slice %arg14[%mul3A_498, %dma_wait3A_754] : memref<10240x128xf32, #tpu.memory_space<vmem_shared>> -> memref<640x128xf32, #tpu.memory_space<vmem_shared>>
      tpu.wait_dma2 semaphore(%run_scoped3A : memref<!tpu.dma_semaphore, #tpu.memory_space<semaphore_mem>>) src(%dma_wait3A_755 : memref<640x128xf32, #tpu.memory_space<vmem_shared>>) dst(%dma_wait3A_753 : memref<640x128xf32, #tpu.memory_space<hbm>>)
      tpu.yield
    }) : () -> ()
    %mul3A_504 = arith.constant 2 : i32
    %mul3A_505 = arith.muli %mul3A_504, %arg0 : i32
    %add3A_506 = arith.constant 1 : i32
    %add3A_507 = arith.addi %mul3A_505, %add3A_506 : i32
    %mul3A_508 = arith.constant 16 : i32
    %mul3A_509 = arith.muli %add3A_507, %mul3A_508 : i32
    %add3A_510 = arith.addi %mul3A_509, %arg1 : i32
    %mul3A_511 = arith.constant 8 : i32
    %mul3A_512 = arith.muli %add3A_510, %mul3A_511 : i32
    "tpu.region"() ({
      %run_scoped3A = tpu.sem_alloc : memref<!tpu.dma_semaphore, #tpu.memory_space<semaphore_mem>>
      %dma_start3A_748 = arith.constant 0 : i32
      %dma_start3A_749 = tpu.memref_slice %arg4[%mul3A_512, %dma_start3A_748] : memref<512x128xi32, #tpu.memory_space<hbm>> -> memref<8x128xi32, #tpu.memory_space<hbm>>
      %dma_start3A_750 = arith.constant 0 : i32
      %dma_start3A_751 = tpu.memref_slice %arg4[%mul3A_512, %dma_start3A_750] : memref<512x128xi32, #tpu.memory_space<hbm>> -> memref<8x128xi32, #tpu.memory_space<hbm>>
      tpu.enqueue_dma source(%dma_start3A_751 : memref<8x128xi32, #tpu.memory_space<hbm>>) target(%arg13 : memref<8x128xi32, #tpu.memory_space<vmem>>) target_semaphore(%run_scoped3A : memref<!tpu.dma_semaphore, #tpu.memory_space<semaphore_mem>>)
      %dma_wait3A_752 = arith.constant 0 : i32
      %dma_wait3A_753 = tpu.memref_slice %arg4[%mul3A_512, %dma_wait3A_752] : memref<512x128xi32, #tpu.memory_space<hbm>> -> memref<8x128xi32, #tpu.memory_space<hbm>>
      %dma_wait3A_754 = arith.constant 0 : i32
      %dma_wait3A_755 = tpu.memref_slice %arg4[%mul3A_512, %dma_wait3A_754] : memref<512x128xi32, #tpu.memory_space<hbm>> -> memref<8x128xi32, #tpu.memory_space<hbm>>
      tpu.wait_dma2 semaphore(%run_scoped3A : memref<!tpu.dma_semaphore, #tpu.memory_space<semaphore_mem>>) src(%dma_wait3A_755 : memref<8x128xi32, #tpu.memory_space<hbm>>) dst(%arg13 : memref<8x128xi32, #tpu.memory_space<vmem>>)
      tpu.yield
    }) : () -> ()
    %mul3A_513 = arith.constant 640 : i32
    %mul3A_514 = arith.muli %arg1, %mul3A_513 : i32
    "tpu.region"() ({
      %run_scoped3A = tpu.sem_alloc : memref<!tpu.dma_semaphore, #tpu.memory_space<semaphore_mem>>
      %dma_start3A_748 = arith.constant 0 : i32
      %dma_start3A_749 = tpu.memref_slice %arg14[%mul3A_514, %dma_start3A_748] : memref<10240x128xf32, #tpu.memory_space<vmem_shared>> -> memref<640x128xf32, #tpu.memory_space<vmem_shared>>
      tpu.enqueue_dma source(%arg5 : memref<640x128xf32, #tpu.memory_space<hbm>>) target(%dma_start3A_749 : memref<640x128xf32, #tpu.memory_space<vmem_shared>>) target_semaphore(%run_scoped3A : memref<!tpu.dma_semaphore, #tpu.memory_space<semaphore_mem>>)
      %dma_wait3A_750 = arith.constant 0 : i32
      %dma_wait3A_751 = tpu.memref_slice %arg14[%mul3A_514, %dma_wait3A_750] : memref<10240x128xf32, #tpu.memory_space<vmem_shared>> -> memref<640x128xf32, #tpu.memory_space<vmem_shared>>
      tpu.wait_dma2 semaphore(%run_scoped3A : memref<!tpu.dma_semaphore, #tpu.memory_space<semaphore_mem>>) src(%arg5 : memref<640x128xf32, #tpu.memory_space<hbm>>) dst(%dma_wait3A_751 : memref<640x128xf32, #tpu.memory_space<vmem_shared>>)
      tpu.yield
    }) : () -> ()
    %barrier3A_515 = arith.constant 0 : index
    tpu.barrier barrier_id(%barrier3A_515)
    %mul3A_516 = arith.constant 10240 : i32
    %mul3A_517 = arith.muli %add3A_507, %mul3A_516 : i32
    %mul3A_518 = arith.constant 640 : i32
    %mul3A_519 = arith.muli %arg1, %mul3A_518 : i32
    %add3A_520 = arith.addi %mul3A_517, %mul3A_519 : i32
    %dma_start3A_521 = arith.constant 0 : i32
    %dma_start3A_522 = tpu.memref_slice %arg2[%add3A_520, %dma_start3A_521] : memref<40960x128xf32, #tpu.memory_space<hbm>> -> memref<128x128xf32, #tpu.memory_space<hbm>>
    %dma_start3A_523 = arith.constant 0 : i32
    %dma_start3A_524 = tpu.memref_slice %arg2[%add3A_520, %dma_start3A_523] : memref<40960x128xf32, #tpu.memory_space<hbm>> -> memref<128x128xf32, #tpu.memory_space<hbm>>
    tpu.enqueue_dma source(%dma_start3A_524 : memref<128x128xf32, #tpu.memory_space<hbm>>) target(%arg10 : memref<128x128xf32, #tpu.memory_space<vmem>>) target_semaphore(%arg15 : memref<!tpu.dma_semaphore, #tpu.memory_space<semaphore_mem>>)
    %dma_wait3A_525 = arith.constant 0 : i32
    %dma_wait3A_526 = tpu.memref_slice %arg2[%add3A_520, %dma_wait3A_525] : memref<40960x128xf32, #tpu.memory_space<hbm>> -> memref<128x128xf32, #tpu.memory_space<hbm>>
    %dma_wait3A_527 = arith.constant 0 : i32
    %dma_wait3A_528 = tpu.memref_slice %arg2[%add3A_520, %dma_wait3A_527] : memref<40960x128xf32, #tpu.memory_space<hbm>> -> memref<128x128xf32, #tpu.memory_space<hbm>>
    tpu.wait_dma2 semaphore(%arg15 : memref<!tpu.dma_semaphore, #tpu.memory_space<semaphore_mem>>) src(%dma_wait3A_528 : memref<128x128xf32, #tpu.memory_space<hbm>>) dst(%arg10 : memref<128x128xf32, #tpu.memory_space<vmem>>)
    %dma_start3A_529 = arith.constant 0 : i32
    %dma_start3A_530 = arith.constant 0 : i32
    %dma_start3A_531 = tpu.memref_slice %arg13[%dma_start3A_529, %dma_start3A_530] : memref<8x128xi32, #tpu.memory_space<vmem>> -> memref<1x128xi32, #tpu.memory_space<vmem>>
    %dma_start3A_532 = tpu.memref_squeeze %dma_start3A_531 : memref<1x128xi32, #tpu.memory_space<vmem>> -> memref<128xi32, #tpu.memory_space<vmem>>
    %dma_start3A_533 = arith.constant 0 : i32
    %dma_start3A_534 = arith.constant 0 : i32
    %dma_start3A_535 = tpu.memref_slice %arg14[%dma_start3A_533, %dma_start3A_534] : memref<10240x128xf32, #tpu.memory_space<vmem_shared>> -> memref<10240x128xf32, #tpu.memory_space<vmem_shared>>
    tpu.enqueue_indirect_dma source(%arg10 : memref<128x128xf32, #tpu.memory_space<vmem>>) target(%dma_start3A_535 : memref<10240x128xf32, #tpu.memory_space<vmem_shared>>) offsets(%dma_start3A_532 : memref<128xi32, #tpu.memory_space<vmem>>) semaphore(%arg17 : memref<!tpu.dma_semaphore, #tpu.memory_space<semaphore_mem>>) {add = true}
    %mul3A_536 = arith.constant 10240 : i32
    %mul3A_537 = arith.muli %add3A_507, %mul3A_536 : i32
    %mul3A_538 = arith.constant 640 : i32
    %mul3A_539 = arith.muli %arg1, %mul3A_538 : i32
    %add3A_540 = arith.addi %mul3A_537, %mul3A_539 : i32
    %add3A_541 = arith.constant 128 : i32
    %add3A_542 = arith.addi %add3A_540, %add3A_541 : i32
    %dma_start3A_543 = arith.constant 0 : i32
    %dma_start3A_544 = tpu.memref_slice %arg2[%add3A_542, %dma_start3A_543] : memref<40960x128xf32, #tpu.memory_space<hbm>> -> memref<128x128xf32, #tpu.memory_space<hbm>>
    %dma_start3A_545 = arith.constant 0 : i32
    %dma_start3A_546 = tpu.memref_slice %arg2[%add3A_542, %dma_start3A_545] : memref<40960x128xf32, #tpu.memory_space<hbm>> -> memref<128x128xf32, #tpu.memory_space<hbm>>
    tpu.enqueue_dma source(%dma_start3A_546 : memref<128x128xf32, #tpu.memory_space<hbm>>) target(%arg11 : memref<128x128xf32, #tpu.memory_space<vmem>>) target_semaphore(%arg15 : memref<!tpu.dma_semaphore, #tpu.memory_space<semaphore_mem>>)
    %dma_wait3A_547 = arith.constant 0 : i32
    %dma_wait3A_548 = tpu.memref_slice %arg2[%add3A_542, %dma_wait3A_547] : memref<40960x128xf32, #tpu.memory_space<hbm>> -> memref<128x128xf32, #tpu.memory_space<hbm>>
    %dma_wait3A_549 = arith.constant 0 : i32
    %dma_wait3A_550 = tpu.memref_slice %arg2[%add3A_542, %dma_wait3A_549] : memref<40960x128xf32, #tpu.memory_space<hbm>> -> memref<128x128xf32, #tpu.memory_space<hbm>>
    tpu.wait_dma2 semaphore(%arg15 : memref<!tpu.dma_semaphore, #tpu.memory_space<semaphore_mem>>) src(%dma_wait3A_550 : memref<128x128xf32, #tpu.memory_space<hbm>>) dst(%arg11 : memref<128x128xf32, #tpu.memory_space<vmem>>)
    %dma_start3A_551 = arith.constant 1 : i32
    %dma_start3A_552 = arith.constant 0 : i32
    %dma_start3A_553 = tpu.memref_slice %arg13[%dma_start3A_551, %dma_start3A_552] : memref<8x128xi32, #tpu.memory_space<vmem>> -> memref<1x128xi32, #tpu.memory_space<vmem>>
    %dma_start3A_554 = tpu.memref_squeeze %dma_start3A_553 : memref<1x128xi32, #tpu.memory_space<vmem>> -> memref<128xi32, #tpu.memory_space<vmem>>
    %dma_start3A_555 = arith.constant 0 : i32
    %dma_start3A_556 = arith.constant 0 : i32
    %dma_start3A_557 = tpu.memref_slice %arg14[%dma_start3A_555, %dma_start3A_556] : memref<10240x128xf32, #tpu.memory_space<vmem_shared>> -> memref<10240x128xf32, #tpu.memory_space<vmem_shared>>
    tpu.enqueue_indirect_dma source(%arg11 : memref<128x128xf32, #tpu.memory_space<vmem>>) target(%dma_start3A_557 : memref<10240x128xf32, #tpu.memory_space<vmem_shared>>) offsets(%dma_start3A_554 : memref<128xi32, #tpu.memory_space<vmem>>) semaphore(%arg17 : memref<!tpu.dma_semaphore, #tpu.memory_space<semaphore_mem>>) {add = true}
    %dma_wait3A_558 = arith.constant 0 : i32
    %dma_wait3A_559 = arith.constant 0 : i32
    %dma_wait3A_560 = tpu.memref_slice %arg13[%dma_wait3A_558, %dma_wait3A_559] : memref<8x128xi32, #tpu.memory_space<vmem>> -> memref<1x128xi32, #tpu.memory_space<vmem>>
    %dma_wait3A_561 = tpu.memref_squeeze %dma_wait3A_560 : memref<1x128xi32, #tpu.memory_space<vmem>> -> memref<128xi32, #tpu.memory_space<vmem>>
    %dma_wait3A_562 = arith.constant 0 : i32
    %dma_wait3A_563 = arith.constant 0 : i32
    %dma_wait3A_564 = tpu.memref_slice %arg14[%dma_wait3A_562, %dma_wait3A_563] : memref<10240x128xf32, #tpu.memory_space<vmem_shared>> -> memref<10240x128xf32, #tpu.memory_space<vmem_shared>>
    tpu.wait_indirect_dma semaphore(%arg17 : memref<!tpu.dma_semaphore, #tpu.memory_space<semaphore_mem>>) src(%arg10 : memref<128x128xf32, #tpu.memory_space<vmem>>) dst(%dma_wait3A_564 : memref<10240x128xf32, #tpu.memory_space<vmem_shared>>)
    %mul3A_565 = arith.constant 10240 : i32
    %mul3A_566 = arith.muli %add3A_507, %mul3A_565 : i32
    %mul3A_567 = arith.constant 640 : i32
    %mul3A_568 = arith.muli %arg1, %mul3A_567 : i32
    %add3A_569 = arith.addi %mul3A_566, %mul3A_568 : i32
    %add3A_570 = arith.constant 256 : i32
    %add3A_571 = arith.addi %add3A_569, %add3A_570 : i32
    %dma_start3A_572 = arith.constant 0 : i32
    %dma_start3A_573 = tpu.memref_slice %arg2[%add3A_571, %dma_start3A_572] : memref<40960x128xf32, #tpu.memory_space<hbm>> -> memref<128x128xf32, #tpu.memory_space<hbm>>
    %dma_start3A_574 = arith.constant 0 : i32
    %dma_start3A_575 = tpu.memref_slice %arg2[%add3A_571, %dma_start3A_574] : memref<40960x128xf32, #tpu.memory_space<hbm>> -> memref<128x128xf32, #tpu.memory_space<hbm>>
    tpu.enqueue_dma source(%dma_start3A_575 : memref<128x128xf32, #tpu.memory_space<hbm>>) target(%arg10 : memref<128x128xf32, #tpu.memory_space<vmem>>) target_semaphore(%arg15 : memref<!tpu.dma_semaphore, #tpu.memory_space<semaphore_mem>>)
    %dma_wait3A_576 = arith.constant 0 : i32
    %dma_wait3A_577 = tpu.memref_slice %arg2[%add3A_571, %dma_wait3A_576] : memref<40960x128xf32, #tpu.memory_space<hbm>> -> memref<128x128xf32, #tpu.memory_space<hbm>>
    %dma_wait3A_578 = arith.constant 0 : i32
    %dma_wait3A_579 = tpu.memref_slice %arg2[%add3A_571, %dma_wait3A_578] : memref<40960x128xf32, #tpu.memory_space<hbm>> -> memref<128x128xf32, #tpu.memory_space<hbm>>
    tpu.wait_dma2 semaphore(%arg15 : memref<!tpu.dma_semaphore, #tpu.memory_space<semaphore_mem>>) src(%dma_wait3A_579 : memref<128x128xf32, #tpu.memory_space<hbm>>) dst(%arg10 : memref<128x128xf32, #tpu.memory_space<vmem>>)
    %dma_start3A_580 = arith.constant 2 : i32
    %dma_start3A_581 = arith.constant 0 : i32
    %dma_start3A_582 = tpu.memref_slice %arg13[%dma_start3A_580, %dma_start3A_581] : memref<8x128xi32, #tpu.memory_space<vmem>> -> memref<1x128xi32, #tpu.memory_space<vmem>>
    %dma_start3A_583 = tpu.memref_squeeze %dma_start3A_582 : memref<1x128xi32, #tpu.memory_space<vmem>> -> memref<128xi32, #tpu.memory_space<vmem>>
    %dma_start3A_584 = arith.constant 0 : i32
    %dma_start3A_585 = arith.constant 0 : i32
    %dma_start3A_586 = tpu.memref_slice %arg14[%dma_start3A_584, %dma_start3A_585] : memref<10240x128xf32, #tpu.memory_space<vmem_shared>> -> memref<10240x128xf32, #tpu.memory_space<vmem_shared>>
    tpu.enqueue_indirect_dma source(%arg10 : memref<128x128xf32, #tpu.memory_space<vmem>>) target(%dma_start3A_586 : memref<10240x128xf32, #tpu.memory_space<vmem_shared>>) offsets(%dma_start3A_583 : memref<128xi32, #tpu.memory_space<vmem>>) semaphore(%arg17 : memref<!tpu.dma_semaphore, #tpu.memory_space<semaphore_mem>>) {add = true}
    %dma_wait3A_587 = arith.constant 1 : i32
    %dma_wait3A_588 = arith.constant 0 : i32
    %dma_wait3A_589 = tpu.memref_slice %arg13[%dma_wait3A_587, %dma_wait3A_588] : memref<8x128xi32, #tpu.memory_space<vmem>> -> memref<1x128xi32, #tpu.memory_space<vmem>>
    %dma_wait3A_590 = tpu.memref_squeeze %dma_wait3A_589 : memref<1x128xi32, #tpu.memory_space<vmem>> -> memref<128xi32, #tpu.memory_space<vmem>>
    %dma_wait3A_591 = arith.constant 0 : i32
    %dma_wait3A_592 = arith.constant 0 : i32
    %dma_wait3A_593 = tpu.memref_slice %arg14[%dma_wait3A_591, %dma_wait3A_592] : memref<10240x128xf32, #tpu.memory_space<vmem_shared>> -> memref<10240x128xf32, #tpu.memory_space<vmem_shared>>
    tpu.wait_indirect_dma semaphore(%arg17 : memref<!tpu.dma_semaphore, #tpu.memory_space<semaphore_mem>>) src(%arg11 : memref<128x128xf32, #tpu.memory_space<vmem>>) dst(%dma_wait3A_593 : memref<10240x128xf32, #tpu.memory_space<vmem_shared>>)
    %mul3A_594 = arith.constant 10240 : i32
    %mul3A_595 = arith.muli %add3A_507, %mul3A_594 : i32
    %mul3A_596 = arith.constant 640 : i32
    %mul3A_597 = arith.muli %arg1, %mul3A_596 : i32
    %add3A_598 = arith.addi %mul3A_595, %mul3A_597 : i32
    %add3A_599 = arith.constant 384 : i32
    %add3A_600 = arith.addi %add3A_598, %add3A_599 : i32
    %dma_start3A_601 = arith.constant 0 : i32
    %dma_start3A_602 = tpu.memref_slice %arg2[%add3A_600, %dma_start3A_601] : memref<40960x128xf32, #tpu.memory_space<hbm>> -> memref<128x128xf32, #tpu.memory_space<hbm>>
    %dma_start3A_603 = arith.constant 0 : i32
    %dma_start3A_604 = tpu.memref_slice %arg2[%add3A_600, %dma_start3A_603] : memref<40960x128xf32, #tpu.memory_space<hbm>> -> memref<128x128xf32, #tpu.memory_space<hbm>>
    tpu.enqueue_dma source(%dma_start3A_604 : memref<128x128xf32, #tpu.memory_space<hbm>>) target(%arg11 : memref<128x128xf32, #tpu.memory_space<vmem>>) target_semaphore(%arg15 : memref<!tpu.dma_semaphore, #tpu.memory_space<semaphore_mem>>)
    %dma_wait3A_605 = arith.constant 0 : i32
    %dma_wait3A_606 = tpu.memref_slice %arg2[%add3A_600, %dma_wait3A_605] : memref<40960x128xf32, #tpu.memory_space<hbm>> -> memref<128x128xf32, #tpu.memory_space<hbm>>
    %dma_wait3A_607 = arith.constant 0 : i32
    %dma_wait3A_608 = tpu.memref_slice %arg2[%add3A_600, %dma_wait3A_607] : memref<40960x128xf32, #tpu.memory_space<hbm>> -> memref<128x128xf32, #tpu.memory_space<hbm>>
    tpu.wait_dma2 semaphore(%arg15 : memref<!tpu.dma_semaphore, #tpu.memory_space<semaphore_mem>>) src(%dma_wait3A_608 : memref<128x128xf32, #tpu.memory_space<hbm>>) dst(%arg11 : memref<128x128xf32, #tpu.memory_space<vmem>>)
    %dma_start3A_609 = arith.constant 3 : i32
    %dma_start3A_610 = arith.constant 0 : i32
    %dma_start3A_611 = tpu.memref_slice %arg13[%dma_start3A_609, %dma_start3A_610] : memref<8x128xi32, #tpu.memory_space<vmem>> -> memref<1x128xi32, #tpu.memory_space<vmem>>
    %dma_start3A_612 = tpu.memref_squeeze %dma_start3A_611 : memref<1x128xi32, #tpu.memory_space<vmem>> -> memref<128xi32, #tpu.memory_space<vmem>>
    %dma_start3A_613 = arith.constant 0 : i32
    %dma_start3A_614 = arith.constant 0 : i32
    %dma_start3A_615 = tpu.memref_slice %arg14[%dma_start3A_613, %dma_start3A_614] : memref<10240x128xf32, #tpu.memory_space<vmem_shared>> -> memref<10240x128xf32, #tpu.memory_space<vmem_shared>>
    tpu.enqueue_indirect_dma source(%arg11 : memref<128x128xf32, #tpu.memory_space<vmem>>) target(%dma_start3A_615 : memref<10240x128xf32, #tpu.memory_space<vmem_shared>>) offsets(%dma_start3A_612 : memref<128xi32, #tpu.memory_space<vmem>>) semaphore(%arg17 : memref<!tpu.dma_semaphore, #tpu.memory_space<semaphore_mem>>) {add = true}
    %dma_wait3A_616 = arith.constant 2 : i32
    %dma_wait3A_617 = arith.constant 0 : i32
    %dma_wait3A_618 = tpu.memref_slice %arg13[%dma_wait3A_616, %dma_wait3A_617] : memref<8x128xi32, #tpu.memory_space<vmem>> -> memref<1x128xi32, #tpu.memory_space<vmem>>
    %dma_wait3A_619 = tpu.memref_squeeze %dma_wait3A_618 : memref<1x128xi32, #tpu.memory_space<vmem>> -> memref<128xi32, #tpu.memory_space<vmem>>
    %dma_wait3A_620 = arith.constant 0 : i32
    %dma_wait3A_621 = arith.constant 0 : i32
    %dma_wait3A_622 = tpu.memref_slice %arg14[%dma_wait3A_620, %dma_wait3A_621] : memref<10240x128xf32, #tpu.memory_space<vmem_shared>> -> memref<10240x128xf32, #tpu.memory_space<vmem_shared>>
    tpu.wait_indirect_dma semaphore(%arg17 : memref<!tpu.dma_semaphore, #tpu.memory_space<semaphore_mem>>) src(%arg10 : memref<128x128xf32, #tpu.memory_space<vmem>>) dst(%dma_wait3A_622 : memref<10240x128xf32, #tpu.memory_space<vmem_shared>>)
    %mul3A_623 = arith.constant 10240 : i32
    %mul3A_624 = arith.muli %add3A_507, %mul3A_623 : i32
    %mul3A_625 = arith.constant 640 : i32
    %mul3A_626 = arith.muli %arg1, %mul3A_625 : i32
    %add3A_627 = arith.addi %mul3A_624, %mul3A_626 : i32
    %add3A_628 = arith.constant 512 : i32
    %add3A_629 = arith.addi %add3A_627, %add3A_628 : i32
    %dma_start3A_630 = arith.constant 0 : i32
    %dma_start3A_631 = tpu.memref_slice %arg2[%add3A_629, %dma_start3A_630] : memref<40960x128xf32, #tpu.memory_space<hbm>> -> memref<128x128xf32, #tpu.memory_space<hbm>>
    %dma_start3A_632 = arith.constant 0 : i32
    %dma_start3A_633 = tpu.memref_slice %arg2[%add3A_629, %dma_start3A_632] : memref<40960x128xf32, #tpu.memory_space<hbm>> -> memref<128x128xf32, #tpu.memory_space<hbm>>
    tpu.enqueue_dma source(%dma_start3A_633 : memref<128x128xf32, #tpu.memory_space<hbm>>) target(%arg10 : memref<128x128xf32, #tpu.memory_space<vmem>>) target_semaphore(%arg15 : memref<!tpu.dma_semaphore, #tpu.memory_space<semaphore_mem>>)
    %dma_wait3A_634 = arith.constant 0 : i32
    %dma_wait3A_635 = tpu.memref_slice %arg2[%add3A_629, %dma_wait3A_634] : memref<40960x128xf32, #tpu.memory_space<hbm>> -> memref<128x128xf32, #tpu.memory_space<hbm>>
    %dma_wait3A_636 = arith.constant 0 : i32
    %dma_wait3A_637 = tpu.memref_slice %arg2[%add3A_629, %dma_wait3A_636] : memref<40960x128xf32, #tpu.memory_space<hbm>> -> memref<128x128xf32, #tpu.memory_space<hbm>>
    tpu.wait_dma2 semaphore(%arg15 : memref<!tpu.dma_semaphore, #tpu.memory_space<semaphore_mem>>) src(%dma_wait3A_637 : memref<128x128xf32, #tpu.memory_space<hbm>>) dst(%arg10 : memref<128x128xf32, #tpu.memory_space<vmem>>)
    %dma_start3A_638 = arith.constant 4 : i32
    %dma_start3A_639 = arith.constant 0 : i32
    %dma_start3A_640 = tpu.memref_slice %arg13[%dma_start3A_638, %dma_start3A_639] : memref<8x128xi32, #tpu.memory_space<vmem>> -> memref<1x128xi32, #tpu.memory_space<vmem>>
    %dma_start3A_641 = tpu.memref_squeeze %dma_start3A_640 : memref<1x128xi32, #tpu.memory_space<vmem>> -> memref<128xi32, #tpu.memory_space<vmem>>
    %dma_start3A_642 = arith.constant 0 : i32
    %dma_start3A_643 = arith.constant 0 : i32
    %dma_start3A_644 = tpu.memref_slice %arg14[%dma_start3A_642, %dma_start3A_643] : memref<10240x128xf32, #tpu.memory_space<vmem_shared>> -> memref<10240x128xf32, #tpu.memory_space<vmem_shared>>
    tpu.enqueue_indirect_dma source(%arg10 : memref<128x128xf32, #tpu.memory_space<vmem>>) target(%dma_start3A_644 : memref<10240x128xf32, #tpu.memory_space<vmem_shared>>) offsets(%dma_start3A_641 : memref<128xi32, #tpu.memory_space<vmem>>) semaphore(%arg17 : memref<!tpu.dma_semaphore, #tpu.memory_space<semaphore_mem>>) {add = true}
    %dma_wait3A_645 = arith.constant 3 : i32
    %dma_wait3A_646 = arith.constant 0 : i32
    %dma_wait3A_647 = tpu.memref_slice %arg13[%dma_wait3A_645, %dma_wait3A_646] : memref<8x128xi32, #tpu.memory_space<vmem>> -> memref<1x128xi32, #tpu.memory_space<vmem>>
    %dma_wait3A_648 = tpu.memref_squeeze %dma_wait3A_647 : memref<1x128xi32, #tpu.memory_space<vmem>> -> memref<128xi32, #tpu.memory_space<vmem>>
    %dma_wait3A_649 = arith.constant 0 : i32
    %dma_wait3A_650 = arith.constant 0 : i32
    %dma_wait3A_651 = tpu.memref_slice %arg14[%dma_wait3A_649, %dma_wait3A_650] : memref<10240x128xf32, #tpu.memory_space<vmem_shared>> -> memref<10240x128xf32, #tpu.memory_space<vmem_shared>>
    tpu.wait_indirect_dma semaphore(%arg17 : memref<!tpu.dma_semaphore, #tpu.memory_space<semaphore_mem>>) src(%arg11 : memref<128x128xf32, #tpu.memory_space<vmem>>) dst(%dma_wait3A_651 : memref<10240x128xf32, #tpu.memory_space<vmem_shared>>)
    %dma_wait3A_652 = arith.constant 4 : i32
    %dma_wait3A_653 = arith.constant 0 : i32
    %dma_wait3A_654 = tpu.memref_slice %arg13[%dma_wait3A_652, %dma_wait3A_653] : memref<8x128xi32, #tpu.memory_space<vmem>> -> memref<1x128xi32, #tpu.memory_space<vmem>>
    %dma_wait3A_655 = tpu.memref_squeeze %dma_wait3A_654 : memref<1x128xi32, #tpu.memory_space<vmem>> -> memref<128xi32, #tpu.memory_space<vmem>>
    %dma_wait3A_656 = arith.constant 0 : i32
    %dma_wait3A_657 = arith.constant 0 : i32
    %dma_wait3A_658 = tpu.memref_slice %arg14[%dma_wait3A_656, %dma_wait3A_657] : memref<10240x128xf32, #tpu.memory_space<vmem_shared>> -> memref<10240x128xf32, #tpu.memory_space<vmem_shared>>
    tpu.wait_indirect_dma semaphore(%arg17 : memref<!tpu.dma_semaphore, #tpu.memory_space<semaphore_mem>>) src(%arg10 : memref<128x128xf32, #tpu.memory_space<vmem>>) dst(%dma_wait3A_658 : memref<10240x128xf32, #tpu.memory_space<vmem_shared>>)
    %barrier3A_659 = arith.constant 0 : index
    tpu.barrier barrier_id(%barrier3A_659)
    %mul3A_660 = arith.constant 640 : i32
    %mul3A_661 = arith.muli %arg1, %mul3A_660 : i32
    %mul3A_662 = arith.constant 10240 : i32
    %mul3A_663 = arith.muli %add3A_507, %mul3A_662 : i32
    %mul3A_664 = arith.constant 640 : i32
    %mul3A_665 = arith.muli %arg1, %mul3A_664 : i32
    %add3A_666 = arith.addi %mul3A_663, %mul3A_665 : i32
    "tpu.region"() ({
      %run_scoped3A = tpu.sem_alloc : memref<!tpu.dma_semaphore, #tpu.memory_space<semaphore_mem>>
      %dma_start3A_748 = arith.constant 0 : i32
      %dma_start3A_749 = tpu.memref_slice %arg8[%add3A_666, %dma_start3A_748] : memref<40960x128xf32, #tpu.memory_space<hbm>> -> memref<640x128xf32, #tpu.memory_space<hbm>>
      %dma_start3A_750 = arith.constant 0 : i32
      %dma_start3A_751 = tpu.memref_slice %arg14[%mul3A_661, %dma_start3A_750] : memref<10240x128xf32, #tpu.memory_space<vmem_shared>> -> memref<640x128xf32, #tpu.memory_space<vmem_shared>>
      tpu.enqueue_dma source(%dma_start3A_751 : memref<640x128xf32, #tpu.memory_space<vmem_shared>>) target(%dma_start3A_749 : memref<640x128xf32, #tpu.memory_space<hbm>>) target_semaphore(%run_scoped3A : memref<!tpu.dma_semaphore, #tpu.memory_space<semaphore_mem>>)
      %dma_wait3A_752 = arith.constant 0 : i32
      %dma_wait3A_753 = tpu.memref_slice %arg8[%add3A_666, %dma_wait3A_752] : memref<40960x128xf32, #tpu.memory_space<hbm>> -> memref<640x128xf32, #tpu.memory_space<hbm>>
      %dma_wait3A_754 = arith.constant 0 : i32
      %dma_wait3A_755 = tpu.memref_slice %arg14[%mul3A_661, %dma_wait3A_754] : memref<10240x128xf32, #tpu.memory_space<vmem_shared>> -> memref<640x128xf32, #tpu.memory_space<vmem_shared>>
      tpu.wait_dma2 semaphore(%run_scoped3A : memref<!tpu.dma_semaphore, #tpu.memory_space<semaphore_mem>>) src(%dma_wait3A_755 : memref<640x128xf32, #tpu.memory_space<vmem_shared>>) dst(%dma_wait3A_753 : memref<640x128xf32, #tpu.memory_space<hbm>>)
      tpu.yield
    }) : () -> ()
    %mul3A_667 = arith.constant 640 : i32
    %mul3A_668 = arith.muli %arg1, %mul3A_667 : i32
    "tpu.region"() ({
      %run_scoped3A = tpu.sem_alloc : memref<!tpu.dma_semaphore, #tpu.memory_space<semaphore_mem>>
      %dma_start3A_748 = arith.constant 0 : i32
      %dma_start3A_749 = tpu.memref_slice %arg14[%mul3A_668, %dma_start3A_748] : memref<10240x128xf32, #tpu.memory_space<vmem_shared>> -> memref<640x128xf32, #tpu.memory_space<vmem_shared>>
      tpu.enqueue_dma source(%arg5 : memref<640x128xf32, #tpu.memory_space<hbm>>) target(%dma_start3A_749 : memref<640x128xf32, #tpu.memory_space<vmem_shared>>) target_semaphore(%run_scoped3A : memref<!tpu.dma_semaphore, #tpu.memory_space<semaphore_mem>>)
      %dma_wait3A_750 = arith.constant 0 : i32
      %dma_wait3A_751 = tpu.memref_slice %arg14[%mul3A_668, %dma_wait3A_750] : memref<10240x128xf32, #tpu.memory_space<vmem_shared>> -> memref<640x128xf32, #tpu.memory_space<vmem_shared>>
      tpu.wait_dma2 semaphore(%run_scoped3A : memref<!tpu.dma_semaphore, #tpu.memory_space<semaphore_mem>>) src(%arg5 : memref<640x128xf32, #tpu.memory_space<hbm>>) dst(%dma_wait3A_751 : memref<640x128xf32, #tpu.memory_space<vmem_shared>>)
      tpu.yield
    }) : () -> ()
    %barrier3A_669 = arith.constant 0 : index
    tpu.barrier barrier_id(%barrier3A_669)
    "tpu.region"() ({
      %run_scoped3A = tpu.sem_alloc : memref<!tpu.dma_semaphore, #tpu.memory_space<semaphore_mem>>
      tpu.enqueue_dma source(%arg6 : memref<128x128xf32, #tpu.memory_space<hbm>>) target(%arg10 : memref<128x128xf32, #tpu.memory_space<vmem>>) target_semaphore(%run_scoped3A : memref<!tpu.dma_semaphore, #tpu.memory_space<semaphore_mem>>)
      tpu.wait_dma2 semaphore(%run_scoped3A : memref<!tpu.dma_semaphore, #tpu.memory_space<semaphore_mem>>) src(%arg6 : memref<128x128xf32, #tpu.memory_space<hbm>>) dst(%arg10 : memref<128x128xf32, #tpu.memory_space<vmem>>)
      tpu.yield
    }) : () -> ()
    %dma_start3A_670 = arith.constant 0 : i32
    %dma_start3A_671 = arith.constant 0 : i32
    %dma_start3A_672 = tpu.memref_slice %arg13[%dma_start3A_670, %dma_start3A_671] : memref<8x128xi32, #tpu.memory_space<vmem>> -> memref<1x128xi32, #tpu.memory_space<vmem>>
    %dma_start3A_673 = tpu.memref_squeeze %dma_start3A_672 : memref<1x128xi32, #tpu.memory_space<vmem>> -> memref<128xi32, #tpu.memory_space<vmem>>
    %dma_start3A_674 = arith.constant 0 : i32
    %dma_start3A_675 = arith.constant 0 : i32
    %dma_start3A_676 = tpu.memref_slice %arg14[%dma_start3A_674, %dma_start3A_675] : memref<10240x128xf32, #tpu.memory_space<vmem_shared>> -> memref<10240x128xf32, #tpu.memory_space<vmem_shared>>
    tpu.enqueue_indirect_dma source(%arg10 : memref<128x128xf32, #tpu.memory_space<vmem>>) target(%dma_start3A_676 : memref<10240x128xf32, #tpu.memory_space<vmem_shared>>) offsets(%dma_start3A_673 : memref<128xi32, #tpu.memory_space<vmem>>) semaphore(%arg17 : memref<!tpu.dma_semaphore, #tpu.memory_space<semaphore_mem>>) {add = true}
    %dma_start3A_677 = arith.constant 1 : i32
    %dma_start3A_678 = arith.constant 0 : i32
    %dma_start3A_679 = tpu.memref_slice %arg13[%dma_start3A_677, %dma_start3A_678] : memref<8x128xi32, #tpu.memory_space<vmem>> -> memref<1x128xi32, #tpu.memory_space<vmem>>
    %dma_start3A_680 = tpu.memref_squeeze %dma_start3A_679 : memref<1x128xi32, #tpu.memory_space<vmem>> -> memref<128xi32, #tpu.memory_space<vmem>>
    %dma_start3A_681 = arith.constant 0 : i32
    %dma_start3A_682 = arith.constant 0 : i32
    %dma_start3A_683 = tpu.memref_slice %arg14[%dma_start3A_681, %dma_start3A_682] : memref<10240x128xf32, #tpu.memory_space<vmem_shared>> -> memref<10240x128xf32, #tpu.memory_space<vmem_shared>>
    tpu.enqueue_indirect_dma source(%arg10 : memref<128x128xf32, #tpu.memory_space<vmem>>) target(%dma_start3A_683 : memref<10240x128xf32, #tpu.memory_space<vmem_shared>>) offsets(%dma_start3A_680 : memref<128xi32, #tpu.memory_space<vmem>>) semaphore(%arg17 : memref<!tpu.dma_semaphore, #tpu.memory_space<semaphore_mem>>) {add = true}
    %dma_start3A_684 = arith.constant 2 : i32
    %dma_start3A_685 = arith.constant 0 : i32
    %dma_start3A_686 = tpu.memref_slice %arg13[%dma_start3A_684, %dma_start3A_685] : memref<8x128xi32, #tpu.memory_space<vmem>> -> memref<1x128xi32, #tpu.memory_space<vmem>>
    %dma_start3A_687 = tpu.memref_squeeze %dma_start3A_686 : memref<1x128xi32, #tpu.memory_space<vmem>> -> memref<128xi32, #tpu.memory_space<vmem>>
    %dma_start3A_688 = arith.constant 0 : i32
    %dma_start3A_689 = arith.constant 0 : i32
    %dma_start3A_690 = tpu.memref_slice %arg14[%dma_start3A_688, %dma_start3A_689] : memref<10240x128xf32, #tpu.memory_space<vmem_shared>> -> memref<10240x128xf32, #tpu.memory_space<vmem_shared>>
    tpu.enqueue_indirect_dma source(%arg10 : memref<128x128xf32, #tpu.memory_space<vmem>>) target(%dma_start3A_690 : memref<10240x128xf32, #tpu.memory_space<vmem_shared>>) offsets(%dma_start3A_687 : memref<128xi32, #tpu.memory_space<vmem>>) semaphore(%arg17 : memref<!tpu.dma_semaphore, #tpu.memory_space<semaphore_mem>>) {add = true}
    %dma_start3A_691 = arith.constant 3 : i32
    %dma_start3A_692 = arith.constant 0 : i32
    %dma_start3A_693 = tpu.memref_slice %arg13[%dma_start3A_691, %dma_start3A_692] : memref<8x128xi32, #tpu.memory_space<vmem>> -> memref<1x128xi32, #tpu.memory_space<vmem>>
    %dma_start3A_694 = tpu.memref_squeeze %dma_start3A_693 : memref<1x128xi32, #tpu.memory_space<vmem>> -> memref<128xi32, #tpu.memory_space<vmem>>
    %dma_start3A_695 = arith.constant 0 : i32
    %dma_start3A_696 = arith.constant 0 : i32
    %dma_start3A_697 = tpu.memref_slice %arg14[%dma_start3A_695, %dma_start3A_696] : memref<10240x128xf32, #tpu.memory_space<vmem_shared>> -> memref<10240x128xf32, #tpu.memory_space<vmem_shared>>
    tpu.enqueue_indirect_dma source(%arg10 : memref<128x128xf32, #tpu.memory_space<vmem>>) target(%dma_start3A_697 : memref<10240x128xf32, #tpu.memory_space<vmem_shared>>) offsets(%dma_start3A_694 : memref<128xi32, #tpu.memory_space<vmem>>) semaphore(%arg17 : memref<!tpu.dma_semaphore, #tpu.memory_space<semaphore_mem>>) {add = true}
    %dma_start3A_698 = arith.constant 4 : i32
    %dma_start3A_699 = arith.constant 0 : i32
    %dma_start3A_700 = tpu.memref_slice %arg13[%dma_start3A_698, %dma_start3A_699] : memref<8x128xi32, #tpu.memory_space<vmem>> -> memref<1x128xi32, #tpu.memory_space<vmem>>
    %dma_start3A_701 = tpu.memref_squeeze %dma_start3A_700 : memref<1x128xi32, #tpu.memory_space<vmem>> -> memref<128xi32, #tpu.memory_space<vmem>>
    %dma_start3A_702 = arith.constant 0 : i32
    %dma_start3A_703 = arith.constant 0 : i32
    %dma_start3A_704 = tpu.memref_slice %arg14[%dma_start3A_702, %dma_start3A_703] : memref<10240x128xf32, #tpu.memory_space<vmem_shared>> -> memref<10240x128xf32, #tpu.memory_space<vmem_shared>>
    tpu.enqueue_indirect_dma source(%arg10 : memref<128x128xf32, #tpu.memory_space<vmem>>) target(%dma_start3A_704 : memref<10240x128xf32, #tpu.memory_space<vmem_shared>>) offsets(%dma_start3A_701 : memref<128xi32, #tpu.memory_space<vmem>>) semaphore(%arg17 : memref<!tpu.dma_semaphore, #tpu.memory_space<semaphore_mem>>) {add = true}
    %dma_wait3A_705 = arith.constant 0 : i32
    %dma_wait3A_706 = arith.constant 0 : i32
    %dma_wait3A_707 = tpu.memref_slice %arg13[%dma_wait3A_705, %dma_wait3A_706] : memref<8x128xi32, #tpu.memory_space<vmem>> -> memref<1x128xi32, #tpu.memory_space<vmem>>
    %dma_wait3A_708 = tpu.memref_squeeze %dma_wait3A_707 : memref<1x128xi32, #tpu.memory_space<vmem>> -> memref<128xi32, #tpu.memory_space<vmem>>
    %dma_wait3A_709 = arith.constant 0 : i32
    %dma_wait3A_710 = arith.constant 0 : i32
    %dma_wait3A_711 = tpu.memref_slice %arg14[%dma_wait3A_709, %dma_wait3A_710] : memref<10240x128xf32, #tpu.memory_space<vmem_shared>> -> memref<10240x128xf32, #tpu.memory_space<vmem_shared>>
    tpu.wait_indirect_dma semaphore(%arg17 : memref<!tpu.dma_semaphore, #tpu.memory_space<semaphore_mem>>) src(%arg10 : memref<128x128xf32, #tpu.memory_space<vmem>>) dst(%dma_wait3A_711 : memref<10240x128xf32, #tpu.memory_space<vmem_shared>>)
    %dma_wait3A_712 = arith.constant 1 : i32
    %dma_wait3A_713 = arith.constant 0 : i32
    %dma_wait3A_714 = tpu.memref_slice %arg13[%dma_wait3A_712, %dma_wait3A_713] : memref<8x128xi32, #tpu.memory_space<vmem>> -> memref<1x128xi32, #tpu.memory_space<vmem>>
    %dma_wait3A_715 = tpu.memref_squeeze %dma_wait3A_714 : memref<1x128xi32, #tpu.memory_space<vmem>> -> memref<128xi32, #tpu.memory_space<vmem>>
    %dma_wait3A_716 = arith.constant 0 : i32
    %dma_wait3A_717 = arith.constant 0 : i32
    %dma_wait3A_718 = tpu.memref_slice %arg14[%dma_wait3A_716, %dma_wait3A_717] : memref<10240x128xf32, #tpu.memory_space<vmem_shared>> -> memref<10240x128xf32, #tpu.memory_space<vmem_shared>>
    tpu.wait_indirect_dma semaphore(%arg17 : memref<!tpu.dma_semaphore, #tpu.memory_space<semaphore_mem>>) src(%arg10 : memref<128x128xf32, #tpu.memory_space<vmem>>) dst(%dma_wait3A_718 : memref<10240x128xf32, #tpu.memory_space<vmem_shared>>)
    %dma_wait3A_719 = arith.constant 2 : i32
    %dma_wait3A_720 = arith.constant 0 : i32
    %dma_wait3A_721 = tpu.memref_slice %arg13[%dma_wait3A_719, %dma_wait3A_720] : memref<8x128xi32, #tpu.memory_space<vmem>> -> memref<1x128xi32, #tpu.memory_space<vmem>>
    %dma_wait3A_722 = tpu.memref_squeeze %dma_wait3A_721 : memref<1x128xi32, #tpu.memory_space<vmem>> -> memref<128xi32, #tpu.memory_space<vmem>>
    %dma_wait3A_723 = arith.constant 0 : i32
    %dma_wait3A_724 = arith.constant 0 : i32
    %dma_wait3A_725 = tpu.memref_slice %arg14[%dma_wait3A_723, %dma_wait3A_724] : memref<10240x128xf32, #tpu.memory_space<vmem_shared>> -> memref<10240x128xf32, #tpu.memory_space<vmem_shared>>
    tpu.wait_indirect_dma semaphore(%arg17 : memref<!tpu.dma_semaphore, #tpu.memory_space<semaphore_mem>>) src(%arg10 : memref<128x128xf32, #tpu.memory_space<vmem>>) dst(%dma_wait3A_725 : memref<10240x128xf32, #tpu.memory_space<vmem_shared>>)
    %dma_wait3A_726 = arith.constant 3 : i32
    %dma_wait3A_727 = arith.constant 0 : i32
    %dma_wait3A_728 = tpu.memref_slice %arg13[%dma_wait3A_726, %dma_wait3A_727] : memref<8x128xi32, #tpu.memory_space<vmem>> -> memref<1x128xi32, #tpu.memory_space<vmem>>
    %dma_wait3A_729 = tpu.memref_squeeze %dma_wait3A_728 : memref<1x128xi32, #tpu.memory_space<vmem>> -> memref<128xi32, #tpu.memory_space<vmem>>
    %dma_wait3A_730 = arith.constant 0 : i32
    %dma_wait3A_731 = arith.constant 0 : i32
    %dma_wait3A_732 = tpu.memref_slice %arg14[%dma_wait3A_730, %dma_wait3A_731] : memref<10240x128xf32, #tpu.memory_space<vmem_shared>> -> memref<10240x128xf32, #tpu.memory_space<vmem_shared>>
    tpu.wait_indirect_dma semaphore(%arg17 : memref<!tpu.dma_semaphore, #tpu.memory_space<semaphore_mem>>) src(%arg10 : memref<128x128xf32, #tpu.memory_space<vmem>>) dst(%dma_wait3A_732 : memref<10240x128xf32, #tpu.memory_space<vmem_shared>>)
    %dma_wait3A_733 = arith.constant 4 : i32
    %dma_wait3A_734 = arith.constant 0 : i32
    %dma_wait3A_735 = tpu.memref_slice %arg13[%dma_wait3A_733, %dma_wait3A_734] : memref<8x128xi32, #tpu.memory_space<vmem>> -> memref<1x128xi32, #tpu.memory_space<vmem>>
    %dma_wait3A_736 = tpu.memref_squeeze %dma_wait3A_735 : memref<1x128xi32, #tpu.memory_space<vmem>> -> memref<128xi32, #tpu.memory_space<vmem>>
    %dma_wait3A_737 = arith.constant 0 : i32
    %dma_wait3A_738 = arith.constant 0 : i32
    %dma_wait3A_739 = tpu.memref_slice %arg14[%dma_wait3A_737, %dma_wait3A_738] : memref<10240x128xf32, #tpu.memory_space<vmem_shared>> -> memref<10240x128xf32, #tpu.memory_space<vmem_shared>>
    tpu.wait_indirect_dma semaphore(%arg17 : memref<!tpu.dma_semaphore, #tpu.memory_space<semaphore_mem>>) src(%arg10 : memref<128x128xf32, #tpu.memory_space<vmem>>) dst(%dma_wait3A_739 : memref<10240x128xf32, #tpu.memory_space<vmem_shared>>)
    %barrier3A_740 = arith.constant 0 : index
    tpu.barrier barrier_id(%barrier3A_740)
    %mul3A_741 = arith.constant 640 : i32
    %mul3A_742 = arith.muli %arg1, %mul3A_741 : i32
    %mul3A_743 = arith.constant 10240 : i32
    %mul3A_744 = arith.muli %add3A_507, %mul3A_743 : i32
    %mul3A_745 = arith.constant 640 : i32
    %mul3A_746 = arith.muli %arg1, %mul3A_745 : i32
    %add3A_747 = arith.addi %mul3A_744, %mul3A_746 : i32
    "tpu.region"() ({
      %run_scoped3A = tpu.sem_alloc : memref<!tpu.dma_semaphore, #tpu.memory_space<semaphore_mem>>
      %dma_start3A_748 = arith.constant 0 : i32
      %dma_start3A_749 = tpu.memref_slice %arg9[%add3A_747, %dma_start3A_748] : memref<40960x128xf32, #tpu.memory_space<hbm>> -> memref<640x128xf32, #tpu.memory_space<hbm>>
      %dma_start3A_750 = arith.constant 0 : i32
      %dma_start3A_751 = tpu.memref_slice %arg14[%mul3A_742, %dma_start3A_750] : memref<10240x128xf32, #tpu.memory_space<vmem_shared>> -> memref<640x128xf32, #tpu.memory_space<vmem_shared>>
      tpu.enqueue_dma source(%dma_start3A_751 : memref<640x128xf32, #tpu.memory_space<vmem_shared>>) target(%dma_start3A_749 : memref<640x128xf32, #tpu.memory_space<hbm>>) target_semaphore(%run_scoped3A : memref<!tpu.dma_semaphore, #tpu.memory_space<semaphore_mem>>)
      %dma_wait3A_752 = arith.constant 0 : i32
      %dma_wait3A_753 = tpu.memref_slice %arg9[%add3A_747, %dma_wait3A_752] : memref<40960x128xf32, #tpu.memory_space<hbm>> -> memref<640x128xf32, #tpu.memory_space<hbm>>
      %dma_wait3A_754 = arith.constant 0 : i32
      %dma_wait3A_755 = tpu.memref_slice %arg14[%mul3A_742, %dma_wait3A_754] : memref<10240x128xf32, #tpu.memory_space<vmem_shared>> -> memref<640x128xf32, #tpu.memory_space<vmem_shared>>
      tpu.wait_dma2 semaphore(%run_scoped3A : memref<!tpu.dma_semaphore, #tpu.memory_space<semaphore_mem>>) src(%dma_wait3A_755 : memref<640x128xf32, #tpu.memory_space<vmem_shared>>) dst(%dma_wait3A_753 : memref<640x128xf32, #tpu.memory_space<hbm>>)
      tpu.yield
    }) : () -> ()
    return
  }
}

module attributes {stable_mosaic.version = 14 : i64} {
  func.func @_pre_body(%arg0: i32, %arg1: memref<512x128xf32, #tpu.memory_space<vmem>>, %arg2: memref<128x128xf32, #tpu.memory_space<vmem>>, %arg3: memref<1x128xf32, #tpu.memory_space<vmem>>, %arg4: memref<512x128xf32, #tpu.memory_space<vmem>>) attributes {dimension_semantics = [#tpu.dimension_semantics<arbitrary>], iteration_bounds = array<i64: 80>, scalar_prefetch = 0 : i64, scratch_operands = 0 : i64, tpu.core_type = #tpu.core_type<tc>, window_params = [{transform_indices = @transform_0, window_bounds = array<i64: 512, 128>}, {pipeline_mode = #tpu.pipeline_mode<synchronous>, transform_indices = @transform_1, window_bounds = array<i64: 128, 128>}, {pipeline_mode = #tpu.pipeline_mode<synchronous>, transform_indices = @transform_2, window_bounds = array<i64: 1, 128>}, {transform_indices = @transform_3, window_bounds = array<i64: 512, 128>}]} {
    %get3A = arith.constant 0 : index
    %get3A_0 = arith.constant 0 : index
    %get3A_1 = vector.load %arg1[%get3A, %get3A_0] : memref<512x128xf32, #tpu.memory_space<vmem>>, vector<512x128xf32>
    %get3A_2 = arith.constant 0 : index
    %get3A_3 = arith.constant 0 : index
    %get3A_4 = vector.load %arg2[%get3A_2, %get3A_3] : memref<128x128xf32, #tpu.memory_space<vmem>>, vector<128x128xf32>
    %dot_general3A = arith.constant dense<0.000000e+00> : vector<512x128xf32>
    %dot_general3A_5 = tpu.matmul %get3A_1, %get3A_4, %dot_general3A {dimension_numbers = #tpu.dot_dimension_numbers<[1], [0], [0], [1], [0, 0, 1, 1], [], []>, transpose_lhs_hint = false} : vector<512x128xf32>, vector<128x128xf32>, vector<512x128xf32> -> vector<512x128xf32>
    %get3A_6 = arith.constant 0 : index
    %get3A_7 = arith.constant 0 : index
    %get3A_8 = vector.load %arg3[%get3A_6, %get3A_7] : memref<1x128xf32, #tpu.memory_space<vmem>>, vector<1x128xf32>
    %add3A = vector.broadcast %get3A_8 : vector<1x128xf32> to vector<512x128xf32>
    %add3A_9 = arith.addf %dot_general3A_5, %add3A : vector<512x128xf32>
    %swap3A = arith.constant 0 : index
    %swap3A_10 = arith.constant 0 : index
    %swap3A_11 = vector.load %arg4[%swap3A, %swap3A_10] : memref<512x128xf32, #tpu.memory_space<vmem>>, vector<512x128xf32>
    tpu.vector_store %arg4[%swap3A, %swap3A_10], %add3A_9 {strides = array<i32>} : memref<512x128xf32, #tpu.memory_space<vmem>>, vector<512x128xf32>,
    return
  }
  func.func @transform_0(%arg0: i32) -> (i32, i32) {
    %c0_i32 = arith.constant 0 : i32
    %c0_i32_0 = arith.constant 0 : i32
    return %arg0, %c0_i32 : i32, i32
  }
  func.func @transform_1(%arg0: i32) -> (i32, i32) {
    %c0_i32 = arith.constant 0 : i32
    %c0_i32_0 = arith.constant 0 : i32
    %c0_i32_1 = arith.constant 0 : i32
    return %c0_i32, %c0_i32_0 : i32, i32
  }
  func.func @transform_2(%arg0: i32) -> (i32, i32) {
    %c0_i32 = arith.constant 0 : i32
    %c0_i32_0 = arith.constant 0 : i32
    %c0_i32_1 = arith.constant 0 : i32
    return %c0_i32, %c0_i32_0 : i32, i32
  }
  func.func @transform_3(%arg0: i32) -> (i32, i32) {
    %c0_i32 = arith.constant 0 : i32
    %c0_i32_0 = arith.constant 0 : i32
    return %arg0, %c0_i32 : i32, i32
  }
}

module attributes {stable_mosaic.version = 14 : i64} {
  func.func @_fused_body(%arg0: i32, %arg1: memref<512x128xf32, #tpu.memory_space<vmem>>, %arg2: memref<512x128xf32, #tpu.memory_space<vmem>>, %arg3: memref<512x128xf32, #tpu.memory_space<vmem>>, %arg4: memref<512x128xf32, #tpu.memory_space<vmem>>, %arg5: memref<128x128xf32, #tpu.memory_space<vmem>>, %arg6: memref<128x128xf32, #tpu.memory_space<vmem>>, %arg7: memref<1x128xf32, #tpu.memory_space<vmem>>, %arg8: memref<128x384xf32, #tpu.memory_space<vmem>>, %arg9: memref<1x384xf32, #tpu.memory_space<vmem>>, %arg10: memref<128x384xf32, #tpu.memory_space<vmem>>, %arg11: memref<1x384xf32, #tpu.memory_space<vmem>>, %arg12: memref<512x128xf32, #tpu.memory_space<vmem>>) attributes {dimension_semantics = [#tpu.dimension_semantics<arbitrary>], iteration_bounds = array<i64: 80>, scalar_prefetch = 0 : i64, scratch_operands = 0 : i64, tpu.core_type = #tpu.core_type<tc>, window_params = [{transform_indices = @transform_0, window_bounds = array<i64: 512, 128>}, {transform_indices = @transform_1, window_bounds = array<i64: 512, 128>}, {transform_indices = @transform_2, window_bounds = array<i64: 512, 128>}, {transform_indices = @transform_3, window_bounds = array<i64: 512, 128>}, {pipeline_mode = #tpu.pipeline_mode<synchronous>, transform_indices = @transform_4, window_bounds = array<i64: 128, 128>}, {pipeline_mode = #tpu.pipeline_mode<synchronous>, transform_indices = @transform_5, window_bounds = array<i64: 128, 128>}, {pipeline_mode = #tpu.pipeline_mode<synchronous>, transform_indices = @transform_6, window_bounds = array<i64: 1, 128>}, {pipeline_mode = #tpu.pipeline_mode<synchronous>, transform_indices = @transform_7, window_bounds = array<i64: 128, 384>}, {pipeline_mode = #tpu.pipeline_mode<synchronous>, transform_indices = @transform_8, window_bounds = array<i64: 1, 384>}, {pipeline_mode = #tpu.pipeline_mode<synchronous>, transform_indices = @transform_9, window_bounds = array<i64: 128, 384>}, {pipeline_mode = #tpu.pipeline_mode<synchronous>, transform_indices = @transform_10, window_bounds = array<i64: 1, 384>}, {transform_indices = @transform_11, window_bounds = array<i64: 512, 128>}]} {
    %get3A = arith.constant 0 : index
    %get3A_0 = arith.constant 0 : index
    %get3A_1 = vector.load %arg4[%get3A, %get3A_0] : memref<512x128xf32, #tpu.memory_space<vmem>>, vector<512x128xf32>
    %get3A_2 = arith.constant 0 : index
    %get3A_3 = arith.constant 0 : index
    %get3A_4 = vector.load %arg8[%get3A_2, %get3A_3] : memref<128x384xf32, #tpu.memory_space<vmem>>, vector<128x384xf32>
    %dot_general3A = arith.constant dense<0.000000e+00> : vector<512x384xf32>
    %dot_general3A_5 = tpu.matmul %get3A_1, %get3A_4, %dot_general3A {dimension_numbers = #tpu.dot_dimension_numbers<[1], [0], [0], [1], [0, 0, 1, 1], [], []>, transpose_lhs_hint = false} : vector<512x128xf32>, vector<128x384xf32>, vector<512x384xf32> -> vector<512x384xf32>
    %get3A_6 = arith.constant 0 : index
    %get3A_7 = arith.constant 0 : index
    %get3A_8 = vector.load %arg9[%get3A_6, %get3A_7] : memref<1x384xf32, #tpu.memory_space<vmem>>, vector<1x384xf32>
    %add3A = vector.broadcast %get3A_8 : vector<1x384xf32> to vector<512x384xf32>
    %add3A_9 = arith.addf %dot_general3A_5, %add3A : vector<512x384xf32>
    %get3A_10 = arith.constant 0 : index
    %get3A_11 = arith.constant 0 : index
    %get3A_12 = vector.load %arg3[%get3A_10, %get3A_11] : memref<512x128xf32, #tpu.memory_space<vmem>>, vector<512x128xf32>
    %slice3A = vector.extract_strided_slice %get3A_12 {offsets = [0, 0], sizes = [512, 1], strides = [1, 1]} : vector<512x128xf32> to vector<512x1xf32>
    %max3A = arith.constant 1.000000e+00 : f32
    %max3A_13 = vector.broadcast %max3A : f32 to vector<512x1xf32>
    %max3A_14 = arith.maximumf %slice3A, %max3A_13 : vector<512x1xf32>
    %div3A = arith.constant 1.000000e+00 : f32
    %div3A_15 = vector.broadcast %div3A : f32 to vector<512x1xf32>
    %div3A_16 = arith.divf %div3A_15, %max3A_14 : vector<512x1xf32>
    %get3A_17 = arith.constant 0 : index
    %get3A_18 = arith.constant 0 : index
    %get3A_19 = vector.load %arg1[%get3A_17, %get3A_18] : memref<512x128xf32, #tpu.memory_space<vmem>>, vector<512x128xf32>
    %get3A_20 = arith.constant 0 : index
    %get3A_21 = arith.constant 0 : index
    %get3A_22 = vector.load %arg5[%get3A_20, %get3A_21] : memref<128x128xf32, #tpu.memory_space<vmem>>, vector<128x128xf32>
    %dot_general3A_23 = arith.constant dense<0.000000e+00> : vector<512x128xf32>
    %dot_general3A_24 = tpu.matmul %get3A_19, %get3A_22, %dot_general3A_23 {dimension_numbers = #tpu.dot_dimension_numbers<[1], [0], [0], [1], [0, 0, 1, 1], [], []>, transpose_lhs_hint = false} : vector<512x128xf32>, vector<128x128xf32>, vector<512x128xf32> -> vector<512x128xf32>
    %get3A_25 = arith.constant 0 : index
    %get3A_26 = arith.constant 0 : index
    %get3A_27 = vector.load %arg2[%get3A_25, %get3A_26] : memref<512x128xf32, #tpu.memory_space<vmem>>, vector<512x128xf32>
    %mul3A = vector.broadcast %div3A_16 : vector<512x1xf32> to vector<512x128xf32>
    %mul3A_28 = arith.mulf %get3A_27, %mul3A : vector<512x128xf32>
    %get3A_29 = arith.constant 0 : index
    %get3A_30 = arith.constant 0 : index
    %get3A_31 = vector.load %arg6[%get3A_29, %get3A_30] : memref<128x128xf32, #tpu.memory_space<vmem>>, vector<128x128xf32>
    %dot_general3A_32 = arith.constant dense<0.000000e+00> : vector<512x128xf32>
    %dot_general3A_33 = tpu.matmul %mul3A_28, %get3A_31, %dot_general3A_32 {dimension_numbers = #tpu.dot_dimension_numbers<[1], [0], [0], [1], [0, 0, 1, 1], [], []>, transpose_lhs_hint = false} : vector<512x128xf32>, vector<128x128xf32>, vector<512x128xf32> -> vector<512x128xf32>
    %add3A_34 = arith.addf %dot_general3A_24, %dot_general3A_33 : vector<512x128xf32>
    %get3A_35 = arith.constant 0 : index
    %get3A_36 = arith.constant 0 : index
    %get3A_37 = vector.load %arg7[%get3A_35, %get3A_36] : memref<1x128xf32, #tpu.memory_space<vmem>>, vector<1x128xf32>
    %add3A_38 = vector.broadcast %get3A_37 : vector<1x128xf32> to vector<512x128xf32>
    %add3A_39 = arith.addf %add3A_34, %add3A_38 : vector<512x128xf32>
    %get3A_40 = arith.constant 0 : index
    %get3A_41 = arith.constant 0 : index
    %get3A_42 = vector.load %arg10[%get3A_40, %get3A_41] : memref<128x384xf32, #tpu.memory_space<vmem>>, vector<128x384xf32>
    %dot_general3A_43 = arith.constant dense<0.000000e+00> : vector<512x384xf32>
    %dot_general3A_44 = tpu.matmul %add3A_39, %get3A_42, %dot_general3A_43 {dimension_numbers = #tpu.dot_dimension_numbers<[1], [0], [0], [1], [0, 0, 1, 1], [], []>, transpose_lhs_hint = false} : vector<512x128xf32>, vector<128x384xf32>, vector<512x384xf32> -> vector<512x384xf32>
    %get3A_45 = arith.constant 0 : index
    %get3A_46 = arith.constant 0 : index
    %get3A_47 = vector.load %arg11[%get3A_45, %get3A_46] : memref<1x384xf32, #tpu.memory_space<vmem>>, vector<1x384xf32>
    %add3A_48 = vector.broadcast %get3A_47 : vector<1x384xf32> to vector<512x384xf32>
    %add3A_49 = arith.addf %dot_general3A_44, %add3A_48 : vector<512x384xf32>
    %slice3A_50 = vector.extract_strided_slice %add3A_9 {offsets = [0, 0], sizes = [512, 128], strides = [1, 1]} : vector<512x384xf32> to vector<512x128xf32>
    %slice3A_51 = vector.extract_strided_slice %add3A_49 {offsets = [0, 0], sizes = [512, 128], strides = [1, 1]} : vector<512x384xf32> to vector<512x128xf32>
    %add3A_52 = arith.addf %slice3A_50, %slice3A_51 : vector<512x128xf32>
    %logistic3A = arith.negf %add3A_52 : vector<512x128xf32>
    %logistic3A_53 = math.exp %logistic3A : vector<512x128xf32>
    %logistic3A_54 = arith.constant 1.000000e+00 : f32
    %logistic3A_55 = vector.broadcast %logistic3A_54 : f32 to vector<512x128xf32>
    %logistic3A_56 = arith.addf %logistic3A_55, %logistic3A_53 : vector<512x128xf32>
    %logistic3A_57 = arith.divf %logistic3A_55, %logistic3A_56 : vector<512x128xf32>
    %slice3A_58 = vector.extract_strided_slice %add3A_9 {offsets = [0, 128], sizes = [512, 128], strides = [1, 1]} : vector<512x384xf32> to vector<512x128xf32>
    %slice3A_59 = vector.extract_strided_slice %add3A_49 {offsets = [0, 128], sizes = [512, 128], strides = [1, 1]} : vector<512x384xf32> to vector<512x128xf32>
    %add3A_60 = arith.addf %slice3A_58, %slice3A_59 : vector<512x128xf32>
    %logistic3A_61 = arith.negf %add3A_60 : vector<512x128xf32>
    %logistic3A_62 = math.exp %logistic3A_61 : vector<512x128xf32>
    %logistic3A_63 = arith.constant 1.000000e+00 : f32
    %logistic3A_64 = vector.broadcast %logistic3A_63 : f32 to vector<512x128xf32>
    %logistic3A_65 = arith.addf %logistic3A_64, %logistic3A_62 : vector<512x128xf32>
    %logistic3A_66 = arith.divf %logistic3A_64, %logistic3A_65 : vector<512x128xf32>
    %slice3A_67 = vector.extract_strided_slice %add3A_9 {offsets = [0, 256], sizes = [512, 128], strides = [1, 1]} : vector<512x384xf32> to vector<512x128xf32>
    %slice3A_68 = vector.extract_strided_slice %add3A_49 {offsets = [0, 256], sizes = [512, 128], strides = [1, 1]} : vector<512x384xf32> to vector<512x128xf32>
    %mul3A_69 = arith.mulf %logistic3A_57, %slice3A_68 : vector<512x128xf32>
    %add3A_70 = arith.addf %slice3A_67, %mul3A_69 : vector<512x128xf32>
    %tanh3A = math.tanh %add3A_70 : vector<512x128xf32>
    %sub3A = arith.constant 1.000000e+00 : f32
    %sub3A_71 = vector.broadcast %sub3A : f32 to vector<512x128xf32>
    %sub3A_72 = arith.subf %sub3A_71, %logistic3A_66 : vector<512x128xf32>
    %mul3A_73 = arith.mulf %sub3A_72, %tanh3A : vector<512x128xf32>
    %mul3A_74 = arith.mulf %logistic3A_66, %add3A_39 : vector<512x128xf32>
    %add3A_75 = arith.addf %mul3A_73, %mul3A_74 : vector<512x128xf32>
    %swap3A = arith.constant 0 : index
    %swap3A_76 = arith.constant 0 : index
    %swap3A_77 = vector.load %arg12[%swap3A, %swap3A_76] : memref<512x128xf32, #tpu.memory_space<vmem>>, vector<512x128xf32>
    tpu.vector_store %arg12[%swap3A, %swap3A_76], %add3A_75 {strides = array<i32>} : memref<512x128xf32, #tpu.memory_space<vmem>>, vector<512x128xf32>,
    return
  }
  func.func @transform_0(%arg0: i32) -> (i32, i32) {
    %c0_i32 = arith.constant 0 : i32
    %c0_i32_0 = arith.constant 0 : i32
    return %arg0, %c0_i32 : i32, i32
  }
  func.func @transform_1(%arg0: i32) -> (i32, i32) {
    %c0_i32 = arith.constant 0 : i32
    %c0_i32_0 = arith.constant 0 : i32
    return %arg0, %c0_i32 : i32, i32
  }
  func.func @transform_2(%arg0: i32) -> (i32, i32) {
    %c0_i32 = arith.constant 0 : i32
    %c0_i32_0 = arith.constant 0 : i32
    return %arg0, %c0_i32 : i32, i32
  }
  func.func @transform_3(%arg0: i32) -> (i32, i32) {
    %c0_i32 = arith.constant 0 : i32
    %c0_i32_0 = arith.constant 0 : i32
    return %arg0, %c0_i32 : i32, i32
  }
  func.func @transform_4(%arg0: i32) -> (i32, i32) {
    %c0_i32 = arith.constant 0 : i32
    %c0_i32_0 = arith.constant 0 : i32
    %c0_i32_1 = arith.constant 0 : i32
    return %c0_i32, %c0_i32_0 : i32, i32
  }
  func.func @transform_5(%arg0: i32) -> (i32, i32) {
    %c0_i32 = arith.constant 0 : i32
    %c0_i32_0 = arith.constant 0 : i32
    %c0_i32_1 = arith.constant 0 : i32
    return %c0_i32, %c0_i32_0 : i32, i32
  }
  func.func @transform_6(%arg0: i32) -> (i32, i32) {
    %c0_i32 = arith.constant 0 : i32
    %c0_i32_0 = arith.constant 0 : i32
    %c0_i32_1 = arith.constant 0 : i32
    return %c0_i32, %c0_i32_0 : i32, i32
  }
  func.func @transform_7(%arg0: i32) -> (i32, i32) {
    %c0_i32 = arith.constant 0 : i32
    %c0_i32_0 = arith.constant 0 : i32
    %c0_i32_1 = arith.constant 0 : i32
    return %c0_i32, %c0_i32_0 : i32, i32
  }
  func.func @transform_8(%arg0: i32) -> (i32, i32) {
    %c0_i32 = arith.constant 0 : i32
    %c0_i32_0 = arith.constant 0 : i32
    %c0_i32_1 = arith.constant 0 : i32
    return %c0_i32, %c0_i32_0 : i32, i32
  }
  func.func @transform_9(%arg0: i32) -> (i32, i32) {
    %c0_i32 = arith.constant 0 : i32
    %c0_i32_0 = arith.constant 0 : i32
    %c0_i32_1 = arith.constant 0 : i32
    return %c0_i32, %c0_i32_0 : i32, i32
  }
  func.func @transform_10(%arg0: i32) -> (i32, i32) {
    %c0_i32 = arith.constant 0 : i32
    %c0_i32_0 = arith.constant 0 : i32
    %c0_i32_1 = arith.constant 0 : i32
    return %c0_i32, %c0_i32_0 : i32, i32
  }
  func.func @transform_11(%arg0: i32) -> (i32, i32) {
    %c0_i32 = arith.constant 0 : i32
    %c0_i32_0 = arith.constant 0 : i32
    return %arg0, %c0_i32 : i32, i32
  }
}

</mosaic_0001>

<sc_bundles>
// kernel: closed_call.9.cloned.1.call-start
scs
__scs_entry_jumppad:
0x0: {  	(pc) =	sbr.rel $0x88, $3  }
0x1: {  	(tag) =	ssettag $0x0;
	lr =	simm.s32 $0x1  }
0x2: {  	[smem:$0x3F95] =	sst lr;
	_ =	strace $0xD0000000  }
0x3: {  	_ = 	snop  }
0x4: {  	_ = 	snop  }
0x5: {  	_ = 	snop  }
0x6: {  	_ = 	snop  }
0x7: {  	_ = 	snop  }
__scs_overlays_trampoline_lowered:
0x8: {  	[smem:$0x3FA4] =	sst s0  }
0x9: {  	[smem:$0x3FA5] =	sst s1  }
0xa: {  	[smem:$0x3FA6] =	sst s2  }
0xb: {  	[smem:$0x3FA7] =	sst s3  }
0xc: {  	[smem:$0x3FA8] =	sst s4  }
0xd: {  	[smem:$0x3FA9] =	sst s5  }
0xe: {  	[smem:$0x3FAA] =	sst s6  }
0xf: {  	[smem:$0x3FAB] =	sst s7  }
0x10: {  	[smem:$0x3FAC] =	sst s8  }
0x11: {  	[smem:$0x3FAD] =	sst s9;
	s0 =	simm.s32 @!p0 $0x0  }
0x12: {  	s1 =	sld [smem:$0x3F93];
	s0 =	simm.s32 @p0 $0x1  }
0x13: {  	[smem:$0x3FAE] =	sst s0;
	s0 =	simm.s32 @!p1 $0x0  }
0x14: {  	s2 =	sld [smem:$0x3F92];
	s0 =	simm.s32 @p1 $0x1  }
0x15: {  	[smem:$0x3FAF] =	sst s0;
	s0 =	simm.s32 @!p2 $0x0  }
0x16: {  	s3 =	sld [smem:$0x3FDB];
	s0 =	simm.s32 @p2 $0x1  }
0x17: {  	s4 =	simm.s32 $0x1BF5;
	[smem:$0x3FB1] =	sst s0  }
0x18: {  	s0 =	sld [smem:$0x3F94];
	_ =	swait.ge [sflag:s4], $0x0  }
0x19: {  	s7 =	sld [smem:$0x3F95]  }
0x1a: {  	s8 =	sadd.s32 $0xFFFFE003, lr  }
0x1b: {  	s9 =	sadd.s32 $0xFFFFFEF7, lr;
	s5 =	simm.s32 $0xFFFFFFFF;
	p2 =	slt.u32 s8, $0xFFFFF086  }
0x1c: {  	p1 =	slt.u32 s9, $0xF7A;
	s5 =	simm.s32 @!p2 $0x0  }
0x1d: {  	s5 =	simm.s32 @p1 $0x1;
	p0 =	seq.s32 s7, s2  }
0x1e: {  	s7 =	smul.u32 @!p0 $0xF7A, s2;
	p2 =	seq.s32 @!p0 s5, $0x0  }
0x1f: {  	s9 =	smul.u32 $0xF7A, s1;
	s8 =	simm.s32 @!p0 $0x1BF5;
	p2 =	por !p2, p0  }
0x20: {  	[sflag:s8] =	ssyncset.s32 @!p0 $0xFFFFF086;
	s6 =	sadd.s32 @!p0 s3, s7;
	s7 =	simm.s32 @!p0 $0x108  }
0x21: {  	s3 =	sadd.s32 s3, s9;
	s6 =	sadd.s32 @!p0 $0x88, s6;
	s7 =	simm.s32 @p2 $0x1082  }
0x22: {  	[simem:s7], [sflag:s8] =	dma.local @!p0 [hbm:s6], $0xF7A  }
0x23: {  	s9 =	sor.u32 $0xD0000000, s2;
	s6 =	simm.s32 $0x108;
	_ =	swait.ge @!p0 [sflag:s8], $0x0  }
0x24: {  	s3 =	sadd.s32 $0x88, s3;
	s6 =	simm.s32 @!p1 $0x1082;
	[sflag:s4] =	ssyncset.s32 $0xFFFFF086  }
0x25: {  	[simem:s6], [sflag:s4] =	dma.local [hbm:s3], $0xF7A  }
0x26: {  	[smem:$0x3F95] =	sst s1;
	(tag) =	ssettag s2;
	_ =	strace s9  }
0x27: {  	s1 =	sld [smem:$0x3FA5]  }
0x28: {  	s2 =	sld [smem:$0x3FA6]  }
0x29: {  	s4 =	sld [smem:$0x3FA8]  }
0x2a: {  	p0 =	seq.s32 s5, $0x0;
	s5 =	sld [smem:$0x3FA9]  }
0x2b: {  	s6 =	sld [smem:$0x3FAA]  }
0x2c: {  	s7 =	sld [smem:$0x3FAB]  }
0x2d: {  	s3 =	simm.s32 $0x108;
	s8 =	sld [smem:$0x3FAC]  }
0x2e: {  	s3 =	simm.s32 @!p0 $0x1082;
	s9 =	sld [smem:$0x3FAD]  }
0x2f: {  	lr =	sadd.s32 s0, s3;
	s0 =	sld [smem:$0x3FA4]  }
0x30: {  	s3 =	sld [smem:$0x3FA7]  }
0x31: {  	[smem:$0x3FB0] =	sst s10  }
0x32: {  	s10 =	sld [smem:$0x3FAE];
	_ =	sdelay $0x3  }
0x33: {  	p0 =	seq.s32 s10, $0x1;
	s10 =	sld [smem:$0x3FB0];
	_ =	sdelay $0x3  }
0x34: {  	[smem:$0x3FB0] =	sst s10  }
0x35: {  	s10 =	sld [smem:$0x3FAF];
	_ =	sdelay $0x3  }
0x36: {  	p1 =	seq.s32 s10, $0x1;
	s10 =	sld [smem:$0x3FB0];
	_ =	sdelay $0x3  }
0x37: {  	[smem:$0x3FB0] =	sst s10  }
0x38: {  	s10 =	sld [smem:$0x3FB1]  }
0x39: {  	_ = 	snop;
	(pc) =	sbr.ind lr, $3  }
0x3a: {  	_ = 	snop  }
0x3b: {  	_ = 	snop  }
0x3c: {  	p2 =	seq.s32 s10, $0x1;
	s10 =	sld [smem:$0x3FB0]  }
0x3d: {  	_ =	shalt  }
0x3e: {  	_ =	shalt  }
0x3f: {  	_ =	shalt  }
0x40: {  	_ =	shalt  }
0x41: {  	_ =	shalt  }
0x42: {  	_ =	shalt  }
0x43: {  	_ =	shalt  }
0x44: {  	_ =	shalt  }
0x45: {  	_ =	shalt  }
0x46: {  	_ =	shalt  }
0x47: {  	_ =	shalt  }
0x48: {  	_ =	shalt  }
0x49: {  	_ =	shalt  }
0x4a: {  	_ =	shalt  }
0x4b: {  	_ =	shalt  }
0x4c: {  	_ =	shalt  }
0x4d: {  	_ =	shalt  }
0x4e: {  	_ =	shalt  }
0x4f: {  	_ =	shalt  }
0x50: {  	_ =	shalt  }
0x51: {  	_ =	shalt  }
0x52: {  	_ =	shalt  }
0x53: {  	_ =	shalt  }
0x54: {  	_ =	shalt  }
0x55: {  	_ =	shalt  }
0x56: {  	_ =	shalt  }
0x57: {  	_ =	shalt  }
0x58: {  	_ =	shalt  }
0x59: {  	_ =	shalt  }
0x5a: {  	_ =	shalt  }
0x5b: {  	_ =	shalt  }
0x5c: {  	_ =	shalt  }
0x5d: {  	_ =	shalt  }
0x5e: {  	_ =	shalt  }
0x5f: {  	_ =	shalt  }
0x60: {  	_ =	shalt  }
0x61: {  	_ =	shalt  }
0x62: {  	_ =	shalt  }
0x63: {  	_ =	shalt  }
0x64: {  	_ =	shalt  }
0x65: {  	_ =	shalt  }
0x66: {  	_ =	shalt  }
0x67: {  	_ =	shalt  }
0x68: {  	_ =	shalt  }
0x69: {  	_ =	shalt  }
0x6a: {  	_ =	shalt  }
0x6b: {  	_ =	shalt  }
0x6c: {  	_ =	shalt  }
0x6d: {  	_ =	shalt  }
0x6e: {  	_ =	shalt  }
0x6f: {  	_ =	shalt  }
0x70: {  	_ =	shalt  }
0x71: {  	_ =	shalt  }
0x72: {  	_ =	shalt  }
0x73: {  	_ =	shalt  }
0x74: {  	_ =	shalt  }
0x75: {  	_ =	shalt  }
0x76: {  	_ =	shalt  }
0x77: {  	_ =	shalt  }
0x78: {  	_ =	shalt  }
0x79: {  	_ =	shalt  }
0x7a: {  	_ =	shalt  }
0x7b: {  	_ =	shalt  }
0x7c: {  	_ =	shalt  }
0x7d: {  	_ =	shalt  }
0x7e: {  	_ =	shalt  }
0x7f: {  	_ =	shalt  }
0x80: {  	_ =	shalt  }
0x81: {  	_ =	shalt  }
0x82: {  	_ =	shalt  }
0x83: {  	_ =	shalt  }
0x84: {  	_ =	shalt  }
0x85: {  	_ =	shalt  }
0x86: {  	_ =	shalt  }
0x87: {  	_ =	shalt  }
.Lfunc_end0:
.L_simem_size_0:
called_computation_lowered:
.L_overlay_start_0:
0x88: {  	s2 =	sld [smem:$0x3FD9]  }
0x89: {  	s3 =	sld [smem:$0x3FFE];
	_ =	sdelay $0x1  }
0x8a: {  	s1 =	srdreg.scid  }
0x8b: {  	s0 =	sand.u32 $0x1, s1  }
0x8c: {  	s17 =	sshll.u32 s0, $0xA;
	s2 =	sadd.s32 s3, s2  }
0x8d: {  	s2 =	sadd.s32 s2, s17  }
0x8e: {  	[smem:$0x3FBC] =	sst s2  }
0x8f: {  	_ = 	snop  }
0x90: {  	s2 =	sld [smem:$0x3FD0];
	(tm) =	ssettm $0x1  }
0x91: {  	s18 =	sld [smem:$0x3FFB];
	_ =	sdelay $0x3  }
0x92: {  	_ =	strace s18  }
0x93: {  	s3 =	sld [smem:$0x3FFC];
	_ =	sdelay $0x3  }
0x94: {  	_ =	strace s3  }
0x95: {  	s3 =	sld [smem:$0x3FFD];
	_ =	sdelay $0x3  }
0x96: {  	_ =	strace s3  }
0x97: {  	_ =	strace $0x8FFFFFFF  }
0x98: {  	s19 =	sld [smem:$0x3FDB];
	_ =	sdelay $0x1  }
0x99: {  	s4 =	simm.s32 $_scs_section_size  }
0x9a: {  	s5 =	simm.s32 $_size__tile_overlayer_lowered;
	s6 =	simm.s32 $_tile_overlayer_lowered  }
0x9b: {  	s22 =	simm.s32 $0x1BFF;
	s21 =	sshll.u32 s6, $0x1;
	s3 =	sadd.s32 s4, s19  }
0x9c: {  	s7 =	simm.s32 $0x0;
	s20 =	sshll.u32 s5, $0x1;
	s5 =	sadd.s32 s21, s3  }
0x9d: {  	[timem:s7], [sflag:s22] =	dma.local [hbm:s5], s20  }
0x9e: {  	_ =	swait.ge [sflag:s22], s20  }
0x9f: {  	s4 =	ssub.s32 $0x0, s20;
	[sflag:s22] =	ssyncset.done $0x0  }
0xa0: {  	[sflag:s22] =	ssyncadd.s32 s4;
	_ =	sdelay $0x1  }
0xa1: {  	s23 =	simm.s32 $0x1B8B  }
0xa2: {  	_ =	swait.ge [sflag:s23], $0x1  }
0xa3: {  	[sflag:s23] =	ssyncset.done $0x0  }
0xa4: {  	s25 =	simm.s32 $0x1B8E;
	s24 =	sld [smem:$0x3FFE];
	[sflag:s23] =	ssyncadd.s32 $0xFFFFFFFF  }
0xa5: {  	s26 =	simm.s32 $execute0_lowered;
	[smem:$0x3FD2] =	sst s25  }
0xa6: {  	s5 =	sshll.u32 s26, $0x1;
	_ =	strace $0x80000046;
	[dreg:$0x1] =	wrdreg $0xFFFFFFFF  }
0xa7: {  	s28 =	simm.s32 $_size_execute0_lowered;
	s3 =	sadd.s32 s3, s5;
	[dreg:$0x0] =	wrdreg $0x0  }
0xa8: {  	s5 =	sshll.u32 s28, $0x1;
	[dreg:$0x2] =	wrdreg s3  }
0xa9: {  	[dreg:$0x3] =	wrdreg s5  }
0xaa: {  	[dreg:$0x4] =	wrdreg $0xC0  }
0xab: {  	_ =	task [dreg:s7], $0x5FFFF  }
0xac: {  	[dreg:$0x1] =	wrdreg $0xFFFFFFFF  }
0xad: {  	[dreg:$0x0] =	wrdreg $0x60  }
0xae: {  	[dreg:$0x2] =	wrdreg s24  }
0xaf: {  	[dreg:$0x3] =	wrdreg s2  }
0xb0: {  	[dreg:$0x4] =	wrdreg $0x8C000  }
0xb1: {  	[dreg:$0x5] =	wrdreg $0x9  }
0xb2: {  	_ =	task.clear_ibuf [dreg:s7], $0x6FFFF;
	_ =	strace $0x90000046  }
0xb3: {  	s29 =	simm.s32 $0x9;
	_ =	strace $0x80000048  }
0xb4: {  	_ =	swait.ge [sflag:s29], $0x1  }
0xb5: {  	[sflag:s29] =	ssyncadd.s32 $0xFFFFFFFF  }
0xb6: {  	_ =	strace $0x90000048  }
0xb7: {  	_ =	sfence  }
0xb8: {  	s30 =	sld [smem:$0x0];
	_ =	sdelay $0x2  }
0xb9: {  	s31 =	sshll.u32 s1, $0xD;
	s1 =	sshrl.u32 s1, $0x2  }
0xba: {  	s3 =	sand.u32 $0x4000, s31;
	s1 =	sadd.s32 s1, s30  }
0xbb: {  	s0 =	sor.u32 s3, s0;
	s1 =	sshll.u32 s1, $0x11  }
0xbc: {  	s0 =	sor.u32 s1, s0  }
0xbd: {  	s0 =	sadd.s32 $0x8F2B, s0  }
0xbe: {  	[sflag:s0] =	ssyncadd.remote.s32 $0x1  }
0xbf: {  	_ =	sfence.sel $0xFFFF  }
0xc0: {  	[dreg:$0x0] =	wrdreg $0xFFFFFFFF;
	(pc) =	sbr.abs _section_cstart, $3  }
0xc1: {  	[dreg:$0x1] =	wrdreg $0xFFFFFFFF  }
0xc2: {  	_ =	task.clear_ibuf [dreg:s7], $0x2FFFF;
	_ =	strace $0x9FFFFFFF  }
0xc3: {  	(tm) =	ssettm $0x7FFFFFFF  }
tec
execute0_lowered:
.L_overlay_start_1:
0x0: {  	(tag) =	ssettag $0x1  }
0x1: {  	s6 =	rddreg [dreg:$0x0]  }
0x2: {  	s0 =	srdreg.scid;
	s4 =	rddreg [dreg:$0x1]  }
0x3: {  	s2 =	rddreg [dreg:$0x2];
	s5 =	sand.u32 $0x1, s0  }
0x4: {  	s3 =	simm.s32 $0x0;
	s0 =	stileid.u32;
	s1 =	sshll.u32 s5, $0x4  }
0x5: {  	[smem:$0x7FF] =	sst s3;
	s10 =	sadd.s32 $0x146800, s6;
	s7 =	sor.u32 s0, s1  }
0x6: {  	s19 =	sadd.s32 $0xA6000, s6;
	s8 =	smul.u32 $0x5000, s7;
	s9 =	sshll.u32 s7, $0x8  }
0x7: {  	s1 =	rddreg [dreg:$0x3];
	s7 =	smul.u32 $0x28000, s7;
	s9 =	sadd.s32 s9, s6  }
0x8: {  	_ =	strace $0x80000047;
	s9 =	sadd.s32 $0xA4000, s9;
	s20 =	sadd.s32 s10, s8  }
0x9: {  	s7 =	sshrl.u32 s7, $0x3;
	[dreg:$0x4] =	wrdreg s9;
	s8 =	sadd.s32 $0x800, s20  }
0xa: {  	s23 =	sadd.s32 $0xA2000, s6;
	s7 =	sadd.s32 s10, s7;
	[dreg:$0x5] =	wrdreg s8  }
0xb: {  	s22 =	smul.u32 $0x280, s0;
	s14 =	sadd.s32 $0x1000, s7;
	s31 =	rddreg [dreg:$0x4]  }
0xc: {  	s24 =	smul.u32 $0x5000, s5;
	s15 =	sadd.s32 $0x1800, s7;
	[dreg:$0x6] =	wrdreg s14  }
0xd: {  	s12 =	sshll.u32 s5, $0xF;
	s16 =	sadd.s32 $0x2000, s7;
	[dreg:$0x7] =	wrdreg s15  }
0xe: {  	s13 =	sshll.u32 s0, $0xA;
	s17 =	sadd.s32 $0x2800, s7;
	[dreg:$0x8] =	wrdreg s16  }
0xf: {  	s25 =	sor.u32 s13, s12;
	s18 =	sadd.s32 $0x3000, s7;
	[dreg:$0x9] =	wrdreg s17  }
0x10: {  	s21 =	sadd.s32 $0x3800, s7;
	s11 =	sadd.s32 $0x4000, s7;
	[dreg:$0xa] =	wrdreg s18  }
0x11: {  	s8 =	sadd.s32 s22, s24;
	s7 =	sadd.s32 $0x4800, s7;
	[dreg:$0xb] =	wrdreg s21  }
0x12: {  	[dreg:$0xc] =	wrdreg s11;
	s11 =	sshrl.u32 s25, $0x3;
	s8 =	sshll.u32 s8, $0x4  }
0x13: {  	[dreg:$0xd] =	wrdreg s7;
	s26 =	sadd.s32 s23, s11;
	s18 =	sadd.s32 s19, s8  }
0x14: {  	s28 =	simm.s32 $0x8000;
	[dreg:$0xe] =	wrdreg s26;
	s29 =	sadd.s32 $0x800, s18  }
0x15: {  	p0 =	por $0x0, $0x0;
	s14 =	sadd.s32 $0x1000, s18;
	[dreg:$0xf] =	wrdreg s29  }
0x16: {  	s12 =	sadd.s32 $0x286800, s6;
	s15 =	sadd.s32 $0x1800, s18;
	[dreg:$0x10] =	wrdreg s14  }
0x17: {  	s11 =	sadd.s32 $0x1E6800, s6;
	s16 =	sadd.s32 $0x2000, s18;
	[dreg:$0x11] =	wrdreg s15  }
0x18: {  	s10 =	simm.s32 $0x8800;
	s17 =	sadd.s32 s11, s8;
	[dreg:$0x12] =	wrdreg s16  }
0x19: {  	s8 =	sadd.s32 s12, s8;
	s26 =	smul.u32 $0x50000, s0;
	[dreg:$0x13] =	wrdreg s17  }
0x1a: {  	s6 =	sadd.s32 $0x146000, s6;
	s14 =	sshllo.u32 s5, $0x1;
	[dreg:$0x14] =	wrdreg s8  }
0x1b: {  	s5 =	ssub.s32 $0x2, s5;
	s15 =	smul.u32 $0x2800, s14;
	s14 =	sshll.u32 s14, $0xE  }
0x1c: {  	s17 =	simm.s32 $0x4000;
	s24 =	sshrl.u32 s5, $0x1;
	s21 =	sor.u32 s13, s14  }
0x1d: {  	s5 =	ssub.s32 s5, s24;
	s24 =	simm.s32 $0x8080;
	s9 =	sadd.s32 s22, s15  }
0x1e: {  	s7 =	sshrl.u32 s21, $0x3;
	s14 =	smax.u32 s5, $0x1;
	s5 =	simm.s32 $0x4  }
0x1f: {  	[dreg:$0x1c] =	wrdreg s24;
	s15 =	simm.s32 $0x1;
	s21 =	simm.s32 $0x2  }
0x20: {  	s24 =	simm.s32 $0x8380;
	s9 =	sshll.u32 s9, $0x4;
	s7 =	sadd.s32 s23, s7  }
0x21: {  	p1 =	sne.s32 s14, $0x1;
	s30 =	sadd.s32 $0xFFFFFFFF, s14;
	s14 =	simm.s32 $0x8A00  }
0x22: {  	s16 =	sadd.s32 s19, s9;
	[dreg:$0x15] =	wrdreg s7;
	s8 =	sadd.s32 s11, s9  }
0x23: {  	s11 =	sshrl.u32 s26, $0x2;
	s12 =	sadd.s32 s12, s9;
	[dreg:$0x1a] =	wrdreg s8  }
0x24: {  	s26 =	simm.s32 $0x8180;
	s9 =	simm.s32 $0x3;
	[dreg:$0x1b] =	wrdreg s12  }
0x25: {  	s22 =	sadd.s32 $0x800, s16;
	s23 =	sadd.s32 $0x1000, s16;
	[dreg:$0x1e] =	wrdreg s26  }
0x26: {  	s25 =	sadd.s32 $0x1800, s16;
	s29 =	sadd.s32 $0x2000, s16;
	[dreg:$0x16] =	wrdreg s22  }
0x27: {  	s13 =	sadd.s32 s11, s2;
	s8 =	simm.s32 $0x80;
	[dreg:$0x17] =	wrdreg s23  }
.Ltmp0:
0x28: {  	s26 =	simm.s32 $0x8280;
	[dreg:$0x18] =	wrdreg s25;
	(pc) =	sbr.rel @!p1 .LBB2_3-.Ltmp0, $4  }
0x29: {  	s11 =	simm.s32 $0x8880;
	s12 =	simm.s32 $0x8900;
	[dreg:$0x19] =	wrdreg s29  }
0x2a: {  	s25 =	simm.s32 $0x8100;
	s29 =	simm.s32 $0x8200;
	s23 =	simm.s32 $0x8400  }
0x2b: {  	s22 =	simm.s32 $0x8480;
	s7 =	sshrl.u32 s13, $0x3;
	[dreg:$0x1d] =	wrdreg s25  }
0x2c: {  	s13 =	simm.s32 $0x8980;
	[dreg:$0x1f] =	wrdreg s29;
	s25 =	simm.s32 $0x8300  }
0x2d: {  	[tilespmem:s28], [sflag:$0x4] =	stream.linear.gather [hbm4b:s31+s3], $0x800, $0x38;
	[tilespmem:$0x1CC00] =	vst v63  }
0x2e: {  	_ =	swait.ge [sflag:s5], $0x800  }
0x2f: {  	[sflag:s5] =	ssyncset.done $0x0  }
0x30: {  	[sflag:s5] =	ssyncadd.s32 $0xFFFFF800  }
0x31: {  	[tilespmem:s3], [sflag:$0x1] =	stream.indirect.gather [hbm4b:s19+s8], $0x80, s28, s8, $0xb8;
	[tilespmem:$0x1CC00] =	vst v63  }
0x32: {  	_ =	swait.ge [sflag:s15], $0x4000  }
0x33: {  	[sflag:s15] =	ssyncset.done $0x0  }
0x34: {  	[sflag:s15] =	ssyncadd.s32 $0xFFFFC000  }
0x35: {  	[hbm4b:s20+s3] =	stream.linear.scatter [tilespmem:s3], [sflag:$0x2], $0x4000, $0x38;
	[tilespmem:$0x1CC00] =	vst v63  }
0x36: {  	s29 =	rddreg [dreg:$0x1c]  }
0x37: {  	[tilespmem:s17], [sflag:$0x1] =	stream.indirect.gather [hbm4b:s19+s8], $0x80, s29, s8, $0xb8;
	[tilespmem:$0x1CC00] =	vst v63  }
0x38: {  	_ =	swait.ge [sflag:s15], $0x4000  }
0x39: {  	[sflag:s15] =	ssyncset.done $0x0  }
0x3a: {  	s29 =	rddreg [dreg:$0x5];
	[sflag:s15] =	ssyncadd.s32 $0xFFFFC000  }
0x3b: {  	[hbm4b:s29+s3] =	stream.linear.scatter [tilespmem:s17], [sflag:$0x2], $0x4000, $0x38;
	[tilespmem:$0x1CC00] =	vst v63  }
0x3c: {  	_ =	swait.ge [sflag:s21], $0x4000  }
0x3d: {  	[sflag:s21] =	ssyncset.done $0x0  }
0x3e: {  	s29 =	rddreg [dreg:$0x1d];
	[sflag:s21] =	ssyncadd.s32 $0xFFFFC000  }
0x3f: {  	[tilespmem:s3], [sflag:$0x1] =	stream.indirect.gather [hbm4b:s19+s8], $0x80, s29, s8, $0xb8;
	[tilespmem:$0x1CC00] =	vst v63  }
0x40: {  	_ =	swait.ge [sflag:s15], $0x4000  }
0x41: {  	[sflag:s15] =	ssyncset.done $0x0  }
0x42: {  	s29 =	rddreg [dreg:$0x6];
	[sflag:s15] =	ssyncadd.s32 $0xFFFFC000  }
0x43: {  	[hbm4b:s29+s3] =	stream.linear.scatter [tilespmem:s3], [sflag:$0x2], $0x4000, $0x38;
	[tilespmem:$0x1CC00] =	vst v63  }
0x44: {  	_ =	swait.ge [sflag:s21], $0x4000  }
0x45: {  	[sflag:s21] =	ssyncset.done $0x0  }
0x46: {  	s29 =	rddreg [dreg:$0x1e];
	[sflag:s21] =	ssyncadd.s32 $0xFFFFC000  }
0x47: {  	[tilespmem:s17], [sflag:$0x1] =	stream.indirect.gather [hbm4b:s19+s8], $0x80, s29, s8, $0xb8;
	[tilespmem:$0x1CC00] =	vst v63  }
0x48: {  	_ =	swait.ge [sflag:s15], $0x4000  }
0x49: {  	[sflag:s15] =	ssyncset.done $0x0  }
0x4a: {  	s29 =	rddreg [dreg:$0x7];
	[sflag:s15] =	ssyncadd.s32 $0xFFFFC000  }
0x4b: {  	[hbm4b:s29+s3] =	stream.linear.scatter [tilespmem:s17], [sflag:$0x2], $0x4000, $0x38;
	[tilespmem:$0x1CC00] =	vst v63  }
0x4c: {  	_ =	swait.ge [sflag:s21], $0x4000  }
0x4d: {  	[sflag:s21] =	ssyncset.done $0x0  }
0x4e: {  	s29 =	rddreg [dreg:$0x1f];
	[sflag:s21] =	ssyncadd.s32 $0xFFFFC000  }
0x4f: {  	[tilespmem:s3], [sflag:$0x1] =	stream.indirect.gather [hbm4b:s19+s8], $0x80, s29, s8, $0xb8;
	[tilespmem:$0x1CC00] =	vst v63  }
0x50: {  	_ =	swait.ge [sflag:s15], $0x4000  }
0x51: {  	[sflag:s15] =	ssyncset.done $0x0  }
0x52: {  	s29 =	rddreg [dreg:$0x8];
	[sflag:s15] =	ssyncadd.s32 $0xFFFFC000  }
0x53: {  	[hbm4b:s29+s3] =	stream.linear.scatter [tilespmem:s3], [sflag:$0x2], $0x4000, $0x38;
	[tilespmem:$0x1CC00] =	vst v63  }
0x54: {  	_ =	swait.ge [sflag:s21], $0x4000  }
0x55: {  	[sflag:s21] =	ssyncset.done $0x0  }
0x56: {  	[sflag:s21] =	ssyncadd.s32 $0xFFFFC000  }
0x57: {  	[tilespmem:s17], [sflag:$0x1] =	stream.indirect.gather [hbm4b:s19+s8], $0x80, s26, s8, $0xb8;
	[tilespmem:$0x1CC00] =	vst v63  }
0x58: {  	_ =	swait.ge [sflag:s15], $0x4000  }
0x59: {  	[sflag:s15] =	ssyncset.done $0x0  }
0x5a: {  	s29 =	rddreg [dreg:$0x9];
	[sflag:s15] =	ssyncadd.s32 $0xFFFFC000  }
0x5b: {  	[hbm4b:s29+s3] =	stream.linear.scatter [tilespmem:s17], [sflag:$0x2], $0x4000, $0x38;
	[tilespmem:$0x1CC00] =	vst v63  }
0x5c: {  	_ =	swait.ge [sflag:s21], $0x4000  }
0x5d: {  	[sflag:s21] =	ssyncset.done $0x0  }
0x5e: {  	[sflag:s21] =	ssyncadd.s32 $0xFFFFC000  }
0x5f: {  	[tilespmem:s3], [sflag:$0x1] =	stream.indirect.gather [hbm4b:s19+s8], $0x80, s25, s8, $0xb8;
	[tilespmem:$0x1CC00] =	vst v63  }
0x60: {  	_ =	swait.ge [sflag:s15], $0x4000  }
0x61: {  	[sflag:s15] =	ssyncset.done $0x0  }
0x62: {  	s29 =	rddreg [dreg:$0xa];
	[sflag:s15] =	ssyncadd.s32 $0xFFFFC000  }
0x63: {  	[hbm4b:s29+s3] =	stream.linear.scatter [tilespmem:s3], [sflag:$0x2], $0x4000, $0x38;
	[tilespmem:$0x1CC00] =	vst v63  }
0x64: {  	_ =	swait.ge [sflag:s21], $0x4000  }
0x65: {  	[sflag:s21] =	ssyncset.done $0x0  }
0x66: {  	[sflag:s21] =	ssyncadd.s32 $0xFFFFC000  }
0x67: {  	[tilespmem:s17], [sflag:$0x1] =	stream.indirect.gather [hbm4b:s19+s8], $0x80, s24, s8, $0xb8;
	[tilespmem:$0x1CC00] =	vst v63  }
0x68: {  	_ =	swait.ge [sflag:s15], $0x4000  }
0x69: {  	[sflag:s15] =	ssyncset.done $0x0  }
0x6a: {  	s29 =	rddreg [dreg:$0xb];
	[sflag:s15] =	ssyncadd.s32 $0xFFFFC000  }
0x6b: {  	[hbm4b:s29+s3] =	stream.linear.scatter [tilespmem:s17], [sflag:$0x2], $0x4000, $0x38;
	[tilespmem:$0x1CC00] =	vst v63  }
0x6c: {  	_ =	swait.ge [sflag:s21], $0x4000  }
0x6d: {  	[sflag:s21] =	ssyncset.done $0x0  }
0x6e: {  	[sflag:s21] =	ssyncadd.s32 $0xFFFFC000  }
0x6f: {  	[tilespmem:s3], [sflag:$0x1] =	stream.indirect.gather [hbm4b:s19+s8], $0x80, s23, s8, $0xb8;
	[tilespmem:$0x1CC00] =	vst v63  }
0x70: {  	_ =	swait.ge [sflag:s15], $0x4000  }
0x71: {  	[sflag:s15] =	ssyncset.done $0x0  }
0x72: {  	s29 =	rddreg [dreg:$0xc];
	[sflag:s15] =	ssyncadd.s32 $0xFFFFC000  }
0x73: {  	[hbm4b:s29+s3] =	stream.linear.scatter [tilespmem:s3], [sflag:$0x2], $0x4000, $0x38;
	[tilespmem:$0x1CC00] =	vst v63  }
0x74: {  	_ =	swait.ge [sflag:s21], $0x4000  }
0x75: {  	[sflag:s21] =	ssyncset.done $0x0  }
0x76: {  	[sflag:s21] =	ssyncadd.s32 $0xFFFFC000  }
0x77: {  	[tilespmem:s17], [sflag:$0x1] =	stream.indirect.gather [hbm4b:s19+s8], $0x80, s22, s8, $0xb8;
	[tilespmem:$0x1CC00] =	vst v63  }
0x78: {  	_ =	swait.ge [sflag:s15], $0x4000  }
0x79: {  	[sflag:s15] =	ssyncset.done $0x0  }
0x7a: {  	s29 =	rddreg [dreg:$0xd];
	[sflag:s15] =	ssyncadd.s32 $0xFFFFC000  }
0x7b: {  	[hbm4b:s29+s3] =	stream.linear.scatter [tilespmem:s17], [sflag:$0x2], $0x4000, $0x38;
	[tilespmem:$0x1CC00] =	vst v63  }
0x7c: {  	_ =	swait.ge [sflag:s21], $0x4000  }
0x7d: {  	[sflag:s21] =	ssyncset.done $0x0  }
0x7e: {  	[sflag:s21] =	ssyncadd.s32 $0xFFFFC000  }
0x7f: {  	_ =	swait.ge [sflag:s21], $0x4000  }
0x80: {  	[sflag:s21] =	ssyncset.done $0x0  }
0x81: {  	s29 =	rddreg [dreg:$0xe];
	[sflag:s21] =	ssyncadd.s32 $0xFFFFC000  }
0x82: {  	[tilespmem:s10], [sflag:$0x4] =	stream.linear.gather [hbm4b:s29+s3], $0x400, $0x38;
	[tilespmem:$0x1CC00] =	vst v63  }
0x83: {  	_ =	swait.ge [sflag:s5], $0x400  }
0x84: {  	s29 =	sshll.u32 s0, $0x6;
	[sflag:s5] =	ssyncset.done $0x0  }
0x85: {  	s29 =	sor.u32 $0x1C04, s29;
	[sflag:s5] =	ssyncadd.s32 $0xFFFFFC00  }
0x86: {  	[spmem:s7], [sflag:s29] =	dma.local [hbm:s4], $0x2800  }
0x87: {  	_ =	swait.ge [sflag:s5], $0x2800  }
0x88: {  	[sflag:s5] =	ssyncset.done $0x0  }
0x89: {  	[sflag:s5] =	ssyncadd.s32 $0xFFFFD800  }
0x8a: {  	[bflag:$0x0] =	sbarrier.arrive $0xFFFF  }
0x8b: {  	[tilespmem:s3], [sflag:$0x1] =	stream.linear.gather [hbm4b:s18+s3], $0x4000, $0x38;
	[tilespmem:$0x1CC00] =	vst v63  }
0x8c: {  	_ =	swait.ge [sflag:s15], $0x4000  }
0x8d: {  	[sflag:s15] =	ssyncset.done $0x0  }
0x8e: {  	[sflag:s15] =	ssyncadd.s32 $0xFFFFC000  }
0x8f: {  	[spmem:s2] =	stream.indirect.scatter.add.f32 [tilespmem:s3], [sflag:$0x3], $0x80, s10, s8, $0xb8;
	[tilespmem:$0x1CC00] =	vst v63  }
0x90: {  	s31 =	rddreg [dreg:$0xf]  }
0x91: {  	[tilespmem:s17], [sflag:$0x1] =	stream.linear.gather [hbm4b:s31+s3], $0x4000, $0x38;
	[tilespmem:$0x1CC00] =	vst v63  }
0x92: {  	_ =	swait.ge [sflag:s15], $0x4000  }
0x93: {  	[sflag:s15] =	ssyncset.done $0x0  }
0x94: {  	[sflag:s15] =	ssyncadd.s32 $0xFFFFC000  }
0x95: {  	[spmem:s2] =	stream.indirect.scatter.add.f32 [tilespmem:s17], [sflag:$0x3], $0x80, s11, s8, $0xb8;
	[tilespmem:$0x1CC00] =	vst v63  }
0x96: {  	_ =	swait.ge [sflag:s9], $0x4000  }
0x97: {  	[sflag:s9] =	ssyncset.done $0x0  }
0x98: {  	s31 =	rddreg [dreg:$0x10];
	[sflag:s9] =	ssyncadd.s32 $0xFFFFC000  }
0x99: {  	[tilespmem:s3], [sflag:$0x1] =	stream.linear.gather [hbm4b:s31+s3], $0x4000, $0x38;
	[tilespmem:$0x1CC00] =	vst v63  }
0x9a: {  	_ =	swait.ge [sflag:s15], $0x4000  }
0x9b: {  	[sflag:s15] =	ssyncset.done $0x0  }
0x9c: {  	[sflag:s15] =	ssyncadd.s32 $0xFFFFC000  }
0x9d: {  	[spmem:s2] =	stream.indirect.scatter.add.f32 [tilespmem:s3], [sflag:$0x3], $0x80, s12, s8, $0xb8;
	[tilespmem:$0x1CC00] =	vst v63  }
0x9e: {  	_ =	swait.ge [sflag:s9], $0x4000  }
0x9f: {  	[sflag:s9] =	ssyncset.done $0x0  }
0xa0: {  	s31 =	rddreg [dreg:$0x11];
	[sflag:s9] =	ssyncadd.s32 $0xFFFFC000  }
0xa1: {  	[tilespmem:s17], [sflag:$0x1] =	stream.linear.gather [hbm4b:s31+s3], $0x4000, $0x38;
	[tilespmem:$0x1CC00] =	vst v63  }
0xa2: {  	_ =	swait.ge [sflag:s15], $0x4000  }
0xa3: {  	[sflag:s15] =	ssyncset.done $0x0  }
0xa4: {  	[sflag:s15] =	ssyncadd.s32 $0xFFFFC000  }
0xa5: {  	[spmem:s2] =	stream.indirect.scatter.add.f32 [tilespmem:s17], [sflag:$0x3], $0x80, s13, s8, $0xb8;
	[tilespmem:$0x1CC00] =	vst v63  }
0xa6: {  	_ =	swait.ge [sflag:s9], $0x4000  }
0xa7: {  	[sflag:s9] =	ssyncset.done $0x0  }
0xa8: {  	s31 =	rddreg [dreg:$0x12];
	[sflag:s9] =	ssyncadd.s32 $0xFFFFC000  }
0xa9: {  	[tilespmem:s3], [sflag:$0x1] =	stream.linear.gather [hbm4b:s31+s3], $0x4000, $0x38;
	[tilespmem:$0x1CC00] =	vst v63  }
0xaa: {  	_ =	swait.ge [sflag:s15], $0x4000  }
0xab: {  	[sflag:s15] =	ssyncset.done $0x0  }
0xac: {  	[sflag:s15] =	ssyncadd.s32 $0xFFFFC000  }
0xad: {  	[spmem:s2] =	stream.indirect.scatter.add.f32 [tilespmem:s3], [sflag:$0x3], $0x80, s14, s8, $0xb8;
	[tilespmem:$0x1CC00] =	vst v63  }
0xae: {  	_ =	swait.ge [sflag:s9], $0x4000  }
0xaf: {  	[sflag:s9] =	ssyncset.done $0x0  }
0xb0: {  	[sflag:s9] =	ssyncadd.s32 $0xFFFFC000  }
0xb1: {  	_ =	swait.ge [sflag:s9], $0x4000  }
0xb2: {  	[sflag:s9] =	ssyncset.done $0x0  }
0xb3: {  	[sflag:s9] =	ssyncadd.s32 $0xFFFFC000  }
0xb4: {  	[bflag:$0x0] =	sbarrier.arrive $0xFFFF  }
0xb5: {  	s31 =	rddreg [dreg:$0x13]  }
0xb6: {  	[hbm:s31], [sflag:s29] =	dma.local [spmem:s7], $0x2800  }
0xb7: {  	_ =	swait.ge [sflag:s5], $0x2800  }
0xb8: {  	[sflag:s5] =	ssyncset.done $0x0  }
0xb9: {  	[sflag:s5] =	ssyncadd.s32 $0xFFFFD800  }
0xba: {  	[spmem:s7], [sflag:s29] =	dma.local [hbm:s4], $0x2800  }
0xbb: {  	_ =	swait.ge [sflag:s5], $0x2800  }
0xbc: {  	[sflag:s5] =	ssyncset.done $0x0  }
0xbd: {  	[sflag:s5] =	ssyncadd.s32 $0xFFFFD800  }
0xbe: {  	[bflag:$0x0] =	sbarrier.arrive $0xFFFF  }
0xbf: {  	[tilespmem:s3], [sflag:$0x4] =	stream.linear.gather [hbm4b:s6+s3], $0x4000, $0x38;
	[tilespmem:$0x1CC00] =	vst v63  }
0xc0: {  	_ =	swait.ge [sflag:s5], $0x4000  }
0xc1: {  	[sflag:s5] =	ssyncset.done $0x0  }
0xc2: {  	[sflag:s5] =	ssyncadd.s32 $0xFFFFC000  }
0xc3: {  	[spmem:s2] =	stream.indirect.scatter.add.f32 [tilespmem:s3], [sflag:$0x3], $0x80, s10, s8, $0xb8;
	[tilespmem:$0x1CC00] =	vst v63  }
0xc4: {  	_ = 	snop  }
0xc5: {  	[spmem:s2] =	stream.indirect.scatter.add.f32 [tilespmem:s3], [sflag:$0x3], $0x80, s11, s8, $0xb8;
	[tilespmem:$0x1CC00] =	vst v63  }
0xc6: {  	_ = 	snop  }
0xc7: {  	[spmem:s2] =	stream.indirect.scatter.add.f32 [tilespmem:s3], [sflag:$0x3], $0x80, s12, s8, $0xb8;
	[tilespmem:$0x1CC00] =	vst v63  }
0xc8: {  	_ = 	snop  }
0xc9: {  	[spmem:s2] =	stream.indirect.scatter.add.f32 [tilespmem:s3], [sflag:$0x3], $0x80, s13, s8, $0xb8;
	[tilespmem:$0x1CC00] =	vst v63  }
0xca: {  	_ = 	snop  }
0xcb: {  	[spmem:s2] =	stream.indirect.scatter.add.f32 [tilespmem:s3], [sflag:$0x3], $0x80, s14, s8, $0xb8;
	[tilespmem:$0x1CC00] =	vst v63  }
0xcc: {  	_ =	swait.ge [sflag:s9], $0x4000  }
0xcd: {  	[sflag:s9] =	ssyncset.done $0x0  }
0xce: {  	[sflag:s9] =	ssyncadd.s32 $0xFFFFC000  }
0xcf: {  	_ =	swait.ge [sflag:s9], $0x4000  }
0xd0: {  	[sflag:s9] =	ssyncset.done $0x0  }
0xd1: {  	[sflag:s9] =	ssyncadd.s32 $0xFFFFC000  }
0xd2: {  	_ =	swait.ge [sflag:s9], $0x4000  }
0xd3: {  	[sflag:s9] =	ssyncset.done $0x0  }
0xd4: {  	[sflag:s9] =	ssyncadd.s32 $0xFFFFC000  }
0xd5: {  	_ =	swait.ge [sflag:s9], $0x4000  }
0xd6: {  	[sflag:s9] =	ssyncset.done $0x0  }
0xd7: {  	[sflag:s9] =	ssyncadd.s32 $0xFFFFC000  }
0xd8: {  	_ =	swait.ge [sflag:s9], $0x4000  }
0xd9: {  	[sflag:s9] =	ssyncset.done $0x0  }
0xda: {  	[sflag:s9] =	ssyncadd.s32 $0xFFFFC000  }
0xdb: {  	[bflag:$0x0] =	sbarrier.arrive $0xFFFF  }
0xdc: {  	s31 =	rddreg [dreg:$0x14]  }
0xdd: {  	[hbm:s31], [sflag:s29] =	dma.local [spmem:s7], $0x2800  }
0xde: {  	_ =	swait.ge [sflag:s5], $0x2800  }
0xdf: {  	[sflag:s5] =	ssyncset.done $0x0  }
0xe0: {  	s31 =	rddreg [dreg:$0x15];
	[sflag:s5] =	ssyncadd.s32 $0xFFFFD800  }
0xe1: {  	[tilespmem:s10], [sflag:$0x4] =	stream.linear.gather [hbm4b:s31+s3], $0x400, $0x38;
	[tilespmem:$0x1CC00] =	vst v63  }
0xe2: {  	_ =	swait.ge [sflag:s5], $0x400  }
0xe3: {  	[sflag:s5] =	ssyncset.done $0x0  }
0xe4: {  	[sflag:s5] =	ssyncadd.s32 $0xFFFFFC00  }
0xe5: {  	[spmem:s7], [sflag:s29] =	dma.local [hbm:s4], $0x2800  }
0xe6: {  	_ =	swait.ge [sflag:s5], $0x2800  }
0xe7: {  	[sflag:s5] =	ssyncset.done $0x0  }
0xe8: {  	[sflag:s5] =	ssyncadd.s32 $0xFFFFD800  }
0xe9: {  	[bflag:$0x0] =	sbarrier.arrive $0xFFFF  }
0xea: {  	[tilespmem:s3], [sflag:$0x1] =	stream.linear.gather [hbm4b:s16+s3], $0x4000, $0x38;
	[tilespmem:$0x1CC00] =	vst v63  }
0xeb: {  	_ =	swait.ge [sflag:s15], $0x4000  }
0xec: {  	[sflag:s15] =	ssyncset.done $0x0  }
0xed: {  	[sflag:s15] =	ssyncadd.s32 $0xFFFFC000  }
0xee: {  	[spmem:s2] =	stream.indirect.scatter.add.f32 [tilespmem:s3], [sflag:$0x3], $0x80, s10, s8, $0xb8;
	[tilespmem:$0x1CC00] =	vst v63  }
0xef: {  	s31 =	rddreg [dreg:$0x16]  }
0xf0: {  	[tilespmem:s17], [sflag:$0x1] =	stream.linear.gather [hbm4b:s31+s3], $0x4000, $0x38;
	[tilespmem:$0x1CC00] =	vst v63  }
0xf1: {  	_ =	swait.ge [sflag:s15], $0x4000  }
0xf2: {  	[sflag:s15] =	ssyncset.done $0x0  }
0xf3: {  	[sflag:s15] =	ssyncadd.s32 $0xFFFFC000  }
0xf4: {  	[spmem:s2] =	stream.indirect.scatter.add.f32 [tilespmem:s17], [sflag:$0x3], $0x80, s11, s8, $0xb8;
	[tilespmem:$0x1CC00] =	vst v63  }
0xf5: {  	_ =	swait.ge [sflag:s9], $0x4000  }
0xf6: {  	[sflag:s9] =	ssyncset.done $0x0  }
0xf7: {  	s31 =	rddreg [dreg:$0x17];
	[sflag:s9] =	ssyncadd.s32 $0xFFFFC000  }
0xf8: {  	[tilespmem:s3], [sflag:$0x1] =	stream.linear.gather [hbm4b:s31+s3], $0x4000, $0x38;
	[tilespmem:$0x1CC00] =	vst v63  }
0xf9: {  	_ =	swait.ge [sflag:s15], $0x4000  }
0xfa: {  	[sflag:s15] =	ssyncset.done $0x0  }
0xfb: {  	[sflag:s15] =	ssyncadd.s32 $0xFFFFC000  }
0xfc: {  	[spmem:s2] =	stream.indirect.scatter.add.f32 [tilespmem:s3], [sflag:$0x3], $0x80, s12, s8, $0xb8;
	[tilespmem:$0x1CC00] =	vst v63  }
0xfd: {  	_ =	swait.ge [sflag:s9], $0x4000  }
0xfe: {  	[sflag:s9] =	ssyncset.done $0x0  }
0xff: {  	s31 =	rddreg [dreg:$0x18];
	[sflag:s9] =	ssyncadd.s32 $0xFFFFC000  }
0x100: {  	[tilespmem:s17], [sflag:$0x1] =	stream.linear.gather [hbm4b:s31+s3], $0x4000, $0x38;
	[tilespmem:$0x1CC00] =	vst v63  }
0x101: {  	_ =	swait.ge [sflag:s15], $0x4000  }
0x102: {  	[sflag:s15] =	ssyncset.done $0x0  }
0x103: {  	[sflag:s15] =	ssyncadd.s32 $0xFFFFC000  }
0x104: {  	[spmem:s2] =	stream.indirect.scatter.add.f32 [tilespmem:s17], [sflag:$0x3], $0x80, s13, s8, $0xb8;
	[tilespmem:$0x1CC00] =	vst v63  }
0x105: {  	_ =	swait.ge [sflag:s9], $0x4000  }
0x106: {  	[sflag:s9] =	ssyncset.done $0x0  }
0x107: {  	s31 =	rddreg [dreg:$0x19];
	[sflag:s9] =	ssyncadd.s32 $0xFFFFC000  }
0x108: {  	[tilespmem:s3], [sflag:$0x1] =	stream.linear.gather [hbm4b:s31+s3], $0x4000, $0x38;
	[tilespmem:$0x1CC00] =	vst v63  }
0x109: {  	_ =	swait.ge [sflag:s15], $0x4000  }
0x10a: {  	[sflag:s15] =	ssyncset.done $0x0  }
0x10b: {  	[sflag:s15] =	ssyncadd.s32 $0xFFFFC000  }
0x10c: {  	[spmem:s2] =	stream.indirect.scatter.add.f32 [tilespmem:s3], [sflag:$0x3], $0x80, s14, s8, $0xb8;
	[tilespmem:$0x1CC00] =	vst v63  }
0x10d: {  	_ =	swait.ge [sflag:s9], $0x4000  }
0x10e: {  	[sflag:s9] =	ssyncset.done $0x0  }
0x10f: {  	[sflag:s9] =	ssyncadd.s32 $0xFFFFC000  }
0x110: {  	_ =	swait.ge [sflag:s9], $0x4000  }
0x111: {  	[sflag:s9] =	ssyncset.done $0x0  }
0x112: {  	[sflag:s9] =	ssyncadd.s32 $0xFFFFC000  }
0x113: {  	[bflag:$0x0] =	sbarrier.arrive $0xFFFF  }
0x114: {  	s31 =	rddreg [dreg:$0x1a]  }
0x115: {  	[hbm:s31], [sflag:s29] =	dma.local [spmem:s7], $0x2800  }
0x116: {  	_ =	swait.ge [sflag:s5], $0x2800  }
0x117: {  	[sflag:s5] =	ssyncset.done $0x0  }
0x118: {  	[sflag:s5] =	ssyncadd.s32 $0xFFFFD800  }
0x119: {  	[spmem:s7], [sflag:s29] =	dma.local [hbm:s4], $0x2800  }
0x11a: {  	_ =	swait.ge [sflag:s5], $0x2800  }
0x11b: {  	[sflag:s5] =	ssyncset.done $0x0  }
0x11c: {  	[sflag:s5] =	ssyncadd.s32 $0xFFFFD800  }
0x11d: {  	[bflag:$0x0] =	sbarrier.arrive $0xFFFF  }
0x11e: {  	[tilespmem:s3], [sflag:$0x4] =	stream.linear.gather [hbm4b:s6+s3], $0x4000, $0x38;
	[tilespmem:$0x1CC00] =	vst v63  }
0x11f: {  	_ =	swait.ge [sflag:s5], $0x4000  }
0x120: {  	[sflag:s5] =	ssyncset.done $0x0  }
0x121: {  	[sflag:s5] =	ssyncadd.s32 $0xFFFFC000  }
0x122: {  	[spmem:s2] =	stream.indirect.scatter.add.f32 [tilespmem:s3], [sflag:$0x3], $0x80, s10, s8, $0xb8;
	[tilespmem:$0x1CC00] =	vst v63  }
0x123: {  	_ = 	snop  }
0x124: {  	[spmem:s2] =	stream.indirect.scatter.add.f32 [tilespmem:s3], [sflag:$0x3], $0x80, s11, s8, $0xb8;
	[tilespmem:$0x1CC00] =	vst v63  }
0x125: {  	_ = 	snop  }
0x126: {  	[spmem:s2] =	stream.indirect.scatter.add.f32 [tilespmem:s3], [sflag:$0x3], $0x80, s12, s8, $0xb8;
	[tilespmem:$0x1CC00] =	vst v63  }
0x127: {  	_ = 	snop  }
0x128: {  	[spmem:s2] =	stream.indirect.scatter.add.f32 [tilespmem:s3], [sflag:$0x3], $0x80, s13, s8, $0xb8;
	[tilespmem:$0x1CC00] =	vst v63  }
0x129: {  	_ = 	snop  }
0x12a: {  	[spmem:s2] =	stream.indirect.scatter.add.f32 [tilespmem:s3], [sflag:$0x3], $0x80, s14, s8, $0xb8;
	[tilespmem:$0x1CC00] =	vst v63  }
0x12b: {  	_ =	swait.ge [sflag:s9], $0x4000  }
0x12c: {  	[sflag:s9] =	ssyncset.done $0x0  }
0x12d: {  	[sflag:s9] =	ssyncadd.s32 $0xFFFFC000  }
0x12e: {  	_ =	swait.ge [sflag:s9], $0x4000  }
0x12f: {  	[sflag:s9] =	ssyncset.done $0x0  }
0x130: {  	[sflag:s9] =	ssyncadd.s32 $0xFFFFC000  }
0x131: {  	_ =	swait.ge [sflag:s9], $0x4000  }
0x132: {  	[sflag:s9] =	ssyncset.done $0x0  }
0x133: {  	[sflag:s9] =	ssyncadd.s32 $0xFFFFC000  }
0x134: {  	_ =	swait.ge [sflag:s9], $0x4000  }
0x135: {  	[sflag:s9] =	ssyncset.done $0x0  }
0x136: {  	[sflag:s9] =	ssyncadd.s32 $0xFFFFC000  }
0x137: {  	_ =	swait.ge [sflag:s9], $0x4000  }
0x138: {  	[sflag:s9] =	ssyncset.done $0x0  }
0x139: {  	p1 =	sne.s32 s30, $0x1;
	[sflag:s9] =	ssyncadd.s32 $0xFFFFC000  }
.Ltmp1:
0x13a: {  	[bflag:$0x0] =	sbarrier.arrive $0xFFFF;
	(pc) =	sbr.rel @!p1 .LBB2_3-.Ltmp1, $4  }
0x13b: {  	s31 =	rddreg [dreg:$0x1b]  }
0x13c: {  	[hbm:s31], [sflag:s29] =	dma.local [spmem:s7], $0x2800  }
0x13d: {  	s30 =	sadd.s32 $0xFFFFFFFF, s30;
	_ =	swait.ge [sflag:s5], $0x2800  }
0x13e: {  	p0 =	por $0x1, $0x1;
	s31 =	rddreg [dreg:$0x4];
	[sflag:s5] =	ssyncset.done $0x0  }
.LBB2_2:
0x13f: {  	[sflag:s5] =	ssyncadd.s32 $0xFFFFD800  }
0x140: {  	[tilespmem:s28], [sflag:$0x4] =	stream.linear.gather [hbm4b:s31+s3], $0x800, $0x38;
	[tilespmem:$0x1CC00] =	vst v63  }
0x141: {  	_ =	swait.ge [sflag:s5], $0x800  }
0x142: {  	[sflag:s5] =	ssyncset.done $0x0  }
0x143: {  	[sflag:s5] =	ssyncadd.s32 $0xFFFFF800  }
0x144: {  	[tilespmem:s3], [sflag:$0x1] =	stream.indirect.gather [hbm4b:s19+s8], $0x80, s28, s8, $0xb8;
	[tilespmem:$0x1CC00] =	vst v63  }
0x145: {  	_ =	swait.ge [sflag:s15], $0x4000  }
0x146: {  	[sflag:s15] =	ssyncset.done $0x0  }
0x147: {  	[sflag:s15] =	ssyncadd.s32 $0xFFFFC000  }
0x148: {  	[hbm4b:s20+s3] =	stream.linear.scatter [tilespmem:s3], [sflag:$0x2], $0x4000, $0x38;
	[tilespmem:$0x1CC00] =	vst v63  }
0x149: {  	s31 =	rddreg [dreg:$0x1c]  }
0x14a: {  	[tilespmem:s17], [sflag:$0x1] =	stream.indirect.gather [hbm4b:s19+s8], $0x80, s31, s8, $0xb8;
	[tilespmem:$0x1CC00] =	vst v63  }
0x14b: {  	_ =	swait.ge [sflag:s15], $0x4000  }
0x14c: {  	[sflag:s15] =	ssyncset.done $0x0  }
0x14d: {  	s31 =	rddreg [dreg:$0x5];
	[sflag:s15] =	ssyncadd.s32 $0xFFFFC000  }
0x14e: {  	[hbm4b:s31+s3] =	stream.linear.scatter [tilespmem:s17], [sflag:$0x2], $0x4000, $0x38;
	[tilespmem:$0x1CC00] =	vst v63  }
0x14f: {  	_ =	swait.ge [sflag:s21], $0x4000  }
0x150: {  	[sflag:s21] =	ssyncset.done $0x0  }
0x151: {  	s31 =	rddreg [dreg:$0x1d];
	[sflag:s21] =	ssyncadd.s32 $0xFFFFC000  }
0x152: {  	[tilespmem:s3], [sflag:$0x1] =	stream.indirect.gather [hbm4b:s19+s8], $0x80, s31, s8, $0xb8;
	[tilespmem:$0x1CC00] =	vst v63  }
0x153: {  	_ =	swait.ge [sflag:s15], $0x4000  }
0x154: {  	[sflag:s15] =	ssyncset.done $0x0  }
0x155: {  	s31 =	rddreg [dreg:$0x6];
	[sflag:s15] =	ssyncadd.s32 $0xFFFFC000  }
0x156: {  	[hbm4b:s31+s3] =	stream.linear.scatter [tilespmem:s3], [sflag:$0x2], $0x4000, $0x38;
	[tilespmem:$0x1CC00] =	vst v63  }
0x157: {  	_ =	swait.ge [sflag:s21], $0x4000  }
0x158: {  	[sflag:s21] =	ssyncset.done $0x0  }
0x159: {  	s31 =	rddreg [dreg:$0x1e];
	[sflag:s21] =	ssyncadd.s32 $0xFFFFC000  }
0x15a: {  	[tilespmem:s17], [sflag:$0x1] =	stream.indirect.gather [hbm4b:s19+s8], $0x80, s31, s8, $0xb8;
	[tilespmem:$0x1CC00] =	vst v63  }
0x15b: {  	_ =	swait.ge [sflag:s15], $0x4000  }
0x15c: {  	[sflag:s15] =	ssyncset.done $0x0  }
0x15d: {  	s31 =	rddreg [dreg:$0x7];
	[sflag:s15] =	ssyncadd.s32 $0xFFFFC000  }
0x15e: {  	[hbm4b:s31+s3] =	stream.linear.scatter [tilespmem:s17], [sflag:$0x2], $0x4000, $0x38;
	[tilespmem:$0x1CC00] =	vst v63  }
0x15f: {  	_ =	swait.ge [sflag:s21], $0x4000  }
0x160: {  	[sflag:s21] =	ssyncset.done $0x0  }
0x161: {  	s31 =	rddreg [dreg:$0x1f];
	[sflag:s21] =	ssyncadd.s32 $0xFFFFC000  }
0x162: {  	[tilespmem:s3], [sflag:$0x1] =	stream.indirect.gather [hbm4b:s19+s8], $0x80, s31, s8, $0xb8;
	[tilespmem:$0x1CC00] =	vst v63  }
0x163: {  	_ =	swait.ge [sflag:s15], $0x4000  }
0x164: {  	[sflag:s15] =	ssyncset.done $0x0  }
0x165: {  	s31 =	rddreg [dreg:$0x8];
	[sflag:s15] =	ssyncadd.s32 $0xFFFFC000  }
0x166: {  	[hbm4b:s31+s3] =	stream.linear.scatter [tilespmem:s3], [sflag:$0x2], $0x4000, $0x38;
	[tilespmem:$0x1CC00] =	vst v63  }
0x167: {  	_ =	swait.ge [sflag:s21], $0x4000  }
0x168: {  	[sflag:s21] =	ssyncset.done $0x0  }
0x169: {  	[sflag:s21] =	ssyncadd.s32 $0xFFFFC000  }
0x16a: {  	[tilespmem:s17], [sflag:$0x1] =	stream.indirect.gather [hbm4b:s19+s8], $0x80, s26, s8, $0xb8;
	[tilespmem:$0x1CC00] =	vst v63  }
0x16b: {  	_ =	swait.ge [sflag:s15], $0x4000  }
0x16c: {  	[sflag:s15] =	ssyncset.done $0x0  }
0x16d: {  	s31 =	rddreg [dreg:$0x9];
	[sflag:s15] =	ssyncadd.s32 $0xFFFFC000  }
0x16e: {  	[hbm4b:s31+s3] =	stream.linear.scatter [tilespmem:s17], [sflag:$0x2], $0x4000, $0x38;
	[tilespmem:$0x1CC00] =	vst v63  }
0x16f: {  	_ =	swait.ge [sflag:s21], $0x4000  }
0x170: {  	[sflag:s21] =	ssyncset.done $0x0  }
0x171: {  	[sflag:s21] =	ssyncadd.s32 $0xFFFFC000  }
0x172: {  	[tilespmem:s3], [sflag:$0x1] =	stream.indirect.gather [hbm4b:s19+s8], $0x80, s25, s8, $0xb8;
	[tilespmem:$0x1CC00] =	vst v63  }
0x173: {  	_ =	swait.ge [sflag:s15], $0x4000  }
0x174: {  	[sflag:s15] =	ssyncset.done $0x0  }
0x175: {  	s31 =	rddreg [dreg:$0xa];
	[sflag:s15] =	ssyncadd.s32 $0xFFFFC000  }
0x176: {  	[hbm4b:s31+s3] =	stream.linear.scatter [tilespmem:s3], [sflag:$0x2], $0x4000, $0x38;
	[tilespmem:$0x1CC00] =	vst v63  }
0x177: {  	_ =	swait.ge [sflag:s21], $0x4000  }
0x178: {  	[sflag:s21] =	ssyncset.done $0x0  }
0x179: {  	[sflag:s21] =	ssyncadd.s32 $0xFFFFC000  }
0x17a: {  	[tilespmem:s17], [sflag:$0x1] =	stream.indirect.gather [hbm4b:s19+s8], $0x80, s24, s8, $0xb8;
	[tilespmem:$0x1CC00] =	vst v63  }
0x17b: {  	_ =	swait.ge [sflag:s15], $0x4000  }
0x17c: {  	[sflag:s15] =	ssyncset.done $0x0  }
0x17d: {  	s31 =	rddreg [dreg:$0xb];
	[sflag:s15] =	ssyncadd.s32 $0xFFFFC000  }
0x17e: {  	[hbm4b:s31+s3] =	stream.linear.scatter [tilespmem:s17], [sflag:$0x2], $0x4000, $0x38;
	[tilespmem:$0x1CC00] =	vst v63  }
0x17f: {  	_ =	swait.ge [sflag:s21], $0x4000  }
0x180: {  	[sflag:s21] =	ssyncset.done $0x0  }
0x181: {  	[sflag:s21] =	ssyncadd.s32 $0xFFFFC000  }
0x182: {  	[tilespmem:s3], [sflag:$0x1] =	stream.indirect.gather [hbm4b:s19+s8], $0x80, s23, s8, $0xb8;
	[tilespmem:$0x1CC00] =	vst v63  }
0x183: {  	_ =	swait.ge [sflag:s15], $0x4000  }
0x184: {  	[sflag:s15] =	ssyncset.done $0x0  }
0x185: {  	s31 =	rddreg [dreg:$0xc];
	[sflag:s15] =	ssyncadd.s32 $0xFFFFC000  }
0x186: {  	[hbm4b:s31+s3] =	stream.linear.scatter [tilespmem:s3], [sflag:$0x2], $0x4000, $0x38;
	[tilespmem:$0x1CC00] =	vst v63  }
0x187: {  	_ =	swait.ge [sflag:s21], $0x4000  }
0x188: {  	[sflag:s21] =	ssyncset.done $0x0  }
0x189: {  	[sflag:s21] =	ssyncadd.s32 $0xFFFFC000  }
0x18a: {  	[tilespmem:s17], [sflag:$0x1] =	stream.indirect.gather [hbm4b:s19+s8], $0x80, s22, s8, $0xb8;
	[tilespmem:$0x1CC00] =	vst v63  }
0x18b: {  	_ =	swait.ge [sflag:s15], $0x4000  }
0x18c: {  	[sflag:s15] =	ssyncset.done $0x0  }
0x18d: {  	s31 =	rddreg [dreg:$0xd];
	[sflag:s15] =	ssyncadd.s32 $0xFFFFC000  }
0x18e: {  	[hbm4b:s31+s3] =	stream.linear.scatter [tilespmem:s17], [sflag:$0x2], $0x4000, $0x38;
	[tilespmem:$0x1CC00] =	vst v63  }
0x18f: {  	_ =	swait.ge [sflag:s21], $0x4000  }
0x190: {  	[sflag:s21] =	ssyncset.done $0x0  }
0x191: {  	[sflag:s21] =	ssyncadd.s32 $0xFFFFC000  }
0x192: {  	_ =	swait.ge [sflag:s21], $0x4000  }
0x193: {  	[sflag:s21] =	ssyncset.done $0x0  }
0x194: {  	s31 =	rddreg [dreg:$0xe];
	[sflag:s21] =	ssyncadd.s32 $0xFFFFC000  }
0x195: {  	[tilespmem:s10], [sflag:$0x4] =	stream.linear.gather [hbm4b:s31+s3], $0x400, $0x38;
	[tilespmem:$0x1CC00] =	vst v63  }
0x196: {  	_ =	swait.ge [sflag:s5], $0x400  }
0x197: {  	[sflag:s5] =	ssyncset.done $0x0  }
0x198: {  	[sflag:s5] =	ssyncadd.s32 $0xFFFFFC00  }
0x199: {  	[spmem:s7], [sflag:s29] =	dma.local [hbm:s4], $0x2800  }
0x19a: {  	_ =	swait.ge [sflag:s5], $0x2800  }
0x19b: {  	[sflag:s5] =	ssyncset.done $0x0  }
0x19c: {  	[sflag:s5] =	ssyncadd.s32 $0xFFFFD800  }
0x19d: {  	[bflag:$0x0] =	sbarrier.arrive $0xFFFF  }
0x19e: {  	[tilespmem:s3], [sflag:$0x1] =	stream.linear.gather [hbm4b:s18+s3], $0x4000, $0x38;
	[tilespmem:$0x1CC00] =	vst v63  }
0x19f: {  	_ =	swait.ge [sflag:s15], $0x4000  }
0x1a0: {  	[sflag:s15] =	ssyncset.done $0x0  }
0x1a1: {  	[sflag:s15] =	ssyncadd.s32 $0xFFFFC000  }
0x1a2: {  	[spmem:s2] =	stream.indirect.scatter.add.f32 [tilespmem:s3], [sflag:$0x3], $0x80, s10, s8, $0xb8;
	[tilespmem:$0x1CC00] =	vst v63  }
0x1a3: {  	s31 =	rddreg [dreg:$0xf]  }
0x1a4: {  	[tilespmem:s17], [sflag:$0x1] =	stream.linear.gather [hbm4b:s31+s3], $0x4000, $0x38;
	[tilespmem:$0x1CC00] =	vst v63  }
0x1a5: {  	_ =	swait.ge [sflag:s15], $0x4000  }
0x1a6: {  	[sflag:s15] =	ssyncset.done $0x0  }
0x1a7: {  	[sflag:s15] =	ssyncadd.s32 $0xFFFFC000  }
0x1a8: {  	[spmem:s2] =	stream.indirect.scatter.add.f32 [tilespmem:s17], [sflag:$0x3], $0x80, s11, s8, $0xb8;
	[tilespmem:$0x1CC00] =	vst v63  }
0x1a9: {  	_ =	swait.ge [sflag:s9], $0x4000  }
0x1aa: {  	[sflag:s9] =	ssyncset.done $0x0  }
0x1ab: {  	s31 =	rddreg [dreg:$0x10];
	[sflag:s9] =	ssyncadd.s32 $0xFFFFC000  }
0x1ac: {  	[tilespmem:s3], [sflag:$0x1] =	stream.linear.gather [hbm4b:s31+s3], $0x4000, $0x38;
	[tilespmem:$0x1CC00] =	vst v63  }
0x1ad: {  	_ =	swait.ge [sflag:s15], $0x4000  }
0x1ae: {  	[sflag:s15] =	ssyncset.done $0x0  }
0x1af: {  	[sflag:s15] =	ssyncadd.s32 $0xFFFFC000  }
0x1b0: {  	[spmem:s2] =	stream.indirect.scatter.add.f32 [tilespmem:s3], [sflag:$0x3], $0x80, s12, s8, $0xb8;
	[tilespmem:$0x1CC00] =	vst v63  }
0x1b1: {  	_ =	swait.ge [sflag:s9], $0x4000  }
0x1b2: {  	[sflag:s9] =	ssyncset.done $0x0  }
0x1b3: {  	s31 =	rddreg [dreg:$0x11];
	[sflag:s9] =	ssyncadd.s32 $0xFFFFC000  }
0x1b4: {  	[tilespmem:s17], [sflag:$0x1] =	stream.linear.gather [hbm4b:s31+s3], $0x4000, $0x38;
	[tilespmem:$0x1CC00] =	vst v63  }
0x1b5: {  	_ =	swait.ge [sflag:s15], $0x4000  }
0x1b6: {  	[sflag:s15] =	ssyncset.done $0x0  }
0x1b7: {  	[sflag:s15] =	ssyncadd.s32 $0xFFFFC000  }
0x1b8: {  	[spmem:s2] =	stream.indirect.scatter.add.f32 [tilespmem:s17], [sflag:$0x3], $0x80, s13, s8, $0xb8;
	[tilespmem:$0x1CC00] =	vst v63  }
0x1b9: {  	_ =	swait.ge [sflag:s9], $0x4000  }
0x1ba: {  	[sflag:s9] =	ssyncset.done $0x0  }
0x1bb: {  	s31 =	rddreg [dreg:$0x12];
	[sflag:s9] =	ssyncadd.s32 $0xFFFFC000  }
0x1bc: {  	[tilespmem:s3], [sflag:$0x1] =	stream.linear.gather [hbm4b:s31+s3], $0x4000, $0x38;
	[tilespmem:$0x1CC00] =	vst v63  }
0x1bd: {  	_ =	swait.ge [sflag:s15], $0x4000  }
0x1be: {  	[sflag:s15] =	ssyncset.done $0x0  }
0x1bf: {  	[sflag:s15] =	ssyncadd.s32 $0xFFFFC000  }
0x1c0: {  	[spmem:s2] =	stream.indirect.scatter.add.f32 [tilespmem:s3], [sflag:$0x3], $0x80, s14, s8, $0xb8;
	[tilespmem:$0x1CC00] =	vst v63  }
0x1c1: {  	_ =	swait.ge [sflag:s9], $0x4000  }
0x1c2: {  	[sflag:s9] =	ssyncset.done $0x0  }
0x1c3: {  	[sflag:s9] =	ssyncadd.s32 $0xFFFFC000  }
0x1c4: {  	_ =	swait.ge [sflag:s9], $0x4000  }
0x1c5: {  	[sflag:s9] =	ssyncset.done $0x0  }
0x1c6: {  	[sflag:s9] =	ssyncadd.s32 $0xFFFFC000  }
0x1c7: {  	[bflag:$0x0] =	sbarrier.arrive $0xFFFF  }
0x1c8: {  	s31 =	rddreg [dreg:$0x13]  }
0x1c9: {  	[hbm:s31], [sflag:s29] =	dma.local [spmem:s7], $0x2800  }
0x1ca: {  	_ =	swait.ge [sflag:s5], $0x2800  }
0x1cb: {  	[sflag:s5] =	ssyncset.done $0x0  }
0x1cc: {  	[sflag:s5] =	ssyncadd.s32 $0xFFFFD800  }
0x1cd: {  	[spmem:s7], [sflag:s29] =	dma.local [hbm:s4], $0x2800  }
0x1ce: {  	_ =	swait.ge [sflag:s5], $0x2800  }
0x1cf: {  	[sflag:s5] =	ssyncset.done $0x0  }
0x1d0: {  	[sflag:s5] =	ssyncadd.s32 $0xFFFFD800  }
0x1d1: {  	[bflag:$0x0] =	sbarrier.arrive $0xFFFF  }
0x1d2: {  	[tilespmem:s3], [sflag:$0x4] =	stream.linear.gather [hbm4b:s6+s3], $0x4000, $0x38;
	[tilespmem:$0x1CC00] =	vst v63  }
0x1d3: {  	_ =	swait.ge [sflag:s5], $0x4000  }
0x1d4: {  	[sflag:s5] =	ssyncset.done $0x0  }
0x1d5: {  	[sflag:s5] =	ssyncadd.s32 $0xFFFFC000  }
0x1d6: {  	[spmem:s2] =	stream.indirect.scatter.add.f32 [tilespmem:s3], [sflag:$0x3], $0x80, s10, s8, $0xb8;
	[tilespmem:$0x1CC00] =	vst v63  }
0x1d7: {  	_ = 	snop  }
0x1d8: {  	[spmem:s2] =	stream.indirect.scatter.add.f32 [tilespmem:s3], [sflag:$0x3], $0x80, s11, s8, $0xb8;
	[tilespmem:$0x1CC00] =	vst v63  }
0x1d9: {  	_ = 	snop  }
0x1da: {  	[spmem:s2] =	stream.indirect.scatter.add.f32 [tilespmem:s3], [sflag:$0x3], $0x80, s12, s8, $0xb8;
	[tilespmem:$0x1CC00] =	vst v63  }
0x1db: {  	_ = 	snop  }
0x1dc: {  	[spmem:s2] =	stream.indirect.scatter.add.f32 [tilespmem:s3], [sflag:$0x3], $0x80, s13, s8, $0xb8;
	[tilespmem:$0x1CC00] =	vst v63  }
0x1dd: {  	_ = 	snop  }
0x1de: {  	[spmem:s2] =	stream.indirect.scatter.add.f32 [tilespmem:s3], [sflag:$0x3], $0x80, s14, s8, $0xb8;
	[tilespmem:$0x1CC00] =	vst v63  }
0x1df: {  	_ =	swait.ge [sflag:s9], $0x4000  }
0x1e0: {  	[sflag:s9] =	ssyncset.done $0x0  }
0x1e1: {  	[sflag:s9] =	ssyncadd.s32 $0xFFFFC000  }
0x1e2: {  	_ =	swait.ge [sflag:s9], $0x4000  }
0x1e3: {  	[sflag:s9] =	ssyncset.done $0x0  }
0x1e4: {  	[sflag:s9] =	ssyncadd.s32 $0xFFFFC000  }
0x1e5: {  	_ =	swait.ge [sflag:s9], $0x4000  }
0x1e6: {  	[sflag:s9] =	ssyncset.done $0x0  }
0x1e7: {  	[sflag:s9] =	ssyncadd.s32 $0xFFFFC000  }
0x1e8: {  	_ =	swait.ge [sflag:s9], $0x4000  }
0x1e9: {  	[sflag:s9] =	ssyncset.done $0x0  }
0x1ea: {  	[sflag:s9] =	ssyncadd.s32 $0xFFFFC000  }
0x1eb: {  	_ =	swait.ge [sflag:s9], $0x4000  }
0x1ec: {  	[sflag:s9] =	ssyncset.done $0x0  }
0x1ed: {  	[sflag:s9] =	ssyncadd.s32 $0xFFFFC000  }
0x1ee: {  	[bflag:$0x0] =	sbarrier.arrive $0xFFFF  }
0x1ef: {  	s31 =	rddreg [dreg:$0x14]  }
0x1f0: {  	[hbm:s31], [sflag:s29] =	dma.local [spmem:s7], $0x2800  }
0x1f1: {  	_ =	swait.ge [sflag:s5], $0x2800  }
0x1f2: {  	[sflag:s5] =	ssyncset.done $0x0  }
0x1f3: {  	s31 =	rddreg [dreg:$0x15];
	[sflag:s5] =	ssyncadd.s32 $0xFFFFD800  }
0x1f4: {  	[tilespmem:s10], [sflag:$0x4] =	stream.linear.gather [hbm4b:s31+s3], $0x400, $0x38;
	[tilespmem:$0x1CC00] =	vst v63  }
0x1f5: {  	_ =	swait.ge [sflag:s5], $0x400  }
0x1f6: {  	[sflag:s5] =	ssyncset.done $0x0  }
0x1f7: {  	[sflag:s5] =	ssyncadd.s32 $0xFFFFFC00  }
0x1f8: {  	[spmem:s7], [sflag:s29] =	dma.local [hbm:s4], $0x2800  }
0x1f9: {  	_ =	swait.ge [sflag:s5], $0x2800  }
0x1fa: {  	[sflag:s5] =	ssyncset.done $0x0  }
0x1fb: {  	[sflag:s5] =	ssyncadd.s32 $0xFFFFD800  }
0x1fc: {  	[bflag:$0x0] =	sbarrier.arrive $0xFFFF  }
0x1fd: {  	[tilespmem:s3], [sflag:$0x1] =	stream.linear.gather [hbm4b:s16+s3], $0x4000, $0x38;
	[tilespmem:$0x1CC00] =	vst v63  }
0x1fe: {  	_ =	swait.ge [sflag:s15], $0x4000  }
0x1ff: {  	[sflag:s15] =	ssyncset.done $0x0  }
0x200: {  	[sflag:s15] =	ssyncadd.s32 $0xFFFFC000  }
0x201: {  	[spmem:s2] =	stream.indirect.scatter.add.f32 [tilespmem:s3], [sflag:$0x3], $0x80, s10, s8, $0xb8;
	[tilespmem:$0x1CC00] =	vst v63  }
0x202: {  	s31 =	rddreg [dreg:$0x16]  }
0x203: {  	[tilespmem:s17], [sflag:$0x1] =	stream.linear.gather [hbm4b:s31+s3], $0x4000, $0x38;
	[tilespmem:$0x1CC00] =	vst v63  }
0x204: {  	_ =	swait.ge [sflag:s15], $0x4000  }
0x205: {  	[sflag:s15] =	ssyncset.done $0x0  }
0x206: {  	[sflag:s15] =	ssyncadd.s32 $0xFFFFC000  }
0x207: {  	[spmem:s2] =	stream.indirect.scatter.add.f32 [tilespmem:s17], [sflag:$0x3], $0x80, s11, s8, $0xb8;
	[tilespmem:$0x1CC00] =	vst v63  }
0x208: {  	_ =	swait.ge [sflag:s9], $0x4000  }
0x209: {  	[sflag:s9] =	ssyncset.done $0x0  }
0x20a: {  	s31 =	rddreg [dreg:$0x17];
	[sflag:s9] =	ssyncadd.s32 $0xFFFFC000  }
0x20b: {  	[tilespmem:s3], [sflag:$0x1] =	stream.linear.gather [hbm4b:s31+s3], $0x4000, $0x38;
	[tilespmem:$0x1CC00] =	vst v63  }
0x20c: {  	_ =	swait.ge [sflag:s15], $0x4000  }
0x20d: {  	[sflag:s15] =	ssyncset.done $0x0  }
0x20e: {  	[sflag:s15] =	ssyncadd.s32 $0xFFFFC000  }
0x20f: {  	[spmem:s2] =	stream.indirect.scatter.add.f32 [tilespmem:s3], [sflag:$0x3], $0x80, s12, s8, $0xb8;
	[tilespmem:$0x1CC00] =	vst v63  }
0x210: {  	_ =	swait.ge [sflag:s9], $0x4000  }
0x211: {  	[sflag:s9] =	ssyncset.done $0x0  }
0x212: {  	s31 =	rddreg [dreg:$0x18];
	[sflag:s9] =	ssyncadd.s32 $0xFFFFC000  }
0x213: {  	[tilespmem:s17], [sflag:$0x1] =	stream.linear.gather [hbm4b:s31+s3], $0x4000, $0x38;
	[tilespmem:$0x1CC00] =	vst v63  }
0x214: {  	_ =	swait.ge [sflag:s15], $0x4000  }
0x215: {  	[sflag:s15] =	ssyncset.done $0x0  }
0x216: {  	[sflag:s15] =	ssyncadd.s32 $0xFFFFC000  }
0x217: {  	[spmem:s2] =	stream.indirect.scatter.add.f32 [tilespmem:s17], [sflag:$0x3], $0x80, s13, s8, $0xb8;
	[tilespmem:$0x1CC00] =	vst v63  }
0x218: {  	_ =	swait.ge [sflag:s9], $0x4000  }
0x219: {  	[sflag:s9] =	ssyncset.done $0x0  }
0x21a: {  	s31 =	rddreg [dreg:$0x19];
	[sflag:s9] =	ssyncadd.s32 $0xFFFFC000  }
0x21b: {  	[tilespmem:s3], [sflag:$0x1] =	stream.linear.gather [hbm4b:s31+s3], $0x4000, $0x38;
	[tilespmem:$0x1CC00] =	vst v63  }
0x21c: {  	_ =	swait.ge [sflag:s15], $0x4000  }
0x21d: {  	[sflag:s15] =	ssyncset.done $0x0  }
0x21e: {  	[sflag:s15] =	ssyncadd.s32 $0xFFFFC000  }
0x21f: {  	[spmem:s2] =	stream.indirect.scatter.add.f32 [tilespmem:s3], [sflag:$0x3], $0x80, s14, s8, $0xb8;
	[tilespmem:$0x1CC00] =	vst v63  }
0x220: {  	_ =	swait.ge [sflag:s9], $0x4000  }
0x221: {  	[sflag:s9] =	ssyncset.done $0x0  }
0x222: {  	[sflag:s9] =	ssyncadd.s32 $0xFFFFC000  }
0x223: {  	_ =	swait.ge [sflag:s9], $0x4000  }
0x224: {  	[sflag:s9] =	ssyncset.done $0x0  }
0x225: {  	[sflag:s9] =	ssyncadd.s32 $0xFFFFC000  }
0x226: {  	[bflag:$0x0] =	sbarrier.arrive $0xFFFF  }
0x227: {  	s31 =	rddreg [dreg:$0x1a]  }
0x228: {  	[hbm:s31], [sflag:s29] =	dma.local [spmem:s7], $0x2800  }
0x229: {  	_ =	swait.ge [sflag:s5], $0x2800  }
0x22a: {  	[sflag:s5] =	ssyncset.done $0x0  }
0x22b: {  	[sflag:s5] =	ssyncadd.s32 $0xFFFFD800  }
0x22c: {  	[spmem:s7], [sflag:s29] =	dma.local [hbm:s4], $0x2800  }
0x22d: {  	_ =	swait.ge [sflag:s5], $0x2800  }
0x22e: {  	[sflag:s5] =	ssyncset.done $0x0  }
0x22f: {  	[sflag:s5] =	ssyncadd.s32 $0xFFFFD800  }
0x230: {  	[bflag:$0x0] =	sbarrier.arrive $0xFFFF  }
0x231: {  	[tilespmem:s3], [sflag:$0x4] =	stream.linear.gather [hbm4b:s6+s3], $0x4000, $0x38;
	[tilespmem:$0x1CC00] =	vst v63  }
0x232: {  	_ =	swait.ge [sflag:s5], $0x4000  }
0x233: {  	[sflag:s5] =	ssyncset.done $0x0  }
0x234: {  	[sflag:s5] =	ssyncadd.s32 $0xFFFFC000  }
0x235: {  	[spmem:s2] =	stream.indirect.scatter.add.f32 [tilespmem:s3], [sflag:$0x3], $0x80, s10, s8, $0xb8;
	[tilespmem:$0x1CC00] =	vst v63  }
0x236: {  	_ = 	snop  }
0x237: {  	[spmem:s2] =	stream.indirect.scatter.add.f32 [tilespmem:s3], [sflag:$0x3], $0x80, s11, s8, $0xb8;
	[tilespmem:$0x1CC00] =	vst v63  }
0x238: {  	_ = 	snop  }
0x239: {  	[spmem:s2] =	stream.indirect.scatter.add.f32 [tilespmem:s3], [sflag:$0x3], $0x80, s12, s8, $0xb8;
	[tilespmem:$0x1CC00] =	vst v63  }
0x23a: {  	_ = 	snop  }
0x23b: {  	[spmem:s2] =	stream.indirect.scatter.add.f32 [tilespmem:s3], [sflag:$0x3], $0x80, s13, s8, $0xb8;
	[tilespmem:$0x1CC00] =	vst v63  }
0x23c: {  	_ = 	snop  }
0x23d: {  	[spmem:s2] =	stream.indirect.scatter.add.f32 [tilespmem:s3], [sflag:$0x3], $0x80, s14, s8, $0xb8;
	[tilespmem:$0x1CC00] =	vst v63  }
0x23e: {  	_ =	swait.ge [sflag:s9], $0x4000  }
0x23f: {  	[sflag:s9] =	ssyncset.done $0x0  }
0x240: {  	[sflag:s9] =	ssyncadd.s32 $0xFFFFC000  }
0x241: {  	_ =	swait.ge [sflag:s9], $0x4000  }
0x242: {  	[sflag:s9] =	ssyncset.done $0x0  }
0x243: {  	[sflag:s9] =	ssyncadd.s32 $0xFFFFC000  }
0x244: {  	_ =	swait.ge [sflag:s9], $0x4000  }
0x245: {  	[sflag:s9] =	ssyncset.done $0x0  }
0x246: {  	[sflag:s9] =	ssyncadd.s32 $0xFFFFC000  }
0x247: {  	_ =	swait.ge [sflag:s9], $0x4000  }
0x248: {  	[sflag:s9] =	ssyncset.done $0x0  }
0x249: {  	[sflag:s9] =	ssyncadd.s32 $0xFFFFC000  }
0x24a: {  	_ =	swait.ge [sflag:s9], $0x4000  }
0x24b: {  	[sflag:s9] =	ssyncset.done $0x0  }
0x24c: {  	p1 =	sne.s32 s30, $0x1;
	[sflag:s9] =	ssyncadd.s32 $0xFFFFC000  }
.Ltmp2:
0x24d: {  	[bflag:$0x0] =	sbarrier.arrive $0xFFFF;
	(pc) =	sbr.rel @p1 .LBB2_2-.Ltmp2, $4  }
0x24e: {  	s31 =	rddreg [dreg:$0x1b]  }
0x24f: {  	[hbm:s31], [sflag:s29] =	dma.local [spmem:s7], $0x2800  }
0x250: {  	_ =	swait.ge [sflag:s5], $0x2800  }
0x251: {  	s30 =	sadd.s32 $0xFFFFFFFF, s30;
	s31 =	rddreg [dreg:$0x4];
	[sflag:s5] =	ssyncset.done $0x0  }
.LBB2_3:
0x252: {  	[sflag:s5] =	ssyncadd.s32 @p0 $0xFFFFD800  }
0x253: {  	[tilespmem:s28], [sflag:$0x4] =	stream.linear.gather [hbm4b:s31+s3], $0x800, $0x38;
	[tilespmem:$0x1CC00] =	vst v63  }
0x254: {  	_ =	swait.ge [sflag:s5], $0x800  }
0x255: {  	[sflag:s5] =	ssyncset.done $0x0  }
0x256: {  	[sflag:s5] =	ssyncadd.s32 $0xFFFFF800  }
0x257: {  	[tilespmem:s3], [sflag:$0x1] =	stream.indirect.gather [hbm4b:s19+s8], $0x80, s28, s8, $0xb8;
	[tilespmem:$0x1CC00] =	vst v63  }
0x258: {  	_ =	swait.ge [sflag:s15], $0x4000  }
0x259: {  	[sflag:s15] =	ssyncset.done $0x0  }
0x25a: {  	[sflag:s15] =	ssyncadd.s32 $0xFFFFC000  }
0x25b: {  	[hbm4b:s20+s3] =	stream.linear.scatter [tilespmem:s3], [sflag:$0x2], $0x4000, $0x38;
	[tilespmem:$0x1CC00] =	vst v63  }
0x25c: {  	s30 =	rddreg [dreg:$0x1c]  }
0x25d: {  	[tilespmem:s17], [sflag:$0x1] =	stream.indirect.gather [hbm4b:s19+s8], $0x80, s30, s8, $0xb8;
	[tilespmem:$0x1CC00] =	vst v63  }
0x25e: {  	_ =	swait.ge [sflag:s15], $0x4000  }
0x25f: {  	[sflag:s15] =	ssyncset.done $0x0  }
0x260: {  	s31 =	rddreg [dreg:$0x5];
	[sflag:s15] =	ssyncadd.s32 $0xFFFFC000  }
0x261: {  	[hbm4b:s31+s3] =	stream.linear.scatter [tilespmem:s17], [sflag:$0x2], $0x4000, $0x38;
	[tilespmem:$0x1CC00] =	vst v63  }
0x262: {  	_ =	swait.ge [sflag:s21], $0x4000  }
0x263: {  	[sflag:s21] =	ssyncset.done $0x0  }
0x264: {  	s28 =	rddreg [dreg:$0x1d];
	[sflag:s21] =	ssyncadd.s32 $0xFFFFC000  }
0x265: {  	[tilespmem:s3], [sflag:$0x1] =	stream.indirect.gather [hbm4b:s19+s8], $0x80, s28, s8, $0xb8;
	[tilespmem:$0x1CC00] =	vst v63  }
0x266: {  	_ =	swait.ge [sflag:s15], $0x4000  }
0x267: {  	[sflag:s15] =	ssyncset.done $0x0  }
0x268: {  	s29 =	rddreg [dreg:$0x6];
	[sflag:s15] =	ssyncadd.s32 $0xFFFFC000  }
0x269: {  	[hbm4b:s29+s3] =	stream.linear.scatter [tilespmem:s3], [sflag:$0x2], $0x4000, $0x38;
	[tilespmem:$0x1CC00] =	vst v63  }
0x26a: {  	_ =	swait.ge [sflag:s21], $0x4000  }
0x26b: {  	[sflag:s21] =	ssyncset.done $0x0  }
0x26c: {  	s30 =	rddreg [dreg:$0x1e];
	[sflag:s21] =	ssyncadd.s32 $0xFFFFC000  }
0x26d: {  	[tilespmem:s17], [sflag:$0x1] =	stream.indirect.gather [hbm4b:s19+s8], $0x80, s30, s8, $0xb8;
	[tilespmem:$0x1CC00] =	vst v63  }
0x26e: {  	_ =	swait.ge [sflag:s15], $0x4000  }
0x26f: {  	[sflag:s15] =	ssyncset.done $0x0  }
0x270: {  	s31 =	rddreg [dreg:$0x7];
	[sflag:s15] =	ssyncadd.s32 $0xFFFFC000  }
0x271: {  	[hbm4b:s31+s3] =	stream.linear.scatter [tilespmem:s17], [sflag:$0x2], $0x4000, $0x38;
	[tilespmem:$0x1CC00] =	vst v63  }
0x272: {  	_ =	swait.ge [sflag:s21], $0x4000  }
0x273: {  	[sflag:s21] =	ssyncset.done $0x0  }
0x274: {  	s28 =	rddreg [dreg:$0x1f];
	[sflag:s21] =	ssyncadd.s32 $0xFFFFC000  }
0x275: {  	[tilespmem:s3], [sflag:$0x1] =	stream.indirect.gather [hbm4b:s19+s8], $0x80, s28, s8, $0xb8;
	[tilespmem:$0x1CC00] =	vst v63  }
0x276: {  	_ =	swait.ge [sflag:s15], $0x4000  }
0x277: {  	[sflag:s15] =	ssyncset.done $0x0  }
0x278: {  	s29 =	rddreg [dreg:$0x8];
	[sflag:s15] =	ssyncadd.s32 $0xFFFFC000  }
0x279: {  	[hbm4b:s29+s3] =	stream.linear.scatter [tilespmem:s3], [sflag:$0x2], $0x4000, $0x38;
	[tilespmem:$0x1CC00] =	vst v63  }
0x27a: {  	_ =	swait.ge [sflag:s21], $0x4000  }
0x27b: {  	[sflag:s21] =	ssyncset.done $0x0  }
0x27c: {  	[sflag:s21] =	ssyncadd.s32 $0xFFFFC000  }
0x27d: {  	[tilespmem:s17], [sflag:$0x1] =	stream.indirect.gather [hbm4b:s19+s8], $0x80, s26, s8, $0xb8;
	[tilespmem:$0x1CC00] =	vst v63  }
0x27e: {  	_ =	swait.ge [sflag:s15], $0x4000  }
0x27f: {  	[sflag:s15] =	ssyncset.done $0x0  }
0x280: {  	s30 =	rddreg [dreg:$0x9];
	[sflag:s15] =	ssyncadd.s32 $0xFFFFC000  }
0x281: {  	[hbm4b:s30+s3] =	stream.linear.scatter [tilespmem:s17], [sflag:$0x2], $0x4000, $0x38;
	[tilespmem:$0x1CC00] =	vst v63  }
0x282: {  	_ =	swait.ge [sflag:s21], $0x4000  }
0x283: {  	[sflag:s21] =	ssyncset.done $0x0  }
0x284: {  	[sflag:s21] =	ssyncadd.s32 $0xFFFFC000  }
0x285: {  	[tilespmem:s3], [sflag:$0x1] =	stream.indirect.gather [hbm4b:s19+s8], $0x80, s25, s8, $0xb8;
	[tilespmem:$0x1CC00] =	vst v63  }
0x286: {  	_ =	swait.ge [sflag:s15], $0x4000  }
0x287: {  	[sflag:s15] =	ssyncset.done $0x0  }
0x288: {  	s31 =	rddreg [dreg:$0xa];
	[sflag:s15] =	ssyncadd.s32 $0xFFFFC000  }
0x289: {  	[hbm4b:s31+s3] =	stream.linear.scatter [tilespmem:s3], [sflag:$0x2], $0x4000, $0x38;
	[tilespmem:$0x1CC00] =	vst v63  }
0x28a: {  	_ =	swait.ge [sflag:s21], $0x4000  }
0x28b: {  	[sflag:s21] =	ssyncset.done $0x0  }
0x28c: {  	[sflag:s21] =	ssyncadd.s32 $0xFFFFC000  }
0x28d: {  	[tilespmem:s17], [sflag:$0x1] =	stream.indirect.gather [hbm4b:s19+s8], $0x80, s24, s8, $0xb8;
	[tilespmem:$0x1CC00] =	vst v63  }
0x28e: {  	_ =	swait.ge [sflag:s15], $0x4000  }
0x28f: {  	[sflag:s15] =	ssyncset.done $0x0  }
0x290: {  	s24 =	rddreg [dreg:$0xb];
	[sflag:s15] =	ssyncadd.s32 $0xFFFFC000  }
0x291: {  	[hbm4b:s24+s3] =	stream.linear.scatter [tilespmem:s17], [sflag:$0x2], $0x4000, $0x38;
	[tilespmem:$0x1CC00] =	vst v63  }
0x292: {  	_ =	swait.ge [sflag:s21], $0x4000  }
0x293: {  	[sflag:s21] =	ssyncset.done $0x0  }
0x294: {  	[sflag:s21] =	ssyncadd.s32 $0xFFFFC000  }
0x295: {  	[tilespmem:s3], [sflag:$0x1] =	stream.indirect.gather [hbm4b:s19+s8], $0x80, s23, s8, $0xb8;
	[tilespmem:$0x1CC00] =	vst v63  }
0x296: {  	_ =	swait.ge [sflag:s15], $0x4000  }
0x297: {  	[sflag:s15] =	ssyncset.done $0x0  }
0x298: {  	s25 =	rddreg [dreg:$0xc];
	[sflag:s15] =	ssyncadd.s32 $0xFFFFC000  }
0x299: {  	[hbm4b:s25+s3] =	stream.linear.scatter [tilespmem:s3], [sflag:$0x2], $0x4000, $0x38;
	[tilespmem:$0x1CC00] =	vst v63  }
0x29a: {  	_ =	swait.ge [sflag:s21], $0x4000  }
0x29b: {  	[sflag:s21] =	ssyncset.done $0x0  }
0x29c: {  	[sflag:s21] =	ssyncadd.s32 $0xFFFFC000  }
0x29d: {  	[tilespmem:s17], [sflag:$0x1] =	stream.indirect.gather [hbm4b:s19+s8], $0x80, s22, s8, $0xb8;
	[tilespmem:$0x1CC00] =	vst v63  }
0x29e: {  	_ =	swait.ge [sflag:s15], $0x4000  }
0x29f: {  	[sflag:s15] =	ssyncset.done $0x0  }
0x2a0: {  	s26 =	rddreg [dreg:$0xd];
	[sflag:s15] =	ssyncadd.s32 $0xFFFFC000  }
0x2a1: {  	[hbm4b:s26+s3] =	stream.linear.scatter [tilespmem:s17], [sflag:$0x2], $0x4000, $0x38;
	[tilespmem:$0x1CC00] =	vst v63  }
0x2a2: {  	_ =	swait.ge [sflag:s21], $0x4000  }
0x2a3: {  	[sflag:s21] =	ssyncset.done $0x0  }
0x2a4: {  	[sflag:s21] =	ssyncadd.s32 $0xFFFFC000  }
0x2a5: {  	_ =	swait.ge [sflag:s21], $0x4000  }
0x2a6: {  	[sflag:s21] =	ssyncset.done $0x0  }
0x2a7: {  	s28 =	rddreg [dreg:$0xe];
	[sflag:s21] =	ssyncadd.s32 $0xFFFFC000  }
0x2a8: {  	[tilespmem:s10], [sflag:$0x4] =	stream.linear.gather [hbm4b:s28+s3], $0x400, $0x38;
	[tilespmem:$0x1CC00] =	vst v63  }
0x2a9: {  	_ =	swait.ge [sflag:s5], $0x400  }
0x2aa: {  	s29 =	sshll.u32 s0, $0x6;
	[sflag:s5] =	ssyncset.done $0x0  }
0x2ab: {  	s19 =	sor.u32 $0x1C04, s29;
	[sflag:s5] =	ssyncadd.s32 $0xFFFFFC00  }
0x2ac: {  	[spmem:s7], [sflag:s19] =	dma.local [hbm:s4], $0x2800  }
0x2ad: {  	_ =	swait.ge [sflag:s5], $0x2800  }
0x2ae: {  	[sflag:s5] =	ssyncset.done $0x0  }
0x2af: {  	[sflag:s5] =	ssyncadd.s32 $0xFFFFD800  }
0x2b0: {  	[bflag:$0x0] =	sbarrier.arrive $0xFFFF  }
0x2b1: {  	[tilespmem:s3], [sflag:$0x1] =	stream.linear.gather [hbm4b:s18+s3], $0x4000, $0x38;
	[tilespmem:$0x1CC00] =	vst v63  }
0x2b2: {  	_ =	swait.ge [sflag:s15], $0x4000  }
0x2b3: {  	[sflag:s15] =	ssyncset.done $0x0  }
0x2b4: {  	[sflag:s15] =	ssyncadd.s32 $0xFFFFC000  }
0x2b5: {  	[spmem:s2] =	stream.indirect.scatter.add.f32 [tilespmem:s3], [sflag:$0x3], $0x80, s10, s8, $0xb8;
	[tilespmem:$0x1CC00] =	vst v63  }
0x2b6: {  	s30 =	rddreg [dreg:$0xf]  }
0x2b7: {  	[tilespmem:s17], [sflag:$0x1] =	stream.linear.gather [hbm4b:s30+s3], $0x4000, $0x38;
	[tilespmem:$0x1CC00] =	vst v63  }
0x2b8: {  	_ =	swait.ge [sflag:s15], $0x4000  }
0x2b9: {  	[sflag:s15] =	ssyncset.done $0x0  }
0x2ba: {  	[sflag:s15] =	ssyncadd.s32 $0xFFFFC000  }
0x2bb: {  	[spmem:s2] =	stream.indirect.scatter.add.f32 [tilespmem:s17], [sflag:$0x3], $0x80, s11, s8, $0xb8;
	[tilespmem:$0x1CC00] =	vst v63  }
0x2bc: {  	_ =	swait.ge [sflag:s9], $0x4000  }
0x2bd: {  	[sflag:s9] =	ssyncset.done $0x0  }
0x2be: {  	s31 =	rddreg [dreg:$0x10];
	[sflag:s9] =	ssyncadd.s32 $0xFFFFC000  }
0x2bf: {  	[tilespmem:s3], [sflag:$0x1] =	stream.linear.gather [hbm4b:s31+s3], $0x4000, $0x38;
	[tilespmem:$0x1CC00] =	vst v63  }
0x2c0: {  	_ =	swait.ge [sflag:s15], $0x4000  }
0x2c1: {  	[sflag:s15] =	ssyncset.done $0x0  }
0x2c2: {  	[sflag:s15] =	ssyncadd.s32 $0xFFFFC000  }
0x2c3: {  	[spmem:s2] =	stream.indirect.scatter.add.f32 [tilespmem:s3], [sflag:$0x3], $0x80, s12, s8, $0xb8;
	[tilespmem:$0x1CC00] =	vst v63  }
0x2c4: {  	_ =	swait.ge [sflag:s9], $0x4000  }
0x2c5: {  	[sflag:s9] =	ssyncset.done $0x0  }
0x2c6: {  	s20 =	rddreg [dreg:$0x11];
	[sflag:s9] =	ssyncadd.s32 $0xFFFFC000  }
0x2c7: {  	[tilespmem:s17], [sflag:$0x1] =	stream.linear.gather [hbm4b:s20+s3], $0x4000, $0x38;
	[tilespmem:$0x1CC00] =	vst v63  }
0x2c8: {  	_ =	swait.ge [sflag:s15], $0x4000  }
0x2c9: {  	[sflag:s15] =	ssyncset.done $0x0  }
0x2ca: {  	[sflag:s15] =	ssyncadd.s32 $0xFFFFC000  }
0x2cb: {  	[spmem:s2] =	stream.indirect.scatter.add.f32 [tilespmem:s17], [sflag:$0x3], $0x80, s13, s8, $0xb8;
	[tilespmem:$0x1CC00] =	vst v63  }
0x2cc: {  	_ =	swait.ge [sflag:s9], $0x4000  }
0x2cd: {  	[sflag:s9] =	ssyncset.done $0x0  }
0x2ce: {  	s21 =	rddreg [dreg:$0x12];
	[sflag:s9] =	ssyncadd.s32 $0xFFFFC000  }
0x2cf: {  	[tilespmem:s3], [sflag:$0x1] =	stream.linear.gather [hbm4b:s21+s3], $0x4000, $0x38;
	[tilespmem:$0x1CC00] =	vst v63  }
0x2d0: {  	_ =	swait.ge [sflag:s15], $0x4000  }
0x2d1: {  	[sflag:s15] =	ssyncset.done $0x0  }
0x2d2: {  	[sflag:s15] =	ssyncadd.s32 $0xFFFFC000  }
0x2d3: {  	[spmem:s2] =	stream.indirect.scatter.add.f32 [tilespmem:s3], [sflag:$0x3], $0x80, s14, s8, $0xb8;
	[tilespmem:$0x1CC00] =	vst v63  }
0x2d4: {  	_ =	swait.ge [sflag:s9], $0x4000  }
0x2d5: {  	[sflag:s9] =	ssyncset.done $0x0  }
0x2d6: {  	[sflag:s9] =	ssyncadd.s32 $0xFFFFC000  }
0x2d7: {  	_ =	swait.ge [sflag:s9], $0x4000  }
0x2d8: {  	[sflag:s9] =	ssyncset.done $0x0  }
0x2d9: {  	[sflag:s9] =	ssyncadd.s32 $0xFFFFC000  }
0x2da: {  	[bflag:$0x0] =	sbarrier.arrive $0xFFFF  }
0x2db: {  	s22 =	rddreg [dreg:$0x13]  }
0x2dc: {  	[hbm:s22], [sflag:s19] =	dma.local [spmem:s7], $0x2800  }
0x2dd: {  	_ =	swait.ge [sflag:s5], $0x2800  }
0x2de: {  	[sflag:s5] =	ssyncset.done $0x0  }
0x2df: {  	[sflag:s5] =	ssyncadd.s32 $0xFFFFD800  }
0x2e0: {  	[spmem:s7], [sflag:s19] =	dma.local [hbm:s4], $0x2800  }
0x2e1: {  	_ =	swait.ge [sflag:s5], $0x2800  }
0x2e2: {  	[sflag:s5] =	ssyncset.done $0x0  }
0x2e3: {  	[sflag:s5] =	ssyncadd.s32 $0xFFFFD800  }
0x2e4: {  	[bflag:$0x0] =	sbarrier.arrive $0xFFFF  }
0x2e5: {  	[tilespmem:s3], [sflag:$0x4] =	stream.linear.gather [hbm4b:s6+s3], $0x4000, $0x38;
	[tilespmem:$0x1CC00] =	vst v63  }
0x2e6: {  	_ =	swait.ge [sflag:s5], $0x4000  }
0x2e7: {  	[sflag:s5] =	ssyncset.done $0x0  }
0x2e8: {  	[sflag:s5] =	ssyncadd.s32 $0xFFFFC000  }
0x2e9: {  	[spmem:s2] =	stream.indirect.scatter.add.f32 [tilespmem:s3], [sflag:$0x3], $0x80, s10, s8, $0xb8;
	[tilespmem:$0x1CC00] =	vst v63  }
0x2ea: {  	_ = 	snop  }
0x2eb: {  	[spmem:s2] =	stream.indirect.scatter.add.f32 [tilespmem:s3], [sflag:$0x3], $0x80, s11, s8, $0xb8;
	[tilespmem:$0x1CC00] =	vst v63  }
0x2ec: {  	_ = 	snop  }
0x2ed: {  	[spmem:s2] =	stream.indirect.scatter.add.f32 [tilespmem:s3], [sflag:$0x3], $0x80, s12, s8, $0xb8;
	[tilespmem:$0x1CC00] =	vst v63  }
0x2ee: {  	_ = 	snop  }
0x2ef: {  	[spmem:s2] =	stream.indirect.scatter.add.f32 [tilespmem:s3], [sflag:$0x3], $0x80, s13, s8, $0xb8;
	[tilespmem:$0x1CC00] =	vst v63  }
0x2f0: {  	_ = 	snop  }
0x2f1: {  	[spmem:s2] =	stream.indirect.scatter.add.f32 [tilespmem:s3], [sflag:$0x3], $0x80, s14, s8, $0xb8;
	[tilespmem:$0x1CC00] =	vst v63  }
0x2f2: {  	_ =	swait.ge [sflag:s9], $0x4000  }
0x2f3: {  	[sflag:s9] =	ssyncset.done $0x0  }
0x2f4: {  	[sflag:s9] =	ssyncadd.s32 $0xFFFFC000  }
0x2f5: {  	_ =	swait.ge [sflag:s9], $0x4000  }
0x2f6: {  	[sflag:s9] =	ssyncset.done $0x0  }
0x2f7: {  	[sflag:s9] =	ssyncadd.s32 $0xFFFFC000  }
0x2f8: {  	_ =	swait.ge [sflag:s9], $0x4000  }
0x2f9: {  	[sflag:s9] =	ssyncset.done $0x0  }
0x2fa: {  	[sflag:s9] =	ssyncadd.s32 $0xFFFFC000  }
0x2fb: {  	_ =	swait.ge [sflag:s9], $0x4000  }
0x2fc: {  	[sflag:s9] =	ssyncset.done $0x0  }
0x2fd: {  	[sflag:s9] =	ssyncadd.s32 $0xFFFFC000  }
0x2fe: {  	_ =	swait.ge [sflag:s9], $0x4000  }
0x2ff: {  	[sflag:s9] =	ssyncset.done $0x0  }
0x300: {  	[sflag:s9] =	ssyncadd.s32 $0xFFFFC000  }
0x301: {  	[bflag:$0x0] =	sbarrier.arrive $0xFFFF  }
0x302: {  	s23 =	rddreg [dreg:$0x14]  }
0x303: {  	[hbm:s23], [sflag:s19] =	dma.local [spmem:s7], $0x2800  }
0x304: {  	_ =	swait.ge [sflag:s5], $0x2800  }
0x305: {  	[sflag:s5] =	ssyncset.done $0x0  }
0x306: {  	s24 =	rddreg [dreg:$0x15];
	[sflag:s5] =	ssyncadd.s32 $0xFFFFD800  }
0x307: {  	[tilespmem:s10], [sflag:$0x4] =	stream.linear.gather [hbm4b:s24+s3], $0x400, $0x38;
	[tilespmem:$0x1CC00] =	vst v63  }
0x308: {  	_ =	swait.ge [sflag:s5], $0x400  }
0x309: {  	[sflag:s5] =	ssyncset.done $0x0  }
0x30a: {  	[sflag:s5] =	ssyncadd.s32 $0xFFFFFC00  }
0x30b: {  	[spmem:s7], [sflag:s19] =	dma.local [hbm:s4], $0x2800  }
0x30c: {  	_ =	swait.ge [sflag:s5], $0x2800  }
0x30d: {  	[sflag:s5] =	ssyncset.done $0x0  }
0x30e: {  	[sflag:s5] =	ssyncadd.s32 $0xFFFFD800  }
0x30f: {  	[bflag:$0x0] =	sbarrier.arrive $0xFFFF  }
0x310: {  	[tilespmem:s3], [sflag:$0x1] =	stream.linear.gather [hbm4b:s16+s3], $0x4000, $0x38;
	[tilespmem:$0x1CC00] =	vst v63  }
0x311: {  	_ =	swait.ge [sflag:s15], $0x4000  }
0x312: {  	[sflag:s15] =	ssyncset.done $0x0  }
0x313: {  	[sflag:s15] =	ssyncadd.s32 $0xFFFFC000  }
0x314: {  	[spmem:s2] =	stream.indirect.scatter.add.f32 [tilespmem:s3], [sflag:$0x3], $0x80, s10, s8, $0xb8;
	[tilespmem:$0x1CC00] =	vst v63  }
0x315: {  	s25 =	rddreg [dreg:$0x16]  }
0x316: {  	[tilespmem:s17], [sflag:$0x1] =	stream.linear.gather [hbm4b:s25+s3], $0x4000, $0x38;
	[tilespmem:$0x1CC00] =	vst v63  }
0x317: {  	_ =	swait.ge [sflag:s15], $0x4000  }
0x318: {  	[sflag:s15] =	ssyncset.done $0x0  }
0x319: {  	[sflag:s15] =	ssyncadd.s32 $0xFFFFC000  }
0x31a: {  	[spmem:s2] =	stream.indirect.scatter.add.f32 [tilespmem:s17], [sflag:$0x3], $0x80, s11, s8, $0xb8;
	[tilespmem:$0x1CC00] =	vst v63  }
0x31b: {  	_ =	swait.ge [sflag:s9], $0x4000  }
0x31c: {  	[sflag:s9] =	ssyncset.done $0x0  }
0x31d: {  	s26 =	rddreg [dreg:$0x17];
	[sflag:s9] =	ssyncadd.s32 $0xFFFFC000  }
0x31e: {  	[tilespmem:s3], [sflag:$0x1] =	stream.linear.gather [hbm4b:s26+s3], $0x4000, $0x38;
	[tilespmem:$0x1CC00] =	vst v63  }
0x31f: {  	_ =	swait.ge [sflag:s15], $0x4000  }
0x320: {  	[sflag:s15] =	ssyncset.done $0x0  }
0x321: {  	[sflag:s15] =	ssyncadd.s32 $0xFFFFC000  }
0x322: {  	[spmem:s2] =	stream.indirect.scatter.add.f32 [tilespmem:s3], [sflag:$0x3], $0x80, s12, s8, $0xb8;
	[tilespmem:$0x1CC00] =	vst v63  }
0x323: {  	_ =	swait.ge [sflag:s9], $0x4000  }
0x324: {  	[sflag:s9] =	ssyncset.done $0x0  }
0x325: {  	s28 =	rddreg [dreg:$0x18];
	[sflag:s9] =	ssyncadd.s32 $0xFFFFC000  }
0x326: {  	[tilespmem:s17], [sflag:$0x1] =	stream.linear.gather [hbm4b:s28+s3], $0x4000, $0x38;
	[tilespmem:$0x1CC00] =	vst v63  }
0x327: {  	_ =	swait.ge [sflag:s15], $0x4000  }
0x328: {  	[sflag:s15] =	ssyncset.done $0x0  }
0x329: {  	[sflag:s15] =	ssyncadd.s32 $0xFFFFC000  }
0x32a: {  	[spmem:s2] =	stream.indirect.scatter.add.f32 [tilespmem:s17], [sflag:$0x3], $0x80, s13, s8, $0xb8;
	[tilespmem:$0x1CC00] =	vst v63  }
0x32b: {  	_ =	swait.ge [sflag:s9], $0x4000  }
0x32c: {  	[sflag:s9] =	ssyncset.done $0x0  }
0x32d: {  	s29 =	rddreg [dreg:$0x19];
	[sflag:s9] =	ssyncadd.s32 $0xFFFFC000  }
0x32e: {  	[tilespmem:s3], [sflag:$0x1] =	stream.linear.gather [hbm4b:s29+s3], $0x4000, $0x38;
	[tilespmem:$0x1CC00] =	vst v63  }
0x32f: {  	_ =	swait.ge [sflag:s15], $0x4000  }
0x330: {  	[sflag:s15] =	ssyncset.done $0x0  }
0x331: {  	[sflag:s15] =	ssyncadd.s32 $0xFFFFC000  }
0x332: {  	[spmem:s2] =	stream.indirect.scatter.add.f32 [tilespmem:s3], [sflag:$0x3], $0x80, s14, s8, $0xb8;
	[tilespmem:$0x1CC00] =	vst v63  }
0x333: {  	_ =	swait.ge [sflag:s9], $0x4000  }
0x334: {  	[sflag:s9] =	ssyncset.done $0x0  }
0x335: {  	[sflag:s9] =	ssyncadd.s32 $0xFFFFC000  }
0x336: {  	_ =	swait.ge [sflag:s9], $0x4000  }
0x337: {  	[sflag:s9] =	ssyncset.done $0x0  }
0x338: {  	[sflag:s9] =	ssyncadd.s32 $0xFFFFC000  }
0x339: {  	[bflag:$0x0] =	sbarrier.arrive $0xFFFF  }
0x33a: {  	s30 =	rddreg [dreg:$0x1a]  }
0x33b: {  	[hbm:s30], [sflag:s19] =	dma.local [spmem:s7], $0x2800  }
0x33c: {  	_ =	swait.ge [sflag:s5], $0x2800  }
0x33d: {  	[sflag:s5] =	ssyncset.done $0x0  }
0x33e: {  	[sflag:s5] =	ssyncadd.s32 $0xFFFFD800  }
0x33f: {  	[spmem:s7], [sflag:s19] =	dma.local [hbm:s4], $0x2800  }
0x340: {  	_ =	swait.ge [sflag:s5], $0x2800  }
0x341: {  	[sflag:s5] =	ssyncset.done $0x0  }
0x342: {  	[sflag:s5] =	ssyncadd.s32 $0xFFFFD800  }
0x343: {  	[bflag:$0x0] =	sbarrier.arrive $0xFFFF  }
0x344: {  	[tilespmem:s3], [sflag:$0x4] =	stream.linear.gather [hbm4b:s6+s3], $0x4000, $0x38;
	[tilespmem:$0x1CC00] =	vst v63  }
0x345: {  	_ =	swait.ge [sflag:s5], $0x4000  }
0x346: {  	[sflag:s5] =	ssyncset.done $0x0  }
0x347: {  	[sflag:s5] =	ssyncadd.s32 $0xFFFFC000  }
0x348: {  	[spmem:s2] =	stream.indirect.scatter.add.f32 [tilespmem:s3], [sflag:$0x3], $0x80, s10, s8, $0xb8;
	[tilespmem:$0x1CC00] =	vst v63  }
0x349: {  	_ = 	snop  }
0x34a: {  	[spmem:s2] =	stream.indirect.scatter.add.f32 [tilespmem:s3], [sflag:$0x3], $0x80, s11, s8, $0xb8;
	[tilespmem:$0x1CC00] =	vst v63  }
0x34b: {  	_ = 	snop  }
0x34c: {  	[spmem:s2] =	stream.indirect.scatter.add.f32 [tilespmem:s3], [sflag:$0x3], $0x80, s12, s8, $0xb8;
	[tilespmem:$0x1CC00] =	vst v63  }
0x34d: {  	_ = 	snop  }
0x34e: {  	[spmem:s2] =	stream.indirect.scatter.add.f32 [tilespmem:s3], [sflag:$0x3], $0x80, s13, s8, $0xb8;
	[tilespmem:$0x1CC00] =	vst v63  }
0x34f: {  	_ = 	snop  }
0x350: {  	[spmem:s2] =	stream.indirect.scatter.add.f32 [tilespmem:s3], [sflag:$0x3], $0x80, s14, s8, $0xb8;
	[tilespmem:$0x1CC00] =	vst v63  }
0x351: {  	_ =	swait.ge [sflag:s9], $0x4000  }
0x352: {  	[sflag:s9] =	ssyncset.done $0x0  }
0x353: {  	[sflag:s9] =	ssyncadd.s32 $0xFFFFC000  }
0x354: {  	_ =	swait.ge [sflag:s9], $0x4000  }
0x355: {  	[sflag:s9] =	ssyncset.done $0x0  }
0x356: {  	[sflag:s9] =	ssyncadd.s32 $0xFFFFC000  }
0x357: {  	_ =	swait.ge [sflag:s9], $0x4000  }
0x358: {  	[sflag:s9] =	ssyncset.done $0x0  }
0x359: {  	[sflag:s9] =	ssyncadd.s32 $0xFFFFC000  }
0x35a: {  	_ =	swait.ge [sflag:s9], $0x4000  }
0x35b: {  	[sflag:s9] =	ssyncset.done $0x0  }
0x35c: {  	[sflag:s9] =	ssyncadd.s32 $0xFFFFC000  }
0x35d: {  	_ =	swait.ge [sflag:s9], $0x4000  }
0x35e: {  	[sflag:s9] =	ssyncset.done $0x0  }
0x35f: {  	[sflag:s9] =	ssyncadd.s32 $0xFFFFC000  }
0x360: {  	[bflag:$0x0] =	sbarrier.arrive $0xFFFF  }
0x361: {  	s31 =	rddreg [dreg:$0x1b]  }
0x362: {  	[hbm:s31], [sflag:s19] =	dma.local [spmem:s7], $0x2800  }
0x363: {  	_ =	swait.ge [sflag:s5], $0x2800  }
0x364: {  	[sflag:s5] =	ssyncset.done $0x0  }
0x365: {  	[sflag:s5] =	ssyncadd.s32 $0xFFFFD800  }
0x366: {  	_ =	sfence.sel $0x180000  }
0x367: {  	[bflag:$0x0] =	sbarrier.arrive $0xFFFF  }
0x368: {  	p0 =	sne.s32 s0, $0x0;
	_ =	strace $0x90000047  }
0x369: {  	s0 =	sadd.s32 @!p0 $0x100000, s1;
	[bflag:$0x2] =	sbarrier.arrive $0xFFFF  }
0x36a: {  	[sflag:s0] =	ssyncadd.tile.s32 @!p0 $0x1;
	_ =	shalt  }
.Lfunc_end2:
_tile_overlayer_lowered:
.L_overlay_start_2:
0x36b: {  	(tag) =	ssettag $0x2  }
0x36c: {  	s0 =	rddreg [dreg:$0x0];
	s2 =	stileid.u32  }
0x36d: {  	s1 =	rddreg [dreg:$0x1];
	p0 =	sne.s32 s2, $0x0  }
0x36e: {  	s3 =	rddreg [dreg:$0x2];
	[bflag:$0x3] =	sbarrier.arrive $0xFFFF;
	s2 =	simm.s32 @!p0 $0x1C04  }
0x36f: {  	[timem:s3], [sflag:s2] =	dma.local @!p0 [hbm:s0], s1  }
0x370: {  	s0 =	simm.s32 @!p0 $0x4  }
0x371: {  	_ =	swait.ge @!p0 [sflag:s0], s1  }
0x372: {  	s1 =	ssub.s32 @!p0 $0x0, s1;
	[sflag:s0] =	ssyncset.done @!p0 $0x0  }
0x373: {  	[sflag:s0] =	ssyncadd.s32 @!p0 s1  }
0x374: {  	[bflag:$0x3] =	sbarrier.arrive $0xFFFF  }
0x375: {  	_ =	shalt  }

</sc_bundles>
